<compile_context>
chip_gen: v7x
topology: tpu7x:2x2x1
jax: 0.10.2.dev20260603
libtpu: 0.0.44.dev20260713+nightly
codegen_flags: <defaults>
</compile_context>

<pallas_src>
import functools

import jax
import jax.numpy as jnp
from jax import lax
from jax.experimental import pallas as pl
from jax.experimental.pallas import tpu as pltpu
from jax.experimental.pallas import tpu_sc as plsc

N = 10000
NPAD = 10240
E = 320000
NW = 32
CB = 1000
KB = (E // NW) // CB
STRIPE = NPAD // 16
DEGW = 8
BT = 5000
DIN = 128
DH = 32


def _sc_mesh():
    return plsc.VectorSubcoreMesh(core_axis_name="c", subcore_axis_name="s")


def _sc_agg(g_pad, src3, dst3, z32):

    @functools.partial(
        pl.kernel,
        out_type=jax.ShapeDtypeStruct((2, NPAD, DH), jnp.float32),
        mesh=_sc_mesh(),
        compiler_params=pltpu.CompilerParams(use_tc_tiling_on_sc=False),
        scratch_types=[
            pltpu.VMEM((KB, CB), jnp.int32),
            pltpu.VMEM((KB, CB), jnp.int32),
            pltpu.VMEM((CB, DH), jnp.float32),
            pltpu.VMEM((CB, DH), jnp.float32),
            pltpu.VMEM_SHARED((NPAD, DH), jnp.float32),
            pltpu.VMEM_SHARED((NPAD, DH), jnp.float32),
            pltpu.SemaphoreType.DMA,
            pltpu.SemaphoreType.DMA,
            pltpu.SemaphoreType.DMA,
            pltpu.SemaphoreType.DMA,
        ],
    )
    def k(g_hbm, src_hbm, dst_hbm, z_hbm, out_hbm, src_v, dst_v,
          r0, r1, acc, g_sp, gsem0, gsem1, ssem0, ssem1):
        r = (r0, r1)
        gsem = (gsem0, gsem1)
        ssem = (ssem0, ssem1)
        c = lax.axis_index("c")
        s = lax.axis_index("s")
        wid = c * 16 + s
        pltpu.sync_copy(z_hbm.at[pl.ds(s * STRIPE, STRIPE)],
                        acc.at[pl.ds(s * STRIPE, STRIPE)])
        pltpu.sync_copy(g_hbm.at[pl.ds(s * STRIPE, STRIPE)],
                        g_sp.at[pl.ds(s * STRIPE, STRIPE)])
        pltpu.sync_copy(src_hbm.at[wid], src_v)
        pltpu.sync_copy(dst_hbm.at[wid], dst_v)
        plsc.subcore_barrier()

        def gather(jj, b):
            pltpu.async_copy(g_sp.at[src_v.at[jj]], r[b], gsem[b])

        def wait_gather(jj, b):
            pltpu.make_async_copy(g_sp.at[src_v.at[jj]], r[b], gsem[b]).wait()

        def scatter(jj, b):
            pltpu.async_copy(r[b], acc.at[dst_v.at[jj]], ssem[b], add=True)

        def wait_scatter(jj, b):
            pltpu.make_async_copy(r[b], acc.at[dst_v.at[jj]], ssem[b]).wait()

        gather(0, 0)
        wait_gather(0, 0); gather(1, 1); scatter(0, 0)
        wait_gather(1, 1); wait_scatter(0, 0); gather(2, 0); scatter(1, 1)

        def body(ii, carry):
            jj = ii * 2
            wait_gather(jj, 0); wait_scatter(jj - 1, 1)
            gather(jj + 1, 1); scatter(jj, 0)
            wait_gather(jj + 1, 1); wait_scatter(jj, 0)
            gather(jj + 2, 0); scatter(jj + 1, 1)
            return carry

        lax.fori_loop(1, KB // 2 - 1, body, 0)

        jj = KB - 2
        wait_gather(jj, 0); wait_scatter(jj - 1, 1); gather(jj + 1, 1); scatter(jj, 0)
        wait_gather(jj + 1, 1); wait_scatter(jj, 0); scatter(jj + 1, 1)
        wait_scatter(jj + 1, 1)
        plsc.subcore_barrier()
        pltpu.sync_copy(acc.at[pl.ds(s * STRIPE, STRIPE)],
                        out_hbm.at[c, pl.ds(s * STRIPE, STRIPE)])

    return k(g_pad, src3, dst3, z32)


def _sc_deg(dst3, ones_c, z8):

    @functools.partial(
        pl.kernel,
        out_type=jax.ShapeDtypeStruct((2, NPAD, DEGW), jnp.float32),
        mesh=_sc_mesh(),
        compiler_params=pltpu.CompilerParams(use_tc_tiling_on_sc=False),
        scratch_types=[
            pltpu.VMEM((KB, CB), jnp.int32),
            pltpu.VMEM((CB, DEGW), jnp.float32),
            pltpu.VMEM_SHARED((NPAD, DEGW), jnp.float32),
            pltpu.SemaphoreType.DMA,
        ],
    )
    def k(dst_hbm, ones_hbm, z_hbm, out_hbm, dst_v, ones_v, acc, sem):
        c = lax.axis_index("c")
        s = lax.axis_index("s")
        wid = c * 16 + s
        pltpu.sync_copy(z_hbm.at[pl.ds(s * STRIPE, STRIPE)],
                        acc.at[pl.ds(s * STRIPE, STRIPE)])
        pltpu.sync_copy(dst_hbm.at[wid], dst_v)
        pltpu.sync_copy(ones_hbm, ones_v)
        plsc.subcore_barrier()

        def body(jj, carry):
            pltpu.async_copy(ones_v, acc.at[dst_v.at[jj]], sem, add=True)
            return carry

        lax.fori_loop(0, KB, body, 0)

        def drain(jj, carry):
            pltpu.make_async_copy(ones_v, acc.at[dst_v.at[0]], sem).wait()
            return carry

        lax.fori_loop(0, KB, drain, 0)
        plsc.subcore_barrier()
        pltpu.sync_copy(acc.at[pl.ds(s * STRIPE, STRIPE)],
                        out_hbm.at[c, pl.ds(s * STRIPE, STRIPE)])

    return k(dst3, ones_c, z8)


def _wspec(shape):
    return pl.BlockSpec(shape, lambda i: tuple(0 for _ in shape))


def _tc_embed(x, We1, be1, We2, be2):
    def body(x_ref, w1, b1, w2, b2, o_ref):
        h = jnp.tanh(x_ref[...] @ w1[...] + b1[...])
        o_ref[...] = jnp.tanh(h @ w2[...] + b2[...])

    return pl.pallas_call(
        body,
        grid=(N // BT,),
        in_specs=[
            pl.BlockSpec((BT, DIN), lambda i: (i, 0)),
            _wspec((DIN, 64)),
            _wspec((1, 64)),
            _wspec((64, DH)),
            _wspec((1, DH)),
        ],
        out_specs=pl.BlockSpec((BT, DH), lambda i: (i, 0)),
        out_shape=jax.ShapeDtypeStruct((N, DH), jnp.float32),
    )(x, We1, be1, We2, be2)


def _dinv_of(deg_ref):
    d = deg_ref[...]
    dsum = d[0][:, 0:1] + d[1][:, 0:1] + 1.0
    return lax.rsqrt(dsum)


def _tc_pre1(deg, h0, Wg1):

    def body(deg_ref, h_ref, w_ref, o_ref):
        dinv = _dinv_of(deg_ref)
        o_ref[...] = dinv * (h_ref[...] @ w_ref[...])

    return pl.pallas_call(
        body,
        grid=(N // BT,),
        in_specs=[
            pl.BlockSpec((2, BT, DEGW), lambda i: (0, i, 0)),
            pl.BlockSpec((BT, DH), lambda i: (i, 0)),
            _wspec((DH, DH)),
        ],
        out_specs=pl.BlockSpec((BT, DH), lambda i: (i, 0)),
        out_shape=jax.ShapeDtypeStruct((NPAD, DH), jnp.float32),
    )(deg, h0, Wg1)


def _tc_mid(deg, A, g, b, Wnext):

    def body(deg_ref, a_ref, g_ref, b_ref, w_ref, o_ref):
        dinv = _dinv_of(deg_ref)
        a = a_ref[...]
        s = a[0] + a[1] + g_ref[...]
        h = jnp.maximum(dinv * s + b_ref[...], 0.0)
        o_ref[...] = dinv * (h @ w_ref[...])

    return pl.pallas_call(
        body,
        grid=(N // BT,),
        in_specs=[
            pl.BlockSpec((2, BT, DEGW), lambda i: (0, i, 0)),
            pl.BlockSpec((2, BT, DH), lambda i: (0, i, 0)),
            pl.BlockSpec((BT, DH), lambda i: (i, 0)),
            _wspec((1, DH)),
            _wspec((DH, DH)),
        ],
        out_specs=pl.BlockSpec((BT, DH), lambda i: (i, 0)),
        out_shape=jax.ShapeDtypeStruct((NPAD, DH), jnp.float32),
    )(deg, A, g, b, Wnext)


def _tc_final(deg, A, g, bg3, Wp1, bp1, Wp2, bp2, priors):
    def body(deg_ref, a_ref, g_ref, b3_ref, w1_ref, b1_ref, w2_ref, b2_ref,
             p_ref, o_ref):
        dinv = _dinv_of(deg_ref)
        a = a_ref[...]
        s = a[0] + a[1] + g_ref[...]
        h = jnp.maximum(dinv * s + b3_ref[...], 0.0)
        t = jnp.tanh(h @ w1_ref[...] + b1_ref[...])
        o_ref[...] = jnp.tanh(t @ w2_ref[...] + b2_ref[...]) + p_ref[...]

    return pl.pallas_call(
        body,
        grid=(N // BT,),
        in_specs=[
            pl.BlockSpec((2, BT, DEGW), lambda i: (0, i, 0)),
            pl.BlockSpec((2, BT, DH), lambda i: (0, i, 0)),
            pl.BlockSpec((BT, DH), lambda i: (i, 0)),
            _wspec((1, DH)),
            _wspec((DH, DH)),
            _wspec((1, DH)),
            _wspec((DH, 16)),
            _wspec((1, 16)),
            pl.BlockSpec((BT, 16), lambda i: (i, 0)),
        ],
        out_specs=pl.BlockSpec((BT, 16), lambda i: (i, 0)),
        out_shape=jax.ShapeDtypeStruct((N, 16), jnp.float32),
    )(deg, A, g, bg3, Wp1, bp1, Wp2, bp2, priors)


def kernel(x, edge_index, priors, We1, be1, We2, be2, Wg1, bg1, Wg2, bg2,
           Wg3, bg3, Wp1, bp1, Wp2, bp2):
    src3 = edge_index[0].reshape(NW, KB, CB)
    dst3 = edge_index[1].reshape(NW, KB, CB)
    z32 = jnp.zeros((NPAD, DH), jnp.float32)
    z8 = jnp.zeros((NPAD, DEGW), jnp.float32)
    ones_c = jnp.ones((CB, DEGW), jnp.float32)

    deg = _sc_deg(dst3, ones_c, z8)
    h0 = _tc_embed(x, We1, be1.reshape(1, -1), We2, be2.reshape(1, -1))

    g1 = _tc_pre1(deg, h0, Wg1)
    A1 = _sc_agg(g1, src3, dst3, z32)
    g2 = _tc_mid(deg, A1, g1, bg1.reshape(1, -1), Wg2)
    A2 = _sc_agg(g2, src3, dst3, z32)
    g3 = _tc_mid(deg, A2, g2, bg2.reshape(1, -1), Wg3)
    A3 = _sc_agg(g3, src3, dst3, z32)
    out = _tc_final(deg, A3, g3, bg3.reshape(1, -1), Wp1, bp1.reshape(1, -1),
                    Wp2, bp2.reshape(1, -1), priors)
    return out

# --- scband reference (transcript-rebuilt; emitter-appended) ---
"""Pipeline reference for scband-temporal-skip-63848983822722 (READ-ONLY COPY).

The authoritative reference and input builder live on the scoring server;
editing this copy changes nothing except your own understanding.
"""

import jax, jax.numpy as jnp
import numpy as np

N = 10000
E = 320000
DIN = 128
DOUT = 16


def setup_inputs(seed: int = 0) -> dict:
    key = jax.random.key(seed)
    ks = jax.random.split(key, 20)
    inp = {}
    inp["x"] = jax.random.normal(ks[0], (N, DIN), dtype=jnp.float32)
    inp["edge_index"] = jax.random.randint(ks[1], (2, E), 0, N, dtype=jnp.int32)
    inp["priors"] = jax.random.normal(ks[2], (N, DOUT), dtype=jnp.float32)
    # MLP_embed: 128 -> 64 -> 32
    inp["We1"] = jax.random.normal(ks[3], (DIN, 64), dtype=jnp.float32) * 0.1
    inp["be1"] = jnp.zeros((64,), dtype=jnp.float32)
    inp["We2"] = jax.random.normal(ks[4], (64, 32), dtype=jnp.float32) * 0.1
    inp["be2"] = jnp.zeros((32,), dtype=jnp.float32)
    # GCN layers: 32 -> 32
    inp["Wg1"] = jax.random.normal(ks[5], (32, 32), dtype=jnp.float32) * 0.1
    inp["bg1"] = jnp.zeros((32,), dtype=jnp.float32)
    inp["Wg2"] = jax.random.normal(ks[6], (32, 32), dtype=jnp.float32) * 0.1
    inp["bg2"] = jnp.zeros((32,), dtype=jnp.float32)
    inp["Wg3"] = jax.random.normal(ks[7], (32, 32), dtype=jnp.float32) * 0.1
    inp["bg3"] = jnp.zeros((32,), dtype=jnp.float32)
    # MLP_pred: 32 -> 32 -> 16
    inp["Wp1"] = jax.random.normal(ks[8], (32, 32), dtype=jnp.float32) * 0.1
    inp["bp1"] = jnp.zeros((32,), dtype=jnp.float32)
    inp["Wp2"] = jax.random.normal(ks[9], (32, DOUT), dtype=jnp.float32) * 0.1
    inp["bp2"] = jnp.zeros((DOUT,), dtype=jnp.float32)
    return inp


def _mlp(x, W1, b1, W2, b2):
    h = jnp.tanh(x @ W1 + b1)
    return jnp.tanh(h @ W2 + b2)


def _gcn_conv(h, src, dst, W, b, n):
    # PyG GCNConv: linear transform, add self-loops, symmetric normalization,
    # scatter-add aggregation (source_to_target), then bias.
    h = h @ W
    loop = jnp.arange(n, dtype=src.dtype)
    row = jnp.concatenate([src, loop])
    col = jnp.concatenate([dst, loop])
    deg = jnp.zeros((n,), dtype=h.dtype).at[col].add(1.0)
    dinv = jnp.where(deg > 0, 1.0 / jnp.sqrt(deg), 0.0)
    norm = dinv[row] * dinv[col]
    msg = h[row] * norm[:, None]
    out = jnp.zeros((n, h.shape[1]), dtype=h.dtype).at[col].add(msg)
    return out + b


def reference(x, edge_index, priors, We1, be1, We2, be2, Wg1, bg1, Wg2, bg2, Wg3, bg3, Wp1, bp1, Wp2, bp2):
    n = x.shape[0]
    src = edge_index[0]
    dst = edge_index[1]
    h = _mlp(x, We1, be1, We2, be2)
    # dropout is identity in eval mode
    h = _gcn_conv(h, src, dst, Wg1, bg1, n)
    h = jax.nn.relu(h)
    h = _gcn_conv(h, src, dst, Wg2, bg2, n)
    h = jax.nn.relu(h)
    h = _gcn_conv(h, src, dst, Wg3, bg3, n)
    h = jax.nn.relu(h)
    out = _mlp(h, Wp1, bp1, Wp2, bp2)
    return out + priors

if __name__ == "__main__":
    import jax
    _d = setup_inputs()
    print(jax.jit(kernel)(*tuple(_d.values())))

</pallas_src>

<mosaic_0001>
#map = affine_map<(d0, d1) -> (0, 0)>
#map1 = affine_map<(d0, d1) -> (0, 0, 0)>
module attributes {stable_mosaic.version = 14 : i64} {
  func.func @k(%arg0: i32, %arg1: i32, %arg2: memref<10240x32xf32, #tpu.memory_space<hbm>>, %arg3: memref<32x10x1000xi32, #tpu.memory_space<hbm>>, %arg4: memref<32x10x1000xi32, #tpu.memory_space<hbm>>, %arg5: memref<10240x32xf32, #tpu.memory_space<hbm>>, %arg6: memref<2x10240x32xf32, #tpu.memory_space<hbm>>, %arg7: memref<10x1000xi32, #tpu.memory_space<vmem>>, %arg8: memref<10x1000xi32, #tpu.memory_space<vmem>>, %arg9: memref<1000x32xf32, #tpu.memory_space<vmem>>, %arg10: memref<1000x32xf32, #tpu.memory_space<vmem>>, %arg11: memref<10240x32xf32, #tpu.memory_space<vmem_shared>>, %arg12: memref<10240x32xf32, #tpu.memory_space<vmem_shared>>, %arg13: memref<!tpu.dma_semaphore, #tpu.memory_space<semaphore_mem>>, %arg14: memref<!tpu.dma_semaphore, #tpu.memory_space<semaphore_mem>>, %arg15: memref<!tpu.dma_semaphore, #tpu.memory_space<semaphore_mem>>, %arg16: memref<!tpu.dma_semaphore, #tpu.memory_space<semaphore_mem>>) attributes {dimension_semantics = [#tpu.dimension_semantics<core_parallel>, #tpu.dimension_semantics<subcore_parallel>], iteration_bounds = array<i64: 2, 16>, scalar_prefetch = 0 : i64, scratch_operands = 10 : i64, tpu.core_type = #tpu.core_type<sc_vector_subcore>, window_params = [{transform_indices = #map}, {transform_indices = #map1}, {transform_indices = #map1}, {transform_indices = #map}, {transform_indices = #map1}]} {
    %mul3A = arith.constant 16 : i32
    %mul3A_0 = arith.muli %arg0, %mul3A : i32
    %add3A = arith.addi %mul3A_0, %arg1 : i32
    %mul3A_1 = arith.constant 640 : i32
    %mul3A_2 = arith.muli %arg1, %mul3A_1 : i32
    %mul3A_3 = arith.constant 640 : i32
    %mul3A_4 = arith.muli %arg1, %mul3A_3 : i32
    "tpu.region"() ({
      %run_scoped3A = tpu.sem_alloc : memref<!tpu.dma_semaphore, #tpu.memory_space<semaphore_mem>>
      %dma_start3A_129 = arith.constant 0 : i32
      %dma_start3A_130 = tpu.memref_slice %arg11[%mul3A_4, %dma_start3A_129] : memref<10240x32xf32, #tpu.memory_space<vmem_shared>> -> memref<640x32xf32, #tpu.memory_space<vmem_shared>>
      %dma_start3A_131 = arith.constant 0 : i32
      %dma_start3A_132 = tpu.memref_slice %arg5[%mul3A_2, %dma_start3A_131] : memref<10240x32xf32, #tpu.memory_space<hbm>> -> memref<640x32xf32, #tpu.memory_space<hbm>>
      tpu.enqueue_dma source(%dma_start3A_132 : memref<640x32xf32, #tpu.memory_space<hbm>>) target(%dma_start3A_130 : memref<640x32xf32, #tpu.memory_space<vmem_shared>>) target_semaphore(%run_scoped3A : memref<!tpu.dma_semaphore, #tpu.memory_space<semaphore_mem>>)
      %dma_wait3A_133 = arith.constant 0 : i32
      %dma_wait3A_134 = tpu.memref_slice %arg11[%mul3A_4, %dma_wait3A_133] : memref<10240x32xf32, #tpu.memory_space<vmem_shared>> -> memref<640x32xf32, #tpu.memory_space<vmem_shared>>
      %dma_wait3A_135 = arith.constant 0 : i32
      %dma_wait3A_136 = tpu.memref_slice %arg5[%mul3A_2, %dma_wait3A_135] : memref<10240x32xf32, #tpu.memory_space<hbm>> -> memref<640x32xf32, #tpu.memory_space<hbm>>
      tpu.wait_dma2 semaphore(%run_scoped3A : memref<!tpu.dma_semaphore, #tpu.memory_space<semaphore_mem>>) src(%dma_wait3A_136 : memref<640x32xf32, #tpu.memory_space<hbm>>) dst(%dma_wait3A_134 : memref<640x32xf32, #tpu.memory_space<vmem_shared>>)
      tpu.yield
    }) : () -> ()
    %mul3A_5 = arith.constant 640 : i32
    %mul3A_6 = arith.muli %arg1, %mul3A_5 : i32
    %mul3A_7 = arith.constant 640 : i32
    %mul3A_8 = arith.muli %arg1, %mul3A_7 : i32
    "tpu.region"() ({
      %run_scoped3A = tpu.sem_alloc : memref<!tpu.dma_semaphore, #tpu.memory_space<semaphore_mem>>
      %dma_start3A_129 = arith.constant 0 : i32
      %dma_start3A_130 = tpu.memref_slice %arg12[%mul3A_8, %dma_start3A_129] : memref<10240x32xf32, #tpu.memory_space<vmem_shared>> -> memref<640x32xf32, #tpu.memory_space<vmem_shared>>
      %dma_start3A_131 = arith.constant 0 : i32
      %dma_start3A_132 = tpu.memref_slice %arg2[%mul3A_6, %dma_start3A_131] : memref<10240x32xf32, #tpu.memory_space<hbm>> -> memref<640x32xf32, #tpu.memory_space<hbm>>
      tpu.enqueue_dma source(%dma_start3A_132 : memref<640x32xf32, #tpu.memory_space<hbm>>) target(%dma_start3A_130 : memref<640x32xf32, #tpu.memory_space<vmem_shared>>) target_semaphore(%run_scoped3A : memref<!tpu.dma_semaphore, #tpu.memory_space<semaphore_mem>>)
      %dma_wait3A_133 = arith.constant 0 : i32
      %dma_wait3A_134 = tpu.memref_slice %arg12[%mul3A_8, %dma_wait3A_133] : memref<10240x32xf32, #tpu.memory_space<vmem_shared>> -> memref<640x32xf32, #tpu.memory_space<vmem_shared>>
      %dma_wait3A_135 = arith.constant 0 : i32
      %dma_wait3A_136 = tpu.memref_slice %arg2[%mul3A_6, %dma_wait3A_135] : memref<10240x32xf32, #tpu.memory_space<hbm>> -> memref<640x32xf32, #tpu.memory_space<hbm>>
      tpu.wait_dma2 semaphore(%run_scoped3A : memref<!tpu.dma_semaphore, #tpu.memory_space<semaphore_mem>>) src(%dma_wait3A_136 : memref<640x32xf32, #tpu.memory_space<hbm>>) dst(%dma_wait3A_134 : memref<640x32xf32, #tpu.memory_space<vmem_shared>>)
      tpu.yield
    }) : () -> ()
    "tpu.region"() ({
      %run_scoped3A = tpu.sem_alloc : memref<!tpu.dma_semaphore, #tpu.memory_space<semaphore_mem>>
      %dma_start3A_129 = arith.constant 0 : i32
      %dma_start3A_130 = arith.constant 0 : i32
      %dma_start3A_131 = tpu.memref_slice %arg3[%add3A, %dma_start3A_129, %dma_start3A_130] : memref<32x10x1000xi32, #tpu.memory_space<hbm>> -> memref<1x10x1000xi32, #tpu.memory_space<hbm>>
      %dma_start3A_132 = tpu.memref_squeeze %dma_start3A_131 : memref<1x10x1000xi32, #tpu.memory_space<hbm>> -> memref<10x1000xi32, #tpu.memory_space<hbm>>
      %dma_start3A_133 = arith.constant 0 : i32
      %dma_start3A_134 = arith.constant 0 : i32
      %dma_start3A_135 = tpu.memref_slice %arg3[%add3A, %dma_start3A_133, %dma_start3A_134] : memref<32x10x1000xi32, #tpu.memory_space<hbm>> -> memref<1x10x1000xi32, #tpu.memory_space<hbm>>
      %dma_start3A_136 = tpu.memref_squeeze %dma_start3A_135 : memref<1x10x1000xi32, #tpu.memory_space<hbm>> -> memref<10x1000xi32, #tpu.memory_space<hbm>>
      tpu.enqueue_dma source(%dma_start3A_136 : memref<10x1000xi32, #tpu.memory_space<hbm>>) target(%arg7 : memref<10x1000xi32, #tpu.memory_space<vmem>>) target_semaphore(%run_scoped3A : memref<!tpu.dma_semaphore, #tpu.memory_space<semaphore_mem>>)
      %dma_wait3A_137 = arith.constant 0 : i32
      %dma_wait3A_138 = arith.constant 0 : i32
      %dma_wait3A_139 = tpu.memref_slice %arg3[%add3A, %dma_wait3A_137, %dma_wait3A_138] : memref<32x10x1000xi32, #tpu.memory_space<hbm>> -> memref<1x10x1000xi32, #tpu.memory_space<hbm>>
      %dma_wait3A_140 = tpu.memref_squeeze %dma_wait3A_139 : memref<1x10x1000xi32, #tpu.memory_space<hbm>> -> memref<10x1000xi32, #tpu.memory_space<hbm>>
      %dma_wait3A_141 = arith.constant 0 : i32
      %dma_wait3A_142 = arith.constant 0 : i32
      %dma_wait3A_143 = tpu.memref_slice %arg3[%add3A, %dma_wait3A_141, %dma_wait3A_142] : memref<32x10x1000xi32, #tpu.memory_space<hbm>> -> memref<1x10x1000xi32, #tpu.memory_space<hbm>>
      %dma_wait3A_144 = tpu.memref_squeeze %dma_wait3A_143 : memref<1x10x1000xi32, #tpu.memory_space<hbm>> -> memref<10x1000xi32, #tpu.memory_space<hbm>>
      tpu.wait_dma2 semaphore(%run_scoped3A : memref<!tpu.dma_semaphore, #tpu.memory_space<semaphore_mem>>) src(%dma_wait3A_144 : memref<10x1000xi32, #tpu.memory_space<hbm>>) dst(%arg7 : memref<10x1000xi32, #tpu.memory_space<vmem>>)
      tpu.yield
    }) : () -> ()
    "tpu.region"() ({
      %run_scoped3A = tpu.sem_alloc : memref<!tpu.dma_semaphore, #tpu.memory_space<semaphore_mem>>
      %dma_start3A_129 = arith.constant 0 : i32
      %dma_start3A_130 = arith.constant 0 : i32
      %dma_start3A_131 = tpu.memref_slice %arg4[%add3A, %dma_start3A_129, %dma_start3A_130] : memref<32x10x1000xi32, #tpu.memory_space<hbm>> -> memref<1x10x1000xi32, #tpu.memory_space<hbm>>
      %dma_start3A_132 = tpu.memref_squeeze %dma_start3A_131 : memref<1x10x1000xi32, #tpu.memory_space<hbm>> -> memref<10x1000xi32, #tpu.memory_space<hbm>>
      %dma_start3A_133 = arith.constant 0 : i32
      %dma_start3A_134 = arith.constant 0 : i32
      %dma_start3A_135 = tpu.memref_slice %arg4[%add3A, %dma_start3A_133, %dma_start3A_134] : memref<32x10x1000xi32, #tpu.memory_space<hbm>> -> memref<1x10x1000xi32, #tpu.memory_space<hbm>>
      %dma_start3A_136 = tpu.memref_squeeze %dma_start3A_135 : memref<1x10x1000xi32, #tpu.memory_space<hbm>> -> memref<10x1000xi32, #tpu.memory_space<hbm>>
      tpu.enqueue_dma source(%dma_start3A_136 : memref<10x1000xi32, #tpu.memory_space<hbm>>) target(%arg8 : memref<10x1000xi32, #tpu.memory_space<vmem>>) target_semaphore(%run_scoped3A : memref<!tpu.dma_semaphore, #tpu.memory_space<semaphore_mem>>)
      %dma_wait3A_137 = arith.constant 0 : i32
      %dma_wait3A_138 = arith.constant 0 : i32
      %dma_wait3A_139 = tpu.memref_slice %arg4[%add3A, %dma_wait3A_137, %dma_wait3A_138] : memref<32x10x1000xi32, #tpu.memory_space<hbm>> -> memref<1x10x1000xi32, #tpu.memory_space<hbm>>
      %dma_wait3A_140 = tpu.memref_squeeze %dma_wait3A_139 : memref<1x10x1000xi32, #tpu.memory_space<hbm>> -> memref<10x1000xi32, #tpu.memory_space<hbm>>
      %dma_wait3A_141 = arith.constant 0 : i32
      %dma_wait3A_142 = arith.constant 0 : i32
      %dma_wait3A_143 = tpu.memref_slice %arg4[%add3A, %dma_wait3A_141, %dma_wait3A_142] : memref<32x10x1000xi32, #tpu.memory_space<hbm>> -> memref<1x10x1000xi32, #tpu.memory_space<hbm>>
      %dma_wait3A_144 = tpu.memref_squeeze %dma_wait3A_143 : memref<1x10x1000xi32, #tpu.memory_space<hbm>> -> memref<10x1000xi32, #tpu.memory_space<hbm>>
      tpu.wait_dma2 semaphore(%run_scoped3A : memref<!tpu.dma_semaphore, #tpu.memory_space<semaphore_mem>>) src(%dma_wait3A_144 : memref<10x1000xi32, #tpu.memory_space<hbm>>) dst(%arg8 : memref<10x1000xi32, #tpu.memory_space<vmem>>)
      tpu.yield
    }) : () -> ()
    %barrier3A = arith.constant 0 : index
    tpu.barrier barrier_id(%barrier3A)
    %dma_start3A = arith.constant 0 : i32
    %dma_start3A_9 = arith.constant 0 : i32
    %dma_start3A_10 = tpu.memref_slice %arg7[%dma_start3A, %dma_start3A_9] : memref<10x1000xi32, #tpu.memory_space<vmem>> -> memref<1x1000xi32, #tpu.memory_space<vmem>>
    %dma_start3A_11 = tpu.memref_squeeze %dma_start3A_10 : memref<1x1000xi32, #tpu.memory_space<vmem>> -> memref<1000xi32, #tpu.memory_space<vmem>>
    %dma_start3A_12 = arith.constant 0 : i32
    %dma_start3A_13 = arith.constant 0 : i32
    %dma_start3A_14 = tpu.memref_slice %arg12[%dma_start3A_12, %dma_start3A_13] : memref<10240x32xf32, #tpu.memory_space<vmem_shared>> -> memref<10240x32xf32, #tpu.memory_space<vmem_shared>>
    tpu.enqueue_indirect_dma source(%dma_start3A_14 : memref<10240x32xf32, #tpu.memory_space<vmem_shared>>) target(%arg9 : memref<1000x32xf32, #tpu.memory_space<vmem>>) offsets(%dma_start3A_11 : memref<1000xi32, #tpu.memory_space<vmem>>) semaphore(%arg13 : memref<!tpu.dma_semaphore, #tpu.memory_space<semaphore_mem>>)
    %dma_wait3A = arith.constant 0 : i32
    %dma_wait3A_15 = arith.constant 0 : i32
    %dma_wait3A_16 = tpu.memref_slice %arg7[%dma_wait3A, %dma_wait3A_15] : memref<10x1000xi32, #tpu.memory_space<vmem>> -> memref<1x1000xi32, #tpu.memory_space<vmem>>
    %dma_wait3A_17 = tpu.memref_squeeze %dma_wait3A_16 : memref<1x1000xi32, #tpu.memory_space<vmem>> -> memref<1000xi32, #tpu.memory_space<vmem>>
    %dma_wait3A_18 = arith.constant 0 : i32
    %dma_wait3A_19 = arith.constant 0 : i32
    %dma_wait3A_20 = tpu.memref_slice %arg12[%dma_wait3A_18, %dma_wait3A_19] : memref<10240x32xf32, #tpu.memory_space<vmem_shared>> -> memref<10240x32xf32, #tpu.memory_space<vmem_shared>>
    tpu.wait_indirect_dma semaphore(%arg13 : memref<!tpu.dma_semaphore, #tpu.memory_space<semaphore_mem>>) src(%dma_wait3A_20 : memref<10240x32xf32, #tpu.memory_space<vmem_shared>>) dst(%arg9 : memref<1000x32xf32, #tpu.memory_space<vmem>>)
    %dma_start3A_21 = arith.constant 1 : i32
    %dma_start3A_22 = arith.constant 0 : i32
    %dma_start3A_23 = tpu.memref_slice %arg7[%dma_start3A_21, %dma_start3A_22] : memref<10x1000xi32, #tpu.memory_space<vmem>> -> memref<1x1000xi32, #tpu.memory_space<vmem>>
    %dma_start3A_24 = tpu.memref_squeeze %dma_start3A_23 : memref<1x1000xi32, #tpu.memory_space<vmem>> -> memref<1000xi32, #tpu.memory_space<vmem>>
    %dma_start3A_25 = arith.constant 0 : i32
    %dma_start3A_26 = arith.constant 0 : i32
    %dma_start3A_27 = tpu.memref_slice %arg12[%dma_start3A_25, %dma_start3A_26] : memref<10240x32xf32, #tpu.memory_space<vmem_shared>> -> memref<10240x32xf32, #tpu.memory_space<vmem_shared>>
    tpu.enqueue_indirect_dma source(%dma_start3A_27 : memref<10240x32xf32, #tpu.memory_space<vmem_shared>>) target(%arg10 : memref<1000x32xf32, #tpu.memory_space<vmem>>) offsets(%dma_start3A_24 : memref<1000xi32, #tpu.memory_space<vmem>>) semaphore(%arg14 : memref<!tpu.dma_semaphore, #tpu.memory_space<semaphore_mem>>)
    %dma_start3A_28 = arith.constant 0 : i32
    %dma_start3A_29 = arith.constant 0 : i32
    %dma_start3A_30 = tpu.memref_slice %arg8[%dma_start3A_28, %dma_start3A_29] : memref<10x1000xi32, #tpu.memory_space<vmem>> -> memref<1x1000xi32, #tpu.memory_space<vmem>>
    %dma_start3A_31 = tpu.memref_squeeze %dma_start3A_30 : memref<1x1000xi32, #tpu.memory_space<vmem>> -> memref<1000xi32, #tpu.memory_space<vmem>>
    %dma_start3A_32 = arith.constant 0 : i32
    %dma_start3A_33 = arith.constant 0 : i32
    %dma_start3A_34 = tpu.memref_slice %arg11[%dma_start3A_32, %dma_start3A_33] : memref<10240x32xf32, #tpu.memory_space<vmem_shared>> -> memref<10240x32xf32, #tpu.memory_space<vmem_shared>>
    tpu.enqueue_indirect_dma source(%arg9 : memref<1000x32xf32, #tpu.memory_space<vmem>>) target(%dma_start3A_34 : memref<10240x32xf32, #tpu.memory_space<vmem_shared>>) offsets(%dma_start3A_31 : memref<1000xi32, #tpu.memory_space<vmem>>) semaphore(%arg15 : memref<!tpu.dma_semaphore, #tpu.memory_space<semaphore_mem>>) {add = true}
    %dma_wait3A_35 = arith.constant 1 : i32
    %dma_wait3A_36 = arith.constant 0 : i32
    %dma_wait3A_37 = tpu.memref_slice %arg7[%dma_wait3A_35, %dma_wait3A_36] : memref<10x1000xi32, #tpu.memory_space<vmem>> -> memref<1x1000xi32, #tpu.memory_space<vmem>>
    %dma_wait3A_38 = tpu.memref_squeeze %dma_wait3A_37 : memref<1x1000xi32, #tpu.memory_space<vmem>> -> memref<1000xi32, #tpu.memory_space<vmem>>
    %dma_wait3A_39 = arith.constant 0 : i32
    %dma_wait3A_40 = arith.constant 0 : i32
    %dma_wait3A_41 = tpu.memref_slice %arg12[%dma_wait3A_39, %dma_wait3A_40] : memref<10240x32xf32, #tpu.memory_space<vmem_shared>> -> memref<10240x32xf32, #tpu.memory_space<vmem_shared>>
    tpu.wait_indirect_dma semaphore(%arg14 : memref<!tpu.dma_semaphore, #tpu.memory_space<semaphore_mem>>) src(%dma_wait3A_41 : memref<10240x32xf32, #tpu.memory_space<vmem_shared>>) dst(%arg10 : memref<1000x32xf32, #tpu.memory_space<vmem>>)
    %dma_wait3A_42 = arith.constant 0 : i32
    %dma_wait3A_43 = arith.constant 0 : i32
    %dma_wait3A_44 = tpu.memref_slice %arg8[%dma_wait3A_42, %dma_wait3A_43] : memref<10x1000xi32, #tpu.memory_space<vmem>> -> memref<1x1000xi32, #tpu.memory_space<vmem>>
    %dma_wait3A_45 = tpu.memref_squeeze %dma_wait3A_44 : memref<1x1000xi32, #tpu.memory_space<vmem>> -> memref<1000xi32, #tpu.memory_space<vmem>>
    %dma_wait3A_46 = arith.constant 0 : i32
    %dma_wait3A_47 = arith.constant 0 : i32
    %dma_wait3A_48 = tpu.memref_slice %arg11[%dma_wait3A_46, %dma_wait3A_47] : memref<10240x32xf32, #tpu.memory_space<vmem_shared>> -> memref<10240x32xf32, #tpu.memory_space<vmem_shared>>
    tpu.wait_indirect_dma semaphore(%arg15 : memref<!tpu.dma_semaphore, #tpu.memory_space<semaphore_mem>>) src(%arg9 : memref<1000x32xf32, #tpu.memory_space<vmem>>) dst(%dma_wait3A_48 : memref<10240x32xf32, #tpu.memory_space<vmem_shared>>)
    %dma_start3A_49 = arith.constant 2 : i32
    %dma_start3A_50 = arith.constant 0 : i32
    %dma_start3A_51 = tpu.memref_slice %arg7[%dma_start3A_49, %dma_start3A_50] : memref<10x1000xi32, #tpu.memory_space<vmem>> -> memref<1x1000xi32, #tpu.memory_space<vmem>>
    %dma_start3A_52 = tpu.memref_squeeze %dma_start3A_51 : memref<1x1000xi32, #tpu.memory_space<vmem>> -> memref<1000xi32, #tpu.memory_space<vmem>>
    %dma_start3A_53 = arith.constant 0 : i32
    %dma_start3A_54 = arith.constant 0 : i32
    %dma_start3A_55 = tpu.memref_slice %arg12[%dma_start3A_53, %dma_start3A_54] : memref<10240x32xf32, #tpu.memory_space<vmem_shared>> -> memref<10240x32xf32, #tpu.memory_space<vmem_shared>>
    tpu.enqueue_indirect_dma source(%dma_start3A_55 : memref<10240x32xf32, #tpu.memory_space<vmem_shared>>) target(%arg9 : memref<1000x32xf32, #tpu.memory_space<vmem>>) offsets(%dma_start3A_52 : memref<1000xi32, #tpu.memory_space<vmem>>) semaphore(%arg13 : memref<!tpu.dma_semaphore, #tpu.memory_space<semaphore_mem>>)
    %dma_start3A_56 = arith.constant 1 : i32
    %dma_start3A_57 = arith.constant 0 : i32
    %dma_start3A_58 = tpu.memref_slice %arg8[%dma_start3A_56, %dma_start3A_57] : memref<10x1000xi32, #tpu.memory_space<vmem>> -> memref<1x1000xi32, #tpu.memory_space<vmem>>
    %dma_start3A_59 = tpu.memref_squeeze %dma_start3A_58 : memref<1x1000xi32, #tpu.memory_space<vmem>> -> memref<1000xi32, #tpu.memory_space<vmem>>
    %dma_start3A_60 = arith.constant 0 : i32
    %dma_start3A_61 = arith.constant 0 : i32
    %dma_start3A_62 = tpu.memref_slice %arg11[%dma_start3A_60, %dma_start3A_61] : memref<10240x32xf32, #tpu.memory_space<vmem_shared>> -> memref<10240x32xf32, #tpu.memory_space<vmem_shared>>
    tpu.enqueue_indirect_dma source(%arg10 : memref<1000x32xf32, #tpu.memory_space<vmem>>) target(%dma_start3A_62 : memref<10240x32xf32, #tpu.memory_space<vmem_shared>>) offsets(%dma_start3A_59 : memref<1000xi32, #tpu.memory_space<vmem>>) semaphore(%arg16 : memref<!tpu.dma_semaphore, #tpu.memory_space<semaphore_mem>>) {add = true}
    %scan3A = arith.constant 0 : i32
    %scan3A_63 = arith.constant 1 : i32
    %scan3A_64 = arith.constant 3 : i32
    %scan3A_65 = arith.addi %scan3A_63, %scan3A_64 : i32
    %scan3A_66 = arith.constant 1 : i32
    scf.for %scan3A_129 = %scan3A_63 to %scan3A_65 step %scan3A_66  : i32 {
      %mul3A_130 = arith.constant 2 : i32
      %mul3A_131 = arith.muli %scan3A_129, %mul3A_130 : i32
      %dma_wait3A_132 = arith.constant 0 : i32
      %dma_wait3A_133 = tpu.memref_slice %arg7[%mul3A_131, %dma_wait3A_132] : memref<10x1000xi32, #tpu.memory_space<vmem>> -> memref<1x1000xi32, #tpu.memory_space<vmem>>
      %dma_wait3A_134 = tpu.memref_squeeze %dma_wait3A_133 : memref<1x1000xi32, #tpu.memory_space<vmem>> -> memref<1000xi32, #tpu.memory_space<vmem>>
      %dma_wait3A_135 = arith.constant 0 : i32
      %dma_wait3A_136 = arith.constant 0 : i32
      %dma_wait3A_137 = tpu.memref_slice %arg12[%dma_wait3A_135, %dma_wait3A_136] : memref<10240x32xf32, #tpu.memory_space<vmem_shared>> -> memref<10240x32xf32, #tpu.memory_space<vmem_shared>>
      tpu.wait_indirect_dma semaphore(%arg13 : memref<!tpu.dma_semaphore, #tpu.memory_space<semaphore_mem>>) src(%dma_wait3A_137 : memref<10240x32xf32, #tpu.memory_space<vmem_shared>>) dst(%arg9 : memref<1000x32xf32, #tpu.memory_space<vmem>>)
      %sub3A = arith.constant 1 : i32
      %sub3A_138 = arith.subi %mul3A_131, %sub3A : i32
      %dma_wait3A_139 = arith.constant 0 : i32
      %dma_wait3A_140 = tpu.memref_slice %arg8[%sub3A_138, %dma_wait3A_139] : memref<10x1000xi32, #tpu.memory_space<vmem>> -> memref<1x1000xi32, #tpu.memory_space<vmem>>
      %dma_wait3A_141 = tpu.memref_squeeze %dma_wait3A_140 : memref<1x1000xi32, #tpu.memory_space<vmem>> -> memref<1000xi32, #tpu.memory_space<vmem>>
      %dma_wait3A_142 = arith.constant 0 : i32
      %dma_wait3A_143 = arith.constant 0 : i32
      %dma_wait3A_144 = tpu.memref_slice %arg11[%dma_wait3A_142, %dma_wait3A_143] : memref<10240x32xf32, #tpu.memory_space<vmem_shared>> -> memref<10240x32xf32, #tpu.memory_space<vmem_shared>>
      tpu.wait_indirect_dma semaphore(%arg16 : memref<!tpu.dma_semaphore, #tpu.memory_space<semaphore_mem>>) src(%arg10 : memref<1000x32xf32, #tpu.memory_space<vmem>>) dst(%dma_wait3A_144 : memref<10240x32xf32, #tpu.memory_space<vmem_shared>>)
      %add3A_145 = arith.constant 1 : i32
      %add3A_146 = arith.addi %mul3A_131, %add3A_145 : i32
      %dma_start3A_147 = arith.constant 0 : i32
      %dma_start3A_148 = tpu.memref_slice %arg7[%add3A_146, %dma_start3A_147] : memref<10x1000xi32, #tpu.memory_space<vmem>> -> memref<1x1000xi32, #tpu.memory_space<vmem>>
      %dma_start3A_149 = tpu.memref_squeeze %dma_start3A_148 : memref<1x1000xi32, #tpu.memory_space<vmem>> -> memref<1000xi32, #tpu.memory_space<vmem>>
      %dma_start3A_150 = arith.constant 0 : i32
      %dma_start3A_151 = arith.constant 0 : i32
      %dma_start3A_152 = tpu.memref_slice %arg12[%dma_start3A_150, %dma_start3A_151] : memref<10240x32xf32, #tpu.memory_space<vmem_shared>> -> memref<10240x32xf32, #tpu.memory_space<vmem_shared>>
      tpu.enqueue_indirect_dma source(%dma_start3A_152 : memref<10240x32xf32, #tpu.memory_space<vmem_shared>>) target(%arg10 : memref<1000x32xf32, #tpu.memory_space<vmem>>) offsets(%dma_start3A_149 : memref<1000xi32, #tpu.memory_space<vmem>>) semaphore(%arg14 : memref<!tpu.dma_semaphore, #tpu.memory_space<semaphore_mem>>)
      %dma_start3A_153 = arith.constant 0 : i32
      %dma_start3A_154 = tpu.memref_slice %arg8[%mul3A_131, %dma_start3A_153] : memref<10x1000xi32, #tpu.memory_space<vmem>> -> memref<1x1000xi32, #tpu.memory_space<vmem>>
      %dma_start3A_155 = tpu.memref_squeeze %dma_start3A_154 : memref<1x1000xi32, #tpu.memory_space<vmem>> -> memref<1000xi32, #tpu.memory_space<vmem>>
      %dma_start3A_156 = arith.constant 0 : i32
      %dma_start3A_157 = arith.constant 0 : i32
      %dma_start3A_158 = tpu.memref_slice %arg11[%dma_start3A_156, %dma_start3A_157] : memref<10240x32xf32, #tpu.memory_space<vmem_shared>> -> memref<10240x32xf32, #tpu.memory_space<vmem_shared>>
      tpu.enqueue_indirect_dma source(%arg9 : memref<1000x32xf32, #tpu.memory_space<vmem>>) target(%dma_start3A_158 : memref<10240x32xf32, #tpu.memory_space<vmem_shared>>) offsets(%dma_start3A_155 : memref<1000xi32, #tpu.memory_space<vmem>>) semaphore(%arg15 : memref<!tpu.dma_semaphore, #tpu.memory_space<semaphore_mem>>) {add = true}
      %add3A_159 = arith.constant 1 : i32
      %add3A_160 = arith.addi %mul3A_131, %add3A_159 : i32
      %dma_wait3A_161 = arith.constant 0 : i32
      %dma_wait3A_162 = tpu.memref_slice %arg7[%add3A_160, %dma_wait3A_161] : memref<10x1000xi32, #tpu.memory_space<vmem>> -> memref<1x1000xi32, #tpu.memory_space<vmem>>
      %dma_wait3A_163 = tpu.memref_squeeze %dma_wait3A_162 : memref<1x1000xi32, #tpu.memory_space<vmem>> -> memref<1000xi32, #tpu.memory_space<vmem>>
      %dma_wait3A_164 = arith.constant 0 : i32
      %dma_wait3A_165 = arith.constant 0 : i32
      %dma_wait3A_166 = tpu.memref_slice %arg12[%dma_wait3A_164, %dma_wait3A_165] : memref<10240x32xf32, #tpu.memory_space<vmem_shared>> -> memref<10240x32xf32, #tpu.memory_space<vmem_shared>>
      tpu.wait_indirect_dma semaphore(%arg14 : memref<!tpu.dma_semaphore, #tpu.memory_space<semaphore_mem>>) src(%dma_wait3A_166 : memref<10240x32xf32, #tpu.memory_space<vmem_shared>>) dst(%arg10 : memref<1000x32xf32, #tpu.memory_space<vmem>>)
      %dma_wait3A_167 = arith.constant 0 : i32
      %dma_wait3A_168 = tpu.memref_slice %arg8[%mul3A_131, %dma_wait3A_167] : memref<10x1000xi32, #tpu.memory_space<vmem>> -> memref<1x1000xi32, #tpu.memory_space<vmem>>
      %dma_wait3A_169 = tpu.memref_squeeze %dma_wait3A_168 : memref<1x1000xi32, #tpu.memory_space<vmem>> -> memref<1000xi32, #tpu.memory_space<vmem>>
      %dma_wait3A_170 = arith.constant 0 : i32
      %dma_wait3A_171 = arith.constant 0 : i32
      %dma_wait3A_172 = tpu.memref_slice %arg11[%dma_wait3A_170, %dma_wait3A_171] : memref<10240x32xf32, #tpu.memory_space<vmem_shared>> -> memref<10240x32xf32, #tpu.memory_space<vmem_shared>>
      tpu.wait_indirect_dma semaphore(%arg15 : memref<!tpu.dma_semaphore, #tpu.memory_space<semaphore_mem>>) src(%arg9 : memref<1000x32xf32, #tpu.memory_space<vmem>>) dst(%dma_wait3A_172 : memref<10240x32xf32, #tpu.memory_space<vmem_shared>>)
      %add3A_173 = arith.constant 2 : i32
      %add3A_174 = arith.addi %mul3A_131, %add3A_173 : i32
      %dma_start3A_175 = arith.constant 0 : i32
      %dma_start3A_176 = tpu.memref_slice %arg7[%add3A_174, %dma_start3A_175] : memref<10x1000xi32, #tpu.memory_space<vmem>> -> memref<1x1000xi32, #tpu.memory_space<vmem>>
      %dma_start3A_177 = tpu.memref_squeeze %dma_start3A_176 : memref<1x1000xi32, #tpu.memory_space<vmem>> -> memref<1000xi32, #tpu.memory_space<vmem>>
      %dma_start3A_178 = arith.constant 0 : i32
      %dma_start3A_179 = arith.constant 0 : i32
      %dma_start3A_180 = tpu.memref_slice %arg12[%dma_start3A_178, %dma_start3A_179] : memref<10240x32xf32, #tpu.memory_space<vmem_shared>> -> memref<10240x32xf32, #tpu.memory_space<vmem_shared>>
      tpu.enqueue_indirect_dma source(%dma_start3A_180 : memref<10240x32xf32, #tpu.memory_space<vmem_shared>>) target(%arg9 : memref<1000x32xf32, #tpu.memory_space<vmem>>) offsets(%dma_start3A_177 : memref<1000xi32, #tpu.memory_space<vmem>>) semaphore(%arg13 : memref<!tpu.dma_semaphore, #tpu.memory_space<semaphore_mem>>)
      %add3A_181 = arith.constant 1 : i32
      %add3A_182 = arith.addi %mul3A_131, %add3A_181 : i32
      %dma_start3A_183 = arith.constant 0 : i32
      %dma_start3A_184 = tpu.memref_slice %arg8[%add3A_182, %dma_start3A_183] : memref<10x1000xi32, #tpu.memory_space<vmem>> -> memref<1x1000xi32, #tpu.memory_space<vmem>>
      %dma_start3A_185 = tpu.memref_squeeze %dma_start3A_184 : memref<1x1000xi32, #tpu.memory_space<vmem>> -> memref<1000xi32, #tpu.memory_space<vmem>>
      %dma_start3A_186 = arith.constant 0 : i32
      %dma_start3A_187 = arith.constant 0 : i32
      %dma_start3A_188 = tpu.memref_slice %arg11[%dma_start3A_186, %dma_start3A_187] : memref<10240x32xf32, #tpu.memory_space<vmem_shared>> -> memref<10240x32xf32, #tpu.memory_space<vmem_shared>>
      tpu.enqueue_indirect_dma source(%arg10 : memref<1000x32xf32, #tpu.memory_space<vmem>>) target(%dma_start3A_188 : memref<10240x32xf32, #tpu.memory_space<vmem_shared>>) offsets(%dma_start3A_185 : memref<1000xi32, #tpu.memory_space<vmem>>) semaphore(%arg16 : memref<!tpu.dma_semaphore, #tpu.memory_space<semaphore_mem>>) {add = true}
    }
    %scan3A_67 = arith.constant 3 : i32
    %dma_wait3A_68 = arith.constant 8 : i32
    %dma_wait3A_69 = arith.constant 0 : i32
    %dma_wait3A_70 = tpu.memref_slice %arg7[%dma_wait3A_68, %dma_wait3A_69] : memref<10x1000xi32, #tpu.memory_space<vmem>> -> memref<1x1000xi32, #tpu.memory_space<vmem>>
    %dma_wait3A_71 = tpu.memref_squeeze %dma_wait3A_70 : memref<1x1000xi32, #tpu.memory_space<vmem>> -> memref<1000xi32, #tpu.memory_space<vmem>>
    %dma_wait3A_72 = arith.constant 0 : i32
    %dma_wait3A_73 = arith.constant 0 : i32
    %dma_wait3A_74 = tpu.memref_slice %arg12[%dma_wait3A_72, %dma_wait3A_73] : memref<10240x32xf32, #tpu.memory_space<vmem_shared>> -> memref<10240x32xf32, #tpu.memory_space<vmem_shared>>
    tpu.wait_indirect_dma semaphore(%arg13 : memref<!tpu.dma_semaphore, #tpu.memory_space<semaphore_mem>>) src(%dma_wait3A_74 : memref<10240x32xf32, #tpu.memory_space<vmem_shared>>) dst(%arg9 : memref<1000x32xf32, #tpu.memory_space<vmem>>)
    %dma_wait3A_75 = arith.constant 7 : i32
    %dma_wait3A_76 = arith.constant 0 : i32
    %dma_wait3A_77 = tpu.memref_slice %arg8[%dma_wait3A_75, %dma_wait3A_76] : memref<10x1000xi32, #tpu.memory_space<vmem>> -> memref<1x1000xi32, #tpu.memory_space<vmem>>
    %dma_wait3A_78 = tpu.memref_squeeze %dma_wait3A_77 : memref<1x1000xi32, #tpu.memory_space<vmem>> -> memref<1000xi32, #tpu.memory_space<vmem>>
    %dma_wait3A_79 = arith.constant 0 : i32
    %dma_wait3A_80 = arith.constant 0 : i32
    %dma_wait3A_81 = tpu.memref_slice %arg11[%dma_wait3A_79, %dma_wait3A_80] : memref<10240x32xf32, #tpu.memory_space<vmem_shared>> -> memref<10240x32xf32, #tpu.memory_space<vmem_shared>>
    tpu.wait_indirect_dma semaphore(%arg16 : memref<!tpu.dma_semaphore, #tpu.memory_space<semaphore_mem>>) src(%arg10 : memref<1000x32xf32, #tpu.memory_space<vmem>>) dst(%dma_wait3A_81 : memref<10240x32xf32, #tpu.memory_space<vmem_shared>>)
    %dma_start3A_82 = arith.constant 9 : i32
    %dma_start3A_83 = arith.constant 0 : i32
    %dma_start3A_84 = tpu.memref_slice %arg7[%dma_start3A_82, %dma_start3A_83] : memref<10x1000xi32, #tpu.memory_space<vmem>> -> memref<1x1000xi32, #tpu.memory_space<vmem>>
    %dma_start3A_85 = tpu.memref_squeeze %dma_start3A_84 : memref<1x1000xi32, #tpu.memory_space<vmem>> -> memref<1000xi32, #tpu.memory_space<vmem>>
    %dma_start3A_86 = arith.constant 0 : i32
    %dma_start3A_87 = arith.constant 0 : i32
    %dma_start3A_88 = tpu.memref_slice %arg12[%dma_start3A_86, %dma_start3A_87] : memref<10240x32xf32, #tpu.memory_space<vmem_shared>> -> memref<10240x32xf32, #tpu.memory_space<vmem_shared>>
    tpu.enqueue_indirect_dma source(%dma_start3A_88 : memref<10240x32xf32, #tpu.memory_space<vmem_shared>>) target(%arg10 : memref<1000x32xf32, #tpu.memory_space<vmem>>) offsets(%dma_start3A_85 : memref<1000xi32, #tpu.memory_space<vmem>>) semaphore(%arg14 : memref<!tpu.dma_semaphore, #tpu.memory_space<semaphore_mem>>)
    %dma_start3A_89 = arith.constant 8 : i32
    %dma_start3A_90 = arith.constant 0 : i32
    %dma_start3A_91 = tpu.memref_slice %arg8[%dma_start3A_89, %dma_start3A_90] : memref<10x1000xi32, #tpu.memory_space<vmem>> -> memref<1x1000xi32, #tpu.memory_space<vmem>>
    %dma_start3A_92 = tpu.memref_squeeze %dma_start3A_91 : memref<1x1000xi32, #tpu.memory_space<vmem>> -> memref<1000xi32, #tpu.memory_space<vmem>>
    %dma_start3A_93 = arith.constant 0 : i32
    %dma_start3A_94 = arith.constant 0 : i32
    %dma_start3A_95 = tpu.memref_slice %arg11[%dma_start3A_93, %dma_start3A_94] : memref<10240x32xf32, #tpu.memory_space<vmem_shared>> -> memref<10240x32xf32, #tpu.memory_space<vmem_shared>>
    tpu.enqueue_indirect_dma source(%arg9 : memref<1000x32xf32, #tpu.memory_space<vmem>>) target(%dma_start3A_95 : memref<10240x32xf32, #tpu.memory_space<vmem_shared>>) offsets(%dma_start3A_92 : memref<1000xi32, #tpu.memory_space<vmem>>) semaphore(%arg15 : memref<!tpu.dma_semaphore, #tpu.memory_space<semaphore_mem>>) {add = true}
    %dma_wait3A_96 = arith.constant 9 : i32
    %dma_wait3A_97 = arith.constant 0 : i32
    %dma_wait3A_98 = tpu.memref_slice %arg7[%dma_wait3A_96, %dma_wait3A_97] : memref<10x1000xi32, #tpu.memory_space<vmem>> -> memref<1x1000xi32, #tpu.memory_space<vmem>>
    %dma_wait3A_99 = tpu.memref_squeeze %dma_wait3A_98 : memref<1x1000xi32, #tpu.memory_space<vmem>> -> memref<1000xi32, #tpu.memory_space<vmem>>
    %dma_wait3A_100 = arith.constant 0 : i32
    %dma_wait3A_101 = arith.constant 0 : i32
    %dma_wait3A_102 = tpu.memref_slice %arg12[%dma_wait3A_100, %dma_wait3A_101] : memref<10240x32xf32, #tpu.memory_space<vmem_shared>> -> memref<10240x32xf32, #tpu.memory_space<vmem_shared>>
    tpu.wait_indirect_dma semaphore(%arg14 : memref<!tpu.dma_semaphore, #tpu.memory_space<semaphore_mem>>) src(%dma_wait3A_102 : memref<10240x32xf32, #tpu.memory_space<vmem_shared>>) dst(%arg10 : memref<1000x32xf32, #tpu.memory_space<vmem>>)
    %dma_wait3A_103 = arith.constant 8 : i32
    %dma_wait3A_104 = arith.constant 0 : i32
    %dma_wait3A_105 = tpu.memref_slice %arg8[%dma_wait3A_103, %dma_wait3A_104] : memref<10x1000xi32, #tpu.memory_space<vmem>> -> memref<1x1000xi32, #tpu.memory_space<vmem>>
    %dma_wait3A_106 = tpu.memref_squeeze %dma_wait3A_105 : memref<1x1000xi32, #tpu.memory_space<vmem>> -> memref<1000xi32, #tpu.memory_space<vmem>>
    %dma_wait3A_107 = arith.constant 0 : i32
    %dma_wait3A_108 = arith.constant 0 : i32
    %dma_wait3A_109 = tpu.memref_slice %arg11[%dma_wait3A_107, %dma_wait3A_108] : memref<10240x32xf32, #tpu.memory_space<vmem_shared>> -> memref<10240x32xf32, #tpu.memory_space<vmem_shared>>
    tpu.wait_indirect_dma semaphore(%arg15 : memref<!tpu.dma_semaphore, #tpu.memory_space<semaphore_mem>>) src(%arg9 : memref<1000x32xf32, #tpu.memory_space<vmem>>) dst(%dma_wait3A_109 : memref<10240x32xf32, #tpu.memory_space<vmem_shared>>)
    %dma_start3A_110 = arith.constant 9 : i32
    %dma_start3A_111 = arith.constant 0 : i32
    %dma_start3A_112 = tpu.memref_slice %arg8[%dma_start3A_110, %dma_start3A_111] : memref<10x1000xi32, #tpu.memory_space<vmem>> -> memref<1x1000xi32, #tpu.memory_space<vmem>>
    %dma_start3A_113 = tpu.memref_squeeze %dma_start3A_112 : memref<1x1000xi32, #tpu.memory_space<vmem>> -> memref<1000xi32, #tpu.memory_space<vmem>>
    %dma_start3A_114 = arith.constant 0 : i32
    %dma_start3A_115 = arith.constant 0 : i32
    %dma_start3A_116 = tpu.memref_slice %arg11[%dma_start3A_114, %dma_start3A_115] : memref<10240x32xf32, #tpu.memory_space<vmem_shared>> -> memref<10240x32xf32, #tpu.memory_space<vmem_shared>>
    tpu.enqueue_indirect_dma source(%arg10 : memref<1000x32xf32, #tpu.memory_space<vmem>>) target(%dma_start3A_116 : memref<10240x32xf32, #tpu.memory_space<vmem_shared>>) offsets(%dma_start3A_113 : memref<1000xi32, #tpu.memory_space<vmem>>) semaphore(%arg16 : memref<!tpu.dma_semaphore, #tpu.memory_space<semaphore_mem>>) {add = true}
    %dma_wait3A_117 = arith.constant 9 : i32
    %dma_wait3A_118 = arith.constant 0 : i32
    %dma_wait3A_119 = tpu.memref_slice %arg8[%dma_wait3A_117, %dma_wait3A_118] : memref<10x1000xi32, #tpu.memory_space<vmem>> -> memref<1x1000xi32, #tpu.memory_space<vmem>>
    %dma_wait3A_120 = tpu.memref_squeeze %dma_wait3A_119 : memref<1x1000xi32, #tpu.memory_space<vmem>> -> memref<1000xi32, #tpu.memory_space<vmem>>
    %dma_wait3A_121 = arith.constant 0 : i32
    %dma_wait3A_122 = arith.constant 0 : i32
    %dma_wait3A_123 = tpu.memref_slice %arg11[%dma_wait3A_121, %dma_wait3A_122] : memref<10240x32xf32, #tpu.memory_space<vmem_shared>> -> memref<10240x32xf32, #tpu.memory_space<vmem_shared>>
    tpu.wait_indirect_dma semaphore(%arg16 : memref<!tpu.dma_semaphore, #tpu.memory_space<semaphore_mem>>) src(%arg10 : memref<1000x32xf32, #tpu.memory_space<vmem>>) dst(%dma_wait3A_123 : memref<10240x32xf32, #tpu.memory_space<vmem_shared>>)
    %barrier3A_124 = arith.constant 0 : index
    tpu.barrier barrier_id(%barrier3A_124)
    %mul3A_125 = arith.constant 640 : i32
    %mul3A_126 = arith.muli %arg1, %mul3A_125 : i32
    %mul3A_127 = arith.constant 640 : i32
    %mul3A_128 = arith.muli %arg1, %mul3A_127 : i32
    "tpu.region"() ({
      %run_scoped3A = tpu.sem_alloc : memref<!tpu.dma_semaphore, #tpu.memory_space<semaphore_mem>>
      %dma_start3A_129 = arith.constant 0 : i32
      %dma_start3A_130 = tpu.memref_slice %arg6[%arg0, %mul3A_128, %dma_start3A_129] : memref<2x10240x32xf32, #tpu.memory_space<hbm>> -> memref<1x640x32xf32, #tpu.memory_space<hbm>>
      %dma_start3A_131 = tpu.memref_squeeze %dma_start3A_130 : memref<1x640x32xf32, #tpu.memory_space<hbm>> -> memref<640x32xf32, #tpu.memory_space<hbm>>
      %dma_start3A_132 = arith.constant 0 : i32
      %dma_start3A_133 = tpu.memref_slice %arg11[%mul3A_126, %dma_start3A_132] : memref<10240x32xf32, #tpu.memory_space<vmem_shared>> -> memref<640x32xf32, #tpu.memory_space<vmem_shared>>
      tpu.enqueue_dma source(%dma_start3A_133 : memref<640x32xf32, #tpu.memory_space<vmem_shared>>) target(%dma_start3A_131 : memref<640x32xf32, #tpu.memory_space<hbm>>) target_semaphore(%run_scoped3A : memref<!tpu.dma_semaphore, #tpu.memory_space<semaphore_mem>>)
      %dma_wait3A_134 = arith.constant 0 : i32
      %dma_wait3A_135 = tpu.memref_slice %arg6[%arg0, %mul3A_128, %dma_wait3A_134] : memref<2x10240x32xf32, #tpu.memory_space<hbm>> -> memref<1x640x32xf32, #tpu.memory_space<hbm>>
      %dma_wait3A_136 = tpu.memref_squeeze %dma_wait3A_135 : memref<1x640x32xf32, #tpu.memory_space<hbm>> -> memref<640x32xf32, #tpu.memory_space<hbm>>
      %dma_wait3A_137 = arith.constant 0 : i32
      %dma_wait3A_138 = tpu.memref_slice %arg11[%mul3A_126, %dma_wait3A_137] : memref<10240x32xf32, #tpu.memory_space<vmem_shared>> -> memref<640x32xf32, #tpu.memory_space<vmem_shared>>
      tpu.wait_dma2 semaphore(%run_scoped3A : memref<!tpu.dma_semaphore, #tpu.memory_space<semaphore_mem>>) src(%dma_wait3A_138 : memref<640x32xf32, #tpu.memory_space<vmem_shared>>) dst(%dma_wait3A_136 : memref<640x32xf32, #tpu.memory_space<hbm>>)
      tpu.yield
    }) : () -> ()
    return
  }
}

#map = affine_map<(d0, d1) -> (0, 0)>
#map1 = affine_map<(d0, d1) -> (0, 0, 0)>
module attributes {stable_mosaic.version = 14 : i64} {
  func.func @k(%arg0: i32, %arg1: i32, %arg2: memref<10240x32xf32, #tpu.memory_space<hbm>>, %arg3: memref<32x10x1000xi32, #tpu.memory_space<hbm>>, %arg4: memref<32x10x1000xi32, #tpu.memory_space<hbm>>, %arg5: memref<10240x32xf32, #tpu.memory_space<hbm>>, %arg6: memref<2x10240x32xf32, #tpu.memory_space<hbm>>, %arg7: memref<10x1000xi32, #tpu.memory_space<vmem>>, %arg8: memref<10x1000xi32, #tpu.memory_space<vmem>>, %arg9: memref<1000x32xf32, #tpu.memory_space<vmem>>, %arg10: memref<1000x32xf32, #tpu.memory_space<vmem>>, %arg11: memref<10240x32xf32, #tpu.memory_space<vmem_shared>>, %arg12: memref<10240x32xf32, #tpu.memory_space<vmem_shared>>, %arg13: memref<!tpu.dma_semaphore, #tpu.memory_space<semaphore_mem>>, %arg14: memref<!tpu.dma_semaphore, #tpu.memory_space<semaphore_mem>>, %arg15: memref<!tpu.dma_semaphore, #tpu.memory_space<semaphore_mem>>, %arg16: memref<!tpu.dma_semaphore, #tpu.memory_space<semaphore_mem>>) attributes {dimension_semantics = [#tpu.dimension_semantics<core_parallel>, #tpu.dimension_semantics<subcore_parallel>], iteration_bounds = array<i64: 2, 16>, scalar_prefetch = 0 : i64, scratch_operands = 10 : i64, tpu.core_type = #tpu.core_type<sc_vector_subcore>, window_params = [{transform_indices = #map}, {transform_indices = #map1}, {transform_indices = #map1}, {transform_indices = #map}, {transform_indices = #map1}]} {
    %mul3A = arith.constant 16 : i32
    %mul3A_0 = arith.muli %arg0, %mul3A : i32
    %add3A = arith.addi %mul3A_0, %arg1 : i32
    %mul3A_1 = arith.constant 640 : i32
    %mul3A_2 = arith.muli %arg1, %mul3A_1 : i32
    %mul3A_3 = arith.constant 640 : i32
    %mul3A_4 = arith.muli %arg1, %mul3A_3 : i32
    "tpu.region"() ({
      %run_scoped3A = tpu.sem_alloc : memref<!tpu.dma_semaphore, #tpu.memory_space<semaphore_mem>>
      %dma_start3A_129 = arith.constant 0 : i32
      %dma_start3A_130 = tpu.memref_slice %arg11[%mul3A_4, %dma_start3A_129] : memref<10240x32xf32, #tpu.memory_space<vmem_shared>> -> memref<640x32xf32, #tpu.memory_space<vmem_shared>>
      %dma_start3A_131 = arith.constant 0 : i32
      %dma_start3A_132 = tpu.memref_slice %arg5[%mul3A_2, %dma_start3A_131] : memref<10240x32xf32, #tpu.memory_space<hbm>> -> memref<640x32xf32, #tpu.memory_space<hbm>>
      tpu.enqueue_dma source(%dma_start3A_132 : memref<640x32xf32, #tpu.memory_space<hbm>>) target(%dma_start3A_130 : memref<640x32xf32, #tpu.memory_space<vmem_shared>>) target_semaphore(%run_scoped3A : memref<!tpu.dma_semaphore, #tpu.memory_space<semaphore_mem>>)
      %dma_wait3A_133 = arith.constant 0 : i32
      %dma_wait3A_134 = tpu.memref_slice %arg11[%mul3A_4, %dma_wait3A_133] : memref<10240x32xf32, #tpu.memory_space<vmem_shared>> -> memref<640x32xf32, #tpu.memory_space<vmem_shared>>
      %dma_wait3A_135 = arith.constant 0 : i32
      %dma_wait3A_136 = tpu.memref_slice %arg5[%mul3A_2, %dma_wait3A_135] : memref<10240x32xf32, #tpu.memory_space<hbm>> -> memref<640x32xf32, #tpu.memory_space<hbm>>
      tpu.wait_dma2 semaphore(%run_scoped3A : memref<!tpu.dma_semaphore, #tpu.memory_space<semaphore_mem>>) src(%dma_wait3A_136 : memref<640x32xf32, #tpu.memory_space<hbm>>) dst(%dma_wait3A_134 : memref<640x32xf32, #tpu.memory_space<vmem_shared>>)
      tpu.yield
    }) : () -> ()
    %mul3A_5 = arith.constant 640 : i32
    %mul3A_6 = arith.muli %arg1, %mul3A_5 : i32
    %mul3A_7 = arith.constant 640 : i32
    %mul3A_8 = arith.muli %arg1, %mul3A_7 : i32
    "tpu.region"() ({
      %run_scoped3A = tpu.sem_alloc : memref<!tpu.dma_semaphore, #tpu.memory_space<semaphore_mem>>
      %dma_start3A_129 = arith.constant 0 : i32
      %dma_start3A_130 = tpu.memref_slice %arg12[%mul3A_8, %dma_start3A_129] : memref<10240x32xf32, #tpu.memory_space<vmem_shared>> -> memref<640x32xf32, #tpu.memory_space<vmem_shared>>
      %dma_start3A_131 = arith.constant 0 : i32
      %dma_start3A_132 = tpu.memref_slice %arg2[%mul3A_6, %dma_start3A_131] : memref<10240x32xf32, #tpu.memory_space<hbm>> -> memref<640x32xf32, #tpu.memory_space<hbm>>
      tpu.enqueue_dma source(%dma_start3A_132 : memref<640x32xf32, #tpu.memory_space<hbm>>) target(%dma_start3A_130 : memref<640x32xf32, #tpu.memory_space<vmem_shared>>) target_semaphore(%run_scoped3A : memref<!tpu.dma_semaphore, #tpu.memory_space<semaphore_mem>>)
      %dma_wait3A_133 = arith.constant 0 : i32
      %dma_wait3A_134 = tpu.memref_slice %arg12[%mul3A_8, %dma_wait3A_133] : memref<10240x32xf32, #tpu.memory_space<vmem_shared>> -> memref<640x32xf32, #tpu.memory_space<vmem_shared>>
      %dma_wait3A_135 = arith.constant 0 : i32
      %dma_wait3A_136 = tpu.memref_slice %arg2[%mul3A_6, %dma_wait3A_135] : memref<10240x32xf32, #tpu.memory_space<hbm>> -> memref<640x32xf32, #tpu.memory_space<hbm>>
      tpu.wait_dma2 semaphore(%run_scoped3A : memref<!tpu.dma_semaphore, #tpu.memory_space<semaphore_mem>>) src(%dma_wait3A_136 : memref<640x32xf32, #tpu.memory_space<hbm>>) dst(%dma_wait3A_134 : memref<640x32xf32, #tpu.memory_space<vmem_shared>>)
      tpu.yield
    }) : () -> ()
    "tpu.region"() ({
      %run_scoped3A = tpu.sem_alloc : memref<!tpu.dma_semaphore, #tpu.memory_space<semaphore_mem>>
      %dma_start3A_129 = arith.constant 0 : i32
      %dma_start3A_130 = arith.constant 0 : i32
      %dma_start3A_131 = tpu.memref_slice %arg3[%add3A, %dma_start3A_129, %dma_start3A_130] : memref<32x10x1000xi32, #tpu.memory_space<hbm>> -> memref<1x10x1000xi32, #tpu.memory_space<hbm>>
      %dma_start3A_132 = tpu.memref_squeeze %dma_start3A_131 : memref<1x10x1000xi32, #tpu.memory_space<hbm>> -> memref<10x1000xi32, #tpu.memory_space<hbm>>
      %dma_start3A_133 = arith.constant 0 : i32
      %dma_start3A_134 = arith.constant 0 : i32
      %dma_start3A_135 = tpu.memref_slice %arg3[%add3A, %dma_start3A_133, %dma_start3A_134] : memref<32x10x1000xi32, #tpu.memory_space<hbm>> -> memref<1x10x1000xi32, #tpu.memory_space<hbm>>
      %dma_start3A_136 = tpu.memref_squeeze %dma_start3A_135 : memref<1x10x1000xi32, #tpu.memory_space<hbm>> -> memref<10x1000xi32, #tpu.memory_space<hbm>>
      tpu.enqueue_dma source(%dma_start3A_136 : memref<10x1000xi32, #tpu.memory_space<hbm>>) target(%arg7 : memref<10x1000xi32, #tpu.memory_space<vmem>>) target_semaphore(%run_scoped3A : memref<!tpu.dma_semaphore, #tpu.memory_space<semaphore_mem>>)
      %dma_wait3A_137 = arith.constant 0 : i32
      %dma_wait3A_138 = arith.constant 0 : i32
      %dma_wait3A_139 = tpu.memref_slice %arg3[%add3A, %dma_wait3A_137, %dma_wait3A_138] : memref<32x10x1000xi32, #tpu.memory_space<hbm>> -> memref<1x10x1000xi32, #tpu.memory_space<hbm>>
      %dma_wait3A_140 = tpu.memref_squeeze %dma_wait3A_139 : memref<1x10x1000xi32, #tpu.memory_space<hbm>> -> memref<10x1000xi32, #tpu.memory_space<hbm>>
      %dma_wait3A_141 = arith.constant 0 : i32
      %dma_wait3A_142 = arith.constant 0 : i32
      %dma_wait3A_143 = tpu.memref_slice %arg3[%add3A, %dma_wait3A_141, %dma_wait3A_142] : memref<32x10x1000xi32, #tpu.memory_space<hbm>> -> memref<1x10x1000xi32, #tpu.memory_space<hbm>>
      %dma_wait3A_144 = tpu.memref_squeeze %dma_wait3A_143 : memref<1x10x1000xi32, #tpu.memory_space<hbm>> -> memref<10x1000xi32, #tpu.memory_space<hbm>>
      tpu.wait_dma2 semaphore(%run_scoped3A : memref<!tpu.dma_semaphore, #tpu.memory_space<semaphore_mem>>) src(%dma_wait3A_144 : memref<10x1000xi32, #tpu.memory_space<hbm>>) dst(%arg7 : memref<10x1000xi32, #tpu.memory_space<vmem>>)
      tpu.yield
    }) : () -> ()
    "tpu.region"() ({
      %run_scoped3A = tpu.sem_alloc : memref<!tpu.dma_semaphore, #tpu.memory_space<semaphore_mem>>
      %dma_start3A_129 = arith.constant 0 : i32
      %dma_start3A_130 = arith.constant 0 : i32
      %dma_start3A_131 = tpu.memref_slice %arg4[%add3A, %dma_start3A_129, %dma_start3A_130] : memref<32x10x1000xi32, #tpu.memory_space<hbm>> -> memref<1x10x1000xi32, #tpu.memory_space<hbm>>
      %dma_start3A_132 = tpu.memref_squeeze %dma_start3A_131 : memref<1x10x1000xi32, #tpu.memory_space<hbm>> -> memref<10x1000xi32, #tpu.memory_space<hbm>>
      %dma_start3A_133 = arith.constant 0 : i32
      %dma_start3A_134 = arith.constant 0 : i32
      %dma_start3A_135 = tpu.memref_slice %arg4[%add3A, %dma_start3A_133, %dma_start3A_134] : memref<32x10x1000xi32, #tpu.memory_space<hbm>> -> memref<1x10x1000xi32, #tpu.memory_space<hbm>>
      %dma_start3A_136 = tpu.memref_squeeze %dma_start3A_135 : memref<1x10x1000xi32, #tpu.memory_space<hbm>> -> memref<10x1000xi32, #tpu.memory_space<hbm>>
      tpu.enqueue_dma source(%dma_start3A_136 : memref<10x1000xi32, #tpu.memory_space<hbm>>) target(%arg8 : memref<10x1000xi32, #tpu.memory_space<vmem>>) target_semaphore(%run_scoped3A : memref<!tpu.dma_semaphore, #tpu.memory_space<semaphore_mem>>)
      %dma_wait3A_137 = arith.constant 0 : i32
      %dma_wait3A_138 = arith.constant 0 : i32
      %dma_wait3A_139 = tpu.memref_slice %arg4[%add3A, %dma_wait3A_137, %dma_wait3A_138] : memref<32x10x1000xi32, #tpu.memory_space<hbm>> -> memref<1x10x1000xi32, #tpu.memory_space<hbm>>
      %dma_wait3A_140 = tpu.memref_squeeze %dma_wait3A_139 : memref<1x10x1000xi32, #tpu.memory_space<hbm>> -> memref<10x1000xi32, #tpu.memory_space<hbm>>
      %dma_wait3A_141 = arith.constant 0 : i32
      %dma_wait3A_142 = arith.constant 0 : i32
      %dma_wait3A_143 = tpu.memref_slice %arg4[%add3A, %dma_wait3A_141, %dma_wait3A_142] : memref<32x10x1000xi32, #tpu.memory_space<hbm>> -> memref<1x10x1000xi32, #tpu.memory_space<hbm>>
      %dma_wait3A_144 = tpu.memref_squeeze %dma_wait3A_143 : memref<1x10x1000xi32, #tpu.memory_space<hbm>> -> memref<10x1000xi32, #tpu.memory_space<hbm>>
      tpu.wait_dma2 semaphore(%run_scoped3A : memref<!tpu.dma_semaphore, #tpu.memory_space<semaphore_mem>>) src(%dma_wait3A_144 : memref<10x1000xi32, #tpu.memory_space<hbm>>) dst(%arg8 : memref<10x1000xi32, #tpu.memory_space<vmem>>)
      tpu.yield
    }) : () -> ()
    %barrier3A = arith.constant 0 : index
    tpu.barrier barrier_id(%barrier3A)
    %dma_start3A = arith.constant 0 : i32
    %dma_start3A_9 = arith.constant 0 : i32
    %dma_start3A_10 = tpu.memref_slice %arg7[%dma_start3A, %dma_start3A_9] : memref<10x1000xi32, #tpu.memory_space<vmem>> -> memref<1x1000xi32, #tpu.memory_space<vmem>>
    %dma_start3A_11 = tpu.memref_squeeze %dma_start3A_10 : memref<1x1000xi32, #tpu.memory_space<vmem>> -> memref<1000xi32, #tpu.memory_space<vmem>>
    %dma_start3A_12 = arith.constant 0 : i32
    %dma_start3A_13 = arith.constant 0 : i32
    %dma_start3A_14 = tpu.memref_slice %arg12[%dma_start3A_12, %dma_start3A_13] : memref<10240x32xf32, #tpu.memory_space<vmem_shared>> -> memref<10240x32xf32, #tpu.memory_space<vmem_shared>>
    tpu.enqueue_indirect_dma source(%dma_start3A_14 : memref<10240x32xf32, #tpu.memory_space<vmem_shared>>) target(%arg9 : memref<1000x32xf32, #tpu.memory_space<vmem>>) offsets(%dma_start3A_11 : memref<1000xi32, #tpu.memory_space<vmem>>) semaphore(%arg13 : memref<!tpu.dma_semaphore, #tpu.memory_space<semaphore_mem>>)
    %dma_wait3A = arith.constant 0 : i32
    %dma_wait3A_15 = arith.constant 0 : i32
    %dma_wait3A_16 = tpu.memref_slice %arg7[%dma_wait3A, %dma_wait3A_15] : memref<10x1000xi32, #tpu.memory_space<vmem>> -> memref<1x1000xi32, #tpu.memory_space<vmem>>
    %dma_wait3A_17 = tpu.memref_squeeze %dma_wait3A_16 : memref<1x1000xi32, #tpu.memory_space<vmem>> -> memref<1000xi32, #tpu.memory_space<vmem>>
    %dma_wait3A_18 = arith.constant 0 : i32
    %dma_wait3A_19 = arith.constant 0 : i32
    %dma_wait3A_20 = tpu.memref_slice %arg12[%dma_wait3A_18, %dma_wait3A_19] : memref<10240x32xf32, #tpu.memory_space<vmem_shared>> -> memref<10240x32xf32, #tpu.memory_space<vmem_shared>>
    tpu.wait_indirect_dma semaphore(%arg13 : memref<!tpu.dma_semaphore, #tpu.memory_space<semaphore_mem>>) src(%dma_wait3A_20 : memref<10240x32xf32, #tpu.memory_space<vmem_shared>>) dst(%arg9 : memref<1000x32xf32, #tpu.memory_space<vmem>>)
    %dma_start3A_21 = arith.constant 1 : i32
    %dma_start3A_22 = arith.constant 0 : i32
    %dma_start3A_23 = tpu.memref_slice %arg7[%dma_start3A_21, %dma_start3A_22] : memref<10x1000xi32, #tpu.memory_space<vmem>> -> memref<1x1000xi32, #tpu.memory_space<vmem>>
    %dma_start3A_24 = tpu.memref_squeeze %dma_start3A_23 : memref<1x1000xi32, #tpu.memory_space<vmem>> -> memref<1000xi32, #tpu.memory_space<vmem>>
    %dma_start3A_25 = arith.constant 0 : i32
    %dma_start3A_26 = arith.constant 0 : i32
    %dma_start3A_27 = tpu.memref_slice %arg12[%dma_start3A_25, %dma_start3A_26] : memref<10240x32xf32, #tpu.memory_space<vmem_shared>> -> memref<10240x32xf32, #tpu.memory_space<vmem_shared>>
    tpu.enqueue_indirect_dma source(%dma_start3A_27 : memref<10240x32xf32, #tpu.memory_space<vmem_shared>>) target(%arg10 : memref<1000x32xf32, #tpu.memory_space<vmem>>) offsets(%dma_start3A_24 : memref<1000xi32, #tpu.memory_space<vmem>>) semaphore(%arg14 : memref<!tpu.dma_semaphore, #tpu.memory_space<semaphore_mem>>)
    %dma_start3A_28 = arith.constant 0 : i32
    %dma_start3A_29 = arith.constant 0 : i32
    %dma_start3A_30 = tpu.memref_slice %arg8[%dma_start3A_28, %dma_start3A_29] : memref<10x1000xi32, #tpu.memory_space<vmem>> -> memref<1x1000xi32, #tpu.memory_space<vmem>>
    %dma_start3A_31 = tpu.memref_squeeze %dma_start3A_30 : memref<1x1000xi32, #tpu.memory_space<vmem>> -> memref<1000xi32, #tpu.memory_space<vmem>>
    %dma_start3A_32 = arith.constant 0 : i32
    %dma_start3A_33 = arith.constant 0 : i32
    %dma_start3A_34 = tpu.memref_slice %arg11[%dma_start3A_32, %dma_start3A_33] : memref<10240x32xf32, #tpu.memory_space<vmem_shared>> -> memref<10240x32xf32, #tpu.memory_space<vmem_shared>>
    tpu.enqueue_indirect_dma source(%arg9 : memref<1000x32xf32, #tpu.memory_space<vmem>>) target(%dma_start3A_34 : memref<10240x32xf32, #tpu.memory_space<vmem_shared>>) offsets(%dma_start3A_31 : memref<1000xi32, #tpu.memory_space<vmem>>) semaphore(%arg15 : memref<!tpu.dma_semaphore, #tpu.memory_space<semaphore_mem>>) {add = true}
    %dma_wait3A_35 = arith.constant 1 : i32
    %dma_wait3A_36 = arith.constant 0 : i32
    %dma_wait3A_37 = tpu.memref_slice %arg7[%dma_wait3A_35, %dma_wait3A_36] : memref<10x1000xi32, #tpu.memory_space<vmem>> -> memref<1x1000xi32, #tpu.memory_space<vmem>>
    %dma_wait3A_38 = tpu.memref_squeeze %dma_wait3A_37 : memref<1x1000xi32, #tpu.memory_space<vmem>> -> memref<1000xi32, #tpu.memory_space<vmem>>
    %dma_wait3A_39 = arith.constant 0 : i32
    %dma_wait3A_40 = arith.constant 0 : i32
    %dma_wait3A_41 = tpu.memref_slice %arg12[%dma_wait3A_39, %dma_wait3A_40] : memref<10240x32xf32, #tpu.memory_space<vmem_shared>> -> memref<10240x32xf32, #tpu.memory_space<vmem_shared>>
    tpu.wait_indirect_dma semaphore(%arg14 : memref<!tpu.dma_semaphore, #tpu.memory_space<semaphore_mem>>) src(%dma_wait3A_41 : memref<10240x32xf32, #tpu.memory_space<vmem_shared>>) dst(%arg10 : memref<1000x32xf32, #tpu.memory_space<vmem>>)
    %dma_wait3A_42 = arith.constant 0 : i32
    %dma_wait3A_43 = arith.constant 0 : i32
    %dma_wait3A_44 = tpu.memref_slice %arg8[%dma_wait3A_42, %dma_wait3A_43] : memref<10x1000xi32, #tpu.memory_space<vmem>> -> memref<1x1000xi32, #tpu.memory_space<vmem>>
    %dma_wait3A_45 = tpu.memref_squeeze %dma_wait3A_44 : memref<1x1000xi32, #tpu.memory_space<vmem>> -> memref<1000xi32, #tpu.memory_space<vmem>>
    %dma_wait3A_46 = arith.constant 0 : i32
    %dma_wait3A_47 = arith.constant 0 : i32
    %dma_wait3A_48 = tpu.memref_slice %arg11[%dma_wait3A_46, %dma_wait3A_47] : memref<10240x32xf32, #tpu.memory_space<vmem_shared>> -> memref<10240x32xf32, #tpu.memory_space<vmem_shared>>
    tpu.wait_indirect_dma semaphore(%arg15 : memref<!tpu.dma_semaphore, #tpu.memory_space<semaphore_mem>>) src(%arg9 : memref<1000x32xf32, #tpu.memory_space<vmem>>) dst(%dma_wait3A_48 : memref<10240x32xf32, #tpu.memory_space<vmem_shared>>)
    %dma_start3A_49 = arith.constant 2 : i32
    %dma_start3A_50 = arith.constant 0 : i32
    %dma_start3A_51 = tpu.memref_slice %arg7[%dma_start3A_49, %dma_start3A_50] : memref<10x1000xi32, #tpu.memory_space<vmem>> -> memref<1x1000xi32, #tpu.memory_space<vmem>>
    %dma_start3A_52 = tpu.memref_squeeze %dma_start3A_51 : memref<1x1000xi32, #tpu.memory_space<vmem>> -> memref<1000xi32, #tpu.memory_space<vmem>>
    %dma_start3A_53 = arith.constant 0 : i32
    %dma_start3A_54 = arith.constant 0 : i32
    %dma_start3A_55 = tpu.memref_slice %arg12[%dma_start3A_53, %dma_start3A_54] : memref<10240x32xf32, #tpu.memory_space<vmem_shared>> -> memref<10240x32xf32, #tpu.memory_space<vmem_shared>>
    tpu.enqueue_indirect_dma source(%dma_start3A_55 : memref<10240x32xf32, #tpu.memory_space<vmem_shared>>) target(%arg9 : memref<1000x32xf32, #tpu.memory_space<vmem>>) offsets(%dma_start3A_52 : memref<1000xi32, #tpu.memory_space<vmem>>) semaphore(%arg13 : memref<!tpu.dma_semaphore, #tpu.memory_space<semaphore_mem>>)
    %dma_start3A_56 = arith.constant 1 : i32
    %dma_start3A_57 = arith.constant 0 : i32
    %dma_start3A_58 = tpu.memref_slice %arg8[%dma_start3A_56, %dma_start3A_57] : memref<10x1000xi32, #tpu.memory_space<vmem>> -> memref<1x1000xi32, #tpu.memory_space<vmem>>
    %dma_start3A_59 = tpu.memref_squeeze %dma_start3A_58 : memref<1x1000xi32, #tpu.memory_space<vmem>> -> memref<1000xi32, #tpu.memory_space<vmem>>
    %dma_start3A_60 = arith.constant 0 : i32
    %dma_start3A_61 = arith.constant 0 : i32
    %dma_start3A_62 = tpu.memref_slice %arg11[%dma_start3A_60, %dma_start3A_61] : memref<10240x32xf32, #tpu.memory_space<vmem_shared>> -> memref<10240x32xf32, #tpu.memory_space<vmem_shared>>
    tpu.enqueue_indirect_dma source(%arg10 : memref<1000x32xf32, #tpu.memory_space<vmem>>) target(%dma_start3A_62 : memref<10240x32xf32, #tpu.memory_space<vmem_shared>>) offsets(%dma_start3A_59 : memref<1000xi32, #tpu.memory_space<vmem>>) semaphore(%arg16 : memref<!tpu.dma_semaphore, #tpu.memory_space<semaphore_mem>>) {add = true}
    %scan3A = arith.constant 0 : i32
    %scan3A_63 = arith.constant 1 : i32
    %scan3A_64 = arith.constant 3 : i32
    %scan3A_65 = arith.addi %scan3A_63, %scan3A_64 : i32
    %scan3A_66 = arith.constant 1 : i32
    scf.for %scan3A_129 = %scan3A_63 to %scan3A_65 step %scan3A_66  : i32 {
      %mul3A_130 = arith.constant 2 : i32
      %mul3A_131 = arith.muli %scan3A_129, %mul3A_130 : i32
      %dma_wait3A_132 = arith.constant 0 : i32
      %dma_wait3A_133 = tpu.memref_slice %arg7[%mul3A_131, %dma_wait3A_132] : memref<10x1000xi32, #tpu.memory_space<vmem>> -> memref<1x1000xi32, #tpu.memory_space<vmem>>
      %dma_wait3A_134 = tpu.memref_squeeze %dma_wait3A_133 : memref<1x1000xi32, #tpu.memory_space<vmem>> -> memref<1000xi32, #tpu.memory_space<vmem>>
      %dma_wait3A_135 = arith.constant 0 : i32
      %dma_wait3A_136 = arith.constant 0 : i32
      %dma_wait3A_137 = tpu.memref_slice %arg12[%dma_wait3A_135, %dma_wait3A_136] : memref<10240x32xf32, #tpu.memory_space<vmem_shared>> -> memref<10240x32xf32, #tpu.memory_space<vmem_shared>>
      tpu.wait_indirect_dma semaphore(%arg13 : memref<!tpu.dma_semaphore, #tpu.memory_space<semaphore_mem>>) src(%dma_wait3A_137 : memref<10240x32xf32, #tpu.memory_space<vmem_shared>>) dst(%arg9 : memref<1000x32xf32, #tpu.memory_space<vmem>>)
      %sub3A = arith.constant 1 : i32
      %sub3A_138 = arith.subi %mul3A_131, %sub3A : i32
      %dma_wait3A_139 = arith.constant 0 : i32
      %dma_wait3A_140 = tpu.memref_slice %arg8[%sub3A_138, %dma_wait3A_139] : memref<10x1000xi32, #tpu.memory_space<vmem>> -> memref<1x1000xi32, #tpu.memory_space<vmem>>
      %dma_wait3A_141 = tpu.memref_squeeze %dma_wait3A_140 : memref<1x1000xi32, #tpu.memory_space<vmem>> -> memref<1000xi32, #tpu.memory_space<vmem>>
      %dma_wait3A_142 = arith.constant 0 : i32
      %dma_wait3A_143 = arith.constant 0 : i32
      %dma_wait3A_144 = tpu.memref_slice %arg11[%dma_wait3A_142, %dma_wait3A_143] : memref<10240x32xf32, #tpu.memory_space<vmem_shared>> -> memref<10240x32xf32, #tpu.memory_space<vmem_shared>>
      tpu.wait_indirect_dma semaphore(%arg16 : memref<!tpu.dma_semaphore, #tpu.memory_space<semaphore_mem>>) src(%arg10 : memref<1000x32xf32, #tpu.memory_space<vmem>>) dst(%dma_wait3A_144 : memref<10240x32xf32, #tpu.memory_space<vmem_shared>>)
      %add3A_145 = arith.constant 1 : i32
      %add3A_146 = arith.addi %mul3A_131, %add3A_145 : i32
      %dma_start3A_147 = arith.constant 0 : i32
      %dma_start3A_148 = tpu.memref_slice %arg7[%add3A_146, %dma_start3A_147] : memref<10x1000xi32, #tpu.memory_space<vmem>> -> memref<1x1000xi32, #tpu.memory_space<vmem>>
      %dma_start3A_149 = tpu.memref_squeeze %dma_start3A_148 : memref<1x1000xi32, #tpu.memory_space<vmem>> -> memref<1000xi32, #tpu.memory_space<vmem>>
      %dma_start3A_150 = arith.constant 0 : i32
      %dma_start3A_151 = arith.constant 0 : i32
      %dma_start3A_152 = tpu.memref_slice %arg12[%dma_start3A_150, %dma_start3A_151] : memref<10240x32xf32, #tpu.memory_space<vmem_shared>> -> memref<10240x32xf32, #tpu.memory_space<vmem_shared>>
      tpu.enqueue_indirect_dma source(%dma_start3A_152 : memref<10240x32xf32, #tpu.memory_space<vmem_shared>>) target(%arg10 : memref<1000x32xf32, #tpu.memory_space<vmem>>) offsets(%dma_start3A_149 : memref<1000xi32, #tpu.memory_space<vmem>>) semaphore(%arg14 : memref<!tpu.dma_semaphore, #tpu.memory_space<semaphore_mem>>)
      %dma_start3A_153 = arith.constant 0 : i32
      %dma_start3A_154 = tpu.memref_slice %arg8[%mul3A_131, %dma_start3A_153] : memref<10x1000xi32, #tpu.memory_space<vmem>> -> memref<1x1000xi32, #tpu.memory_space<vmem>>
      %dma_start3A_155 = tpu.memref_squeeze %dma_start3A_154 : memref<1x1000xi32, #tpu.memory_space<vmem>> -> memref<1000xi32, #tpu.memory_space<vmem>>
      %dma_start3A_156 = arith.constant 0 : i32
      %dma_start3A_157 = arith.constant 0 : i32
      %dma_start3A_158 = tpu.memref_slice %arg11[%dma_start3A_156, %dma_start3A_157] : memref<10240x32xf32, #tpu.memory_space<vmem_shared>> -> memref<10240x32xf32, #tpu.memory_space<vmem_shared>>
      tpu.enqueue_indirect_dma source(%arg9 : memref<1000x32xf32, #tpu.memory_space<vmem>>) target(%dma_start3A_158 : memref<10240x32xf32, #tpu.memory_space<vmem_shared>>) offsets(%dma_start3A_155 : memref<1000xi32, #tpu.memory_space<vmem>>) semaphore(%arg15 : memref<!tpu.dma_semaphore, #tpu.memory_space<semaphore_mem>>) {add = true}
      %add3A_159 = arith.constant 1 : i32
      %add3A_160 = arith.addi %mul3A_131, %add3A_159 : i32
      %dma_wait3A_161 = arith.constant 0 : i32
      %dma_wait3A_162 = tpu.memref_slice %arg7[%add3A_160, %dma_wait3A_161] : memref<10x1000xi32, #tpu.memory_space<vmem>> -> memref<1x1000xi32, #tpu.memory_space<vmem>>
      %dma_wait3A_163 = tpu.memref_squeeze %dma_wait3A_162 : memref<1x1000xi32, #tpu.memory_space<vmem>> -> memref<1000xi32, #tpu.memory_space<vmem>>
      %dma_wait3A_164 = arith.constant 0 : i32
      %dma_wait3A_165 = arith.constant 0 : i32
      %dma_wait3A_166 = tpu.memref_slice %arg12[%dma_wait3A_164, %dma_wait3A_165] : memref<10240x32xf32, #tpu.memory_space<vmem_shared>> -> memref<10240x32xf32, #tpu.memory_space<vmem_shared>>
      tpu.wait_indirect_dma semaphore(%arg14 : memref<!tpu.dma_semaphore, #tpu.memory_space<semaphore_mem>>) src(%dma_wait3A_166 : memref<10240x32xf32, #tpu.memory_space<vmem_shared>>) dst(%arg10 : memref<1000x32xf32, #tpu.memory_space<vmem>>)
      %dma_wait3A_167 = arith.constant 0 : i32
      %dma_wait3A_168 = tpu.memref_slice %arg8[%mul3A_131, %dma_wait3A_167] : memref<10x1000xi32, #tpu.memory_space<vmem>> -> memref<1x1000xi32, #tpu.memory_space<vmem>>
      %dma_wait3A_169 = tpu.memref_squeeze %dma_wait3A_168 : memref<1x1000xi32, #tpu.memory_space<vmem>> -> memref<1000xi32, #tpu.memory_space<vmem>>
      %dma_wait3A_170 = arith.constant 0 : i32
      %dma_wait3A_171 = arith.constant 0 : i32
      %dma_wait3A_172 = tpu.memref_slice %arg11[%dma_wait3A_170, %dma_wait3A_171] : memref<10240x32xf32, #tpu.memory_space<vmem_shared>> -> memref<10240x32xf32, #tpu.memory_space<vmem_shared>>
      tpu.wait_indirect_dma semaphore(%arg15 : memref<!tpu.dma_semaphore, #tpu.memory_space<semaphore_mem>>) src(%arg9 : memref<1000x32xf32, #tpu.memory_space<vmem>>) dst(%dma_wait3A_172 : memref<10240x32xf32, #tpu.memory_space<vmem_shared>>)
      %add3A_173 = arith.constant 2 : i32
      %add3A_174 = arith.addi %mul3A_131, %add3A_173 : i32
      %dma_start3A_175 = arith.constant 0 : i32
      %dma_start3A_176 = tpu.memref_slice %arg7[%add3A_174, %dma_start3A_175] : memref<10x1000xi32, #tpu.memory_space<vmem>> -> memref<1x1000xi32, #tpu.memory_space<vmem>>
      %dma_start3A_177 = tpu.memref_squeeze %dma_start3A_176 : memref<1x1000xi32, #tpu.memory_space<vmem>> -> memref<1000xi32, #tpu.memory_space<vmem>>
      %dma_start3A_178 = arith.constant 0 : i32
      %dma_start3A_179 = arith.constant 0 : i32
      %dma_start3A_180 = tpu.memref_slice %arg12[%dma_start3A_178, %dma_start3A_179] : memref<10240x32xf32, #tpu.memory_space<vmem_shared>> -> memref<10240x32xf32, #tpu.memory_space<vmem_shared>>
      tpu.enqueue_indirect_dma source(%dma_start3A_180 : memref<10240x32xf32, #tpu.memory_space<vmem_shared>>) target(%arg9 : memref<1000x32xf32, #tpu.memory_space<vmem>>) offsets(%dma_start3A_177 : memref<1000xi32, #tpu.memory_space<vmem>>) semaphore(%arg13 : memref<!tpu.dma_semaphore, #tpu.memory_space<semaphore_mem>>)
      %add3A_181 = arith.constant 1 : i32
      %add3A_182 = arith.addi %mul3A_131, %add3A_181 : i32
      %dma_start3A_183 = arith.constant 0 : i32
      %dma_start3A_184 = tpu.memref_slice %arg8[%add3A_182, %dma_start3A_183] : memref<10x1000xi32, #tpu.memory_space<vmem>> -> memref<1x1000xi32, #tpu.memory_space<vmem>>
      %dma_start3A_185 = tpu.memref_squeeze %dma_start3A_184 : memref<1x1000xi32, #tpu.memory_space<vmem>> -> memref<1000xi32, #tpu.memory_space<vmem>>
      %dma_start3A_186 = arith.constant 0 : i32
      %dma_start3A_187 = arith.constant 0 : i32
      %dma_start3A_188 = tpu.memref_slice %arg11[%dma_start3A_186, %dma_start3A_187] : memref<10240x32xf32, #tpu.memory_space<vmem_shared>> -> memref<10240x32xf32, #tpu.memory_space<vmem_shared>>
      tpu.enqueue_indirect_dma source(%arg10 : memref<1000x32xf32, #tpu.memory_space<vmem>>) target(%dma_start3A_188 : memref<10240x32xf32, #tpu.memory_space<vmem_shared>>) offsets(%dma_start3A_185 : memref<1000xi32, #tpu.memory_space<vmem>>) semaphore(%arg16 : memref<!tpu.dma_semaphore, #tpu.memory_space<semaphore_mem>>) {add = true}
    }
    %scan3A_67 = arith.constant 3 : i32
    %dma_wait3A_68 = arith.constant 8 : i32
    %dma_wait3A_69 = arith.constant 0 : i32
    %dma_wait3A_70 = tpu.memref_slice %arg7[%dma_wait3A_68, %dma_wait3A_69] : memref<10x1000xi32, #tpu.memory_space<vmem>> -> memref<1x1000xi32, #tpu.memory_space<vmem>>
    %dma_wait3A_71 = tpu.memref_squeeze %dma_wait3A_70 : memref<1x1000xi32, #tpu.memory_space<vmem>> -> memref<1000xi32, #tpu.memory_space<vmem>>
    %dma_wait3A_72 = arith.constant 0 : i32
    %dma_wait3A_73 = arith.constant 0 : i32
    %dma_wait3A_74 = tpu.memref_slice %arg12[%dma_wait3A_72, %dma_wait3A_73] : memref<10240x32xf32, #tpu.memory_space<vmem_shared>> -> memref<10240x32xf32, #tpu.memory_space<vmem_shared>>
    tpu.wait_indirect_dma semaphore(%arg13 : memref<!tpu.dma_semaphore, #tpu.memory_space<semaphore_mem>>) src(%dma_wait3A_74 : memref<10240x32xf32, #tpu.memory_space<vmem_shared>>) dst(%arg9 : memref<1000x32xf32, #tpu.memory_space<vmem>>)
    %dma_wait3A_75 = arith.constant 7 : i32
    %dma_wait3A_76 = arith.constant 0 : i32
    %dma_wait3A_77 = tpu.memref_slice %arg8[%dma_wait3A_75, %dma_wait3A_76] : memref<10x1000xi32, #tpu.memory_space<vmem>> -> memref<1x1000xi32, #tpu.memory_space<vmem>>
    %dma_wait3A_78 = tpu.memref_squeeze %dma_wait3A_77 : memref<1x1000xi32, #tpu.memory_space<vmem>> -> memref<1000xi32, #tpu.memory_space<vmem>>
    %dma_wait3A_79 = arith.constant 0 : i32
    %dma_wait3A_80 = arith.constant 0 : i32
    %dma_wait3A_81 = tpu.memref_slice %arg11[%dma_wait3A_79, %dma_wait3A_80] : memref<10240x32xf32, #tpu.memory_space<vmem_shared>> -> memref<10240x32xf32, #tpu.memory_space<vmem_shared>>
    tpu.wait_indirect_dma semaphore(%arg16 : memref<!tpu.dma_semaphore, #tpu.memory_space<semaphore_mem>>) src(%arg10 : memref<1000x32xf32, #tpu.memory_space<vmem>>) dst(%dma_wait3A_81 : memref<10240x32xf32, #tpu.memory_space<vmem_shared>>)
    %dma_start3A_82 = arith.constant 9 : i32
    %dma_start3A_83 = arith.constant 0 : i32
    %dma_start3A_84 = tpu.memref_slice %arg7[%dma_start3A_82, %dma_start3A_83] : memref<10x1000xi32, #tpu.memory_space<vmem>> -> memref<1x1000xi32, #tpu.memory_space<vmem>>
    %dma_start3A_85 = tpu.memref_squeeze %dma_start3A_84 : memref<1x1000xi32, #tpu.memory_space<vmem>> -> memref<1000xi32, #tpu.memory_space<vmem>>
    %dma_start3A_86 = arith.constant 0 : i32
    %dma_start3A_87 = arith.constant 0 : i32
    %dma_start3A_88 = tpu.memref_slice %arg12[%dma_start3A_86, %dma_start3A_87] : memref<10240x32xf32, #tpu.memory_space<vmem_shared>> -> memref<10240x32xf32, #tpu.memory_space<vmem_shared>>
    tpu.enqueue_indirect_dma source(%dma_start3A_88 : memref<10240x32xf32, #tpu.memory_space<vmem_shared>>) target(%arg10 : memref<1000x32xf32, #tpu.memory_space<vmem>>) offsets(%dma_start3A_85 : memref<1000xi32, #tpu.memory_space<vmem>>) semaphore(%arg14 : memref<!tpu.dma_semaphore, #tpu.memory_space<semaphore_mem>>)
    %dma_start3A_89 = arith.constant 8 : i32
    %dma_start3A_90 = arith.constant 0 : i32
    %dma_start3A_91 = tpu.memref_slice %arg8[%dma_start3A_89, %dma_start3A_90] : memref<10x1000xi32, #tpu.memory_space<vmem>> -> memref<1x1000xi32, #tpu.memory_space<vmem>>
    %dma_start3A_92 = tpu.memref_squeeze %dma_start3A_91 : memref<1x1000xi32, #tpu.memory_space<vmem>> -> memref<1000xi32, #tpu.memory_space<vmem>>
    %dma_start3A_93 = arith.constant 0 : i32
    %dma_start3A_94 = arith.constant 0 : i32
    %dma_start3A_95 = tpu.memref_slice %arg11[%dma_start3A_93, %dma_start3A_94] : memref<10240x32xf32, #tpu.memory_space<vmem_shared>> -> memref<10240x32xf32, #tpu.memory_space<vmem_shared>>
    tpu.enqueue_indirect_dma source(%arg9 : memref<1000x32xf32, #tpu.memory_space<vmem>>) target(%dma_start3A_95 : memref<10240x32xf32, #tpu.memory_space<vmem_shared>>) offsets(%dma_start3A_92 : memref<1000xi32, #tpu.memory_space<vmem>>) semaphore(%arg15 : memref<!tpu.dma_semaphore, #tpu.memory_space<semaphore_mem>>) {add = true}
    %dma_wait3A_96 = arith.constant 9 : i32
    %dma_wait3A_97 = arith.constant 0 : i32
    %dma_wait3A_98 = tpu.memref_slice %arg7[%dma_wait3A_96, %dma_wait3A_97] : memref<10x1000xi32, #tpu.memory_space<vmem>> -> memref<1x1000xi32, #tpu.memory_space<vmem>>
    %dma_wait3A_99 = tpu.memref_squeeze %dma_wait3A_98 : memref<1x1000xi32, #tpu.memory_space<vmem>> -> memref<1000xi32, #tpu.memory_space<vmem>>
    %dma_wait3A_100 = arith.constant 0 : i32
    %dma_wait3A_101 = arith.constant 0 : i32
    %dma_wait3A_102 = tpu.memref_slice %arg12[%dma_wait3A_100, %dma_wait3A_101] : memref<10240x32xf32, #tpu.memory_space<vmem_shared>> -> memref<10240x32xf32, #tpu.memory_space<vmem_shared>>
    tpu.wait_indirect_dma semaphore(%arg14 : memref<!tpu.dma_semaphore, #tpu.memory_space<semaphore_mem>>) src(%dma_wait3A_102 : memref<10240x32xf32, #tpu.memory_space<vmem_shared>>) dst(%arg10 : memref<1000x32xf32, #tpu.memory_space<vmem>>)
    %dma_wait3A_103 = arith.constant 8 : i32
    %dma_wait3A_104 = arith.constant 0 : i32
    %dma_wait3A_105 = tpu.memref_slice %arg8[%dma_wait3A_103, %dma_wait3A_104] : memref<10x1000xi32, #tpu.memory_space<vmem>> -> memref<1x1000xi32, #tpu.memory_space<vmem>>
    %dma_wait3A_106 = tpu.memref_squeeze %dma_wait3A_105 : memref<1x1000xi32, #tpu.memory_space<vmem>> -> memref<1000xi32, #tpu.memory_space<vmem>>
    %dma_wait3A_107 = arith.constant 0 : i32
    %dma_wait3A_108 = arith.constant 0 : i32
    %dma_wait3A_109 = tpu.memref_slice %arg11[%dma_wait3A_107, %dma_wait3A_108] : memref<10240x32xf32, #tpu.memory_space<vmem_shared>> -> memref<10240x32xf32, #tpu.memory_space<vmem_shared>>
    tpu.wait_indirect_dma semaphore(%arg15 : memref<!tpu.dma_semaphore, #tpu.memory_space<semaphore_mem>>) src(%arg9 : memref<1000x32xf32, #tpu.memory_space<vmem>>) dst(%dma_wait3A_109 : memref<10240x32xf32, #tpu.memory_space<vmem_shared>>)
    %dma_start3A_110 = arith.constant 9 : i32
    %dma_start3A_111 = arith.constant 0 : i32
    %dma_start3A_112 = tpu.memref_slice %arg8[%dma_start3A_110, %dma_start3A_111] : memref<10x1000xi32, #tpu.memory_space<vmem>> -> memref<1x1000xi32, #tpu.memory_space<vmem>>
    %dma_start3A_113 = tpu.memref_squeeze %dma_start3A_112 : memref<1x1000xi32, #tpu.memory_space<vmem>> -> memref<1000xi32, #tpu.memory_space<vmem>>
    %dma_start3A_114 = arith.constant 0 : i32
    %dma_start3A_115 = arith.constant 0 : i32
    %dma_start3A_116 = tpu.memref_slice %arg11[%dma_start3A_114, %dma_start3A_115] : memref<10240x32xf32, #tpu.memory_space<vmem_shared>> -> memref<10240x32xf32, #tpu.memory_space<vmem_shared>>
    tpu.enqueue_indirect_dma source(%arg10 : memref<1000x32xf32, #tpu.memory_space<vmem>>) target(%dma_start3A_116 : memref<10240x32xf32, #tpu.memory_space<vmem_shared>>) offsets(%dma_start3A_113 : memref<1000xi32, #tpu.memory_space<vmem>>) semaphore(%arg16 : memref<!tpu.dma_semaphore, #tpu.memory_space<semaphore_mem>>) {add = true}
    %dma_wait3A_117 = arith.constant 9 : i32
    %dma_wait3A_118 = arith.constant 0 : i32
    %dma_wait3A_119 = tpu.memref_slice %arg8[%dma_wait3A_117, %dma_wait3A_118] : memref<10x1000xi32, #tpu.memory_space<vmem>> -> memref<1x1000xi32, #tpu.memory_space<vmem>>
    %dma_wait3A_120 = tpu.memref_squeeze %dma_wait3A_119 : memref<1x1000xi32, #tpu.memory_space<vmem>> -> memref<1000xi32, #tpu.memory_space<vmem>>
    %dma_wait3A_121 = arith.constant 0 : i32
    %dma_wait3A_122 = arith.constant 0 : i32
    %dma_wait3A_123 = tpu.memref_slice %arg11[%dma_wait3A_121, %dma_wait3A_122] : memref<10240x32xf32, #tpu.memory_space<vmem_shared>> -> memref<10240x32xf32, #tpu.memory_space<vmem_shared>>
    tpu.wait_indirect_dma semaphore(%arg16 : memref<!tpu.dma_semaphore, #tpu.memory_space<semaphore_mem>>) src(%arg10 : memref<1000x32xf32, #tpu.memory_space<vmem>>) dst(%dma_wait3A_123 : memref<10240x32xf32, #tpu.memory_space<vmem_shared>>)
    %barrier3A_124 = arith.constant 0 : index
    tpu.barrier barrier_id(%barrier3A_124)
    %mul3A_125 = arith.constant 640 : i32
    %mul3A_126 = arith.muli %arg1, %mul3A_125 : i32
    %mul3A_127 = arith.constant 640 : i32
    %mul3A_128 = arith.muli %arg1, %mul3A_127 : i32
    "tpu.region"() ({
      %run_scoped3A = tpu.sem_alloc : memref<!tpu.dma_semaphore, #tpu.memory_space<semaphore_mem>>
      %dma_start3A_129 = arith.constant 0 : i32
      %dma_start3A_130 = tpu.memref_slice %arg6[%arg0, %mul3A_128, %dma_start3A_129] : memref<2x10240x32xf32, #tpu.memory_space<hbm>> -> memref<1x640x32xf32, #tpu.memory_space<hbm>>
      %dma_start3A_131 = tpu.memref_squeeze %dma_start3A_130 : memref<1x640x32xf32, #tpu.memory_space<hbm>> -> memref<640x32xf32, #tpu.memory_space<hbm>>
      %dma_start3A_132 = arith.constant 0 : i32
      %dma_start3A_133 = tpu.memref_slice %arg11[%mul3A_126, %dma_start3A_132] : memref<10240x32xf32, #tpu.memory_space<vmem_shared>> -> memref<640x32xf32, #tpu.memory_space<vmem_shared>>
      tpu.enqueue_dma source(%dma_start3A_133 : memref<640x32xf32, #tpu.memory_space<vmem_shared>>) target(%dma_start3A_131 : memref<640x32xf32, #tpu.memory_space<hbm>>) target_semaphore(%run_scoped3A : memref<!tpu.dma_semaphore, #tpu.memory_space<semaphore_mem>>)
      %dma_wait3A_134 = arith.constant 0 : i32
      %dma_wait3A_135 = tpu.memref_slice %arg6[%arg0, %mul3A_128, %dma_wait3A_134] : memref<2x10240x32xf32, #tpu.memory_space<hbm>> -> memref<1x640x32xf32, #tpu.memory_space<hbm>>
      %dma_wait3A_136 = tpu.memref_squeeze %dma_wait3A_135 : memref<1x640x32xf32, #tpu.memory_space<hbm>> -> memref<640x32xf32, #tpu.memory_space<hbm>>
      %dma_wait3A_137 = arith.constant 0 : i32
      %dma_wait3A_138 = tpu.memref_slice %arg11[%mul3A_126, %dma_wait3A_137] : memref<10240x32xf32, #tpu.memory_space<vmem_shared>> -> memref<640x32xf32, #tpu.memory_space<vmem_shared>>
      tpu.wait_dma2 semaphore(%run_scoped3A : memref<!tpu.dma_semaphore, #tpu.memory_space<semaphore_mem>>) src(%dma_wait3A_138 : memref<640x32xf32, #tpu.memory_space<vmem_shared>>) dst(%dma_wait3A_136 : memref<640x32xf32, #tpu.memory_space<hbm>>)
      tpu.yield
    }) : () -> ()
    return
  }
}

#map = affine_map<(d0, d1) -> (0, 0, 0)>
#map1 = affine_map<(d0, d1) -> (0, 0)>
module attributes {stable_mosaic.version = 14 : i64} {
  func.func @k(%arg0: i32, %arg1: i32, %arg2: memref<32x10x1000xi32, #tpu.memory_space<hbm>>, %arg3: memref<1000x8xf32, #tpu.memory_space<hbm>>, %arg4: memref<10240x8xf32, #tpu.memory_space<hbm>>, %arg5: memref<2x10240x8xf32, #tpu.memory_space<hbm>>, %arg6: memref<10x1000xi32, #tpu.memory_space<vmem>>, %arg7: memref<1000x8xf32, #tpu.memory_space<vmem>>, %arg8: memref<10240x8xf32, #tpu.memory_space<vmem_shared>>, %arg9: memref<!tpu.dma_semaphore, #tpu.memory_space<semaphore_mem>>) attributes {dimension_semantics = [#tpu.dimension_semantics<core_parallel>, #tpu.dimension_semantics<subcore_parallel>], iteration_bounds = array<i64: 2, 16>, scalar_prefetch = 0 : i64, scratch_operands = 4 : i64, tpu.core_type = #tpu.core_type<sc_vector_subcore>, window_params = [{transform_indices = #map}, {transform_indices = #map1}, {transform_indices = #map1}, {transform_indices = #map}]} {
    %mul3A = arith.constant 16 : i32
    %mul3A_0 = arith.muli %arg0, %mul3A : i32
    %add3A = arith.addi %mul3A_0, %arg1 : i32
    %mul3A_1 = arith.constant 640 : i32
    %mul3A_2 = arith.muli %arg1, %mul3A_1 : i32
    %mul3A_3 = arith.constant 640 : i32
    %mul3A_4 = arith.muli %arg1, %mul3A_3 : i32
    "tpu.region"() ({
      %run_scoped3A = tpu.sem_alloc : memref<!tpu.dma_semaphore, #tpu.memory_space<semaphore_mem>>
      %dma_start3A = arith.constant 0 : i32
      %dma_start3A_21 = tpu.memref_slice %arg8[%mul3A_4, %dma_start3A] : memref<10240x8xf32, #tpu.memory_space<vmem_shared>> -> memref<640x8xf32, #tpu.memory_space<vmem_shared>>
      %dma_start3A_22 = arith.constant 0 : i32
      %dma_start3A_23 = tpu.memref_slice %arg4[%mul3A_2, %dma_start3A_22] : memref<10240x8xf32, #tpu.memory_space<hbm>> -> memref<640x8xf32, #tpu.memory_space<hbm>>
      tpu.enqueue_dma source(%dma_start3A_23 : memref<640x8xf32, #tpu.memory_space<hbm>>) target(%dma_start3A_21 : memref<640x8xf32, #tpu.memory_space<vmem_shared>>) target_semaphore(%run_scoped3A : memref<!tpu.dma_semaphore, #tpu.memory_space<semaphore_mem>>)
      %dma_wait3A = arith.constant 0 : i32
      %dma_wait3A_24 = tpu.memref_slice %arg8[%mul3A_4, %dma_wait3A] : memref<10240x8xf32, #tpu.memory_space<vmem_shared>> -> memref<640x8xf32, #tpu.memory_space<vmem_shared>>
      %dma_wait3A_25 = arith.constant 0 : i32
      %dma_wait3A_26 = tpu.memref_slice %arg4[%mul3A_2, %dma_wait3A_25] : memref<10240x8xf32, #tpu.memory_space<hbm>> -> memref<640x8xf32, #tpu.memory_space<hbm>>
      tpu.wait_dma2 semaphore(%run_scoped3A : memref<!tpu.dma_semaphore, #tpu.memory_space<semaphore_mem>>) src(%dma_wait3A_26 : memref<640x8xf32, #tpu.memory_space<hbm>>) dst(%dma_wait3A_24 : memref<640x8xf32, #tpu.memory_space<vmem_shared>>)
      tpu.yield
    }) : () -> ()
    "tpu.region"() ({
      %run_scoped3A = tpu.sem_alloc : memref<!tpu.dma_semaphore, #tpu.memory_space<semaphore_mem>>
      %dma_start3A = arith.constant 0 : i32
      %dma_start3A_21 = arith.constant 0 : i32
      %dma_start3A_22 = tpu.memref_slice %arg2[%add3A, %dma_start3A, %dma_start3A_21] : memref<32x10x1000xi32, #tpu.memory_space<hbm>> -> memref<1x10x1000xi32, #tpu.memory_space<hbm>>
      %dma_start3A_23 = tpu.memref_squeeze %dma_start3A_22 : memref<1x10x1000xi32, #tpu.memory_space<hbm>> -> memref<10x1000xi32, #tpu.memory_space<hbm>>
      %dma_start3A_24 = arith.constant 0 : i32
      %dma_start3A_25 = arith.constant 0 : i32
      %dma_start3A_26 = tpu.memref_slice %arg2[%add3A, %dma_start3A_24, %dma_start3A_25] : memref<32x10x1000xi32, #tpu.memory_space<hbm>> -> memref<1x10x1000xi32, #tpu.memory_space<hbm>>
      %dma_start3A_27 = tpu.memref_squeeze %dma_start3A_26 : memref<1x10x1000xi32, #tpu.memory_space<hbm>> -> memref<10x1000xi32, #tpu.memory_space<hbm>>
      tpu.enqueue_dma source(%dma_start3A_27 : memref<10x1000xi32, #tpu.memory_space<hbm>>) target(%arg6 : memref<10x1000xi32, #tpu.memory_space<vmem>>) target_semaphore(%run_scoped3A : memref<!tpu.dma_semaphore, #tpu.memory_space<semaphore_mem>>)
      %dma_wait3A = arith.constant 0 : i32
      %dma_wait3A_28 = arith.constant 0 : i32
      %dma_wait3A_29 = tpu.memref_slice %arg2[%add3A, %dma_wait3A, %dma_wait3A_28] : memref<32x10x1000xi32, #tpu.memory_space<hbm>> -> memref<1x10x1000xi32, #tpu.memory_space<hbm>>
      %dma_wait3A_30 = tpu.memref_squeeze %dma_wait3A_29 : memref<1x10x1000xi32, #tpu.memory_space<hbm>> -> memref<10x1000xi32, #tpu.memory_space<hbm>>
      %dma_wait3A_31 = arith.constant 0 : i32
      %dma_wait3A_32 = arith.constant 0 : i32
      %dma_wait3A_33 = tpu.memref_slice %arg2[%add3A, %dma_wait3A_31, %dma_wait3A_32] : memref<32x10x1000xi32, #tpu.memory_space<hbm>> -> memref<1x10x1000xi32, #tpu.memory_space<hbm>>
      %dma_wait3A_34 = tpu.memref_squeeze %dma_wait3A_33 : memref<1x10x1000xi32, #tpu.memory_space<hbm>> -> memref<10x1000xi32, #tpu.memory_space<hbm>>
      tpu.wait_dma2 semaphore(%run_scoped3A : memref<!tpu.dma_semaphore, #tpu.memory_space<semaphore_mem>>) src(%dma_wait3A_34 : memref<10x1000xi32, #tpu.memory_space<hbm>>) dst(%arg6 : memref<10x1000xi32, #tpu.memory_space<vmem>>)
      tpu.yield
    }) : () -> ()
    "tpu.region"() ({
      %run_scoped3A = tpu.sem_alloc : memref<!tpu.dma_semaphore, #tpu.memory_space<semaphore_mem>>
      tpu.enqueue_dma source(%arg3 : memref<1000x8xf32, #tpu.memory_space<hbm>>) target(%arg7 : memref<1000x8xf32, #tpu.memory_space<vmem>>) target_semaphore(%run_scoped3A : memref<!tpu.dma_semaphore, #tpu.memory_space<semaphore_mem>>)
      tpu.wait_dma2 semaphore(%run_scoped3A : memref<!tpu.dma_semaphore, #tpu.memory_space<semaphore_mem>>) src(%arg3 : memref<1000x8xf32, #tpu.memory_space<hbm>>) dst(%arg7 : memref<1000x8xf32, #tpu.memory_space<vmem>>)
      tpu.yield
    }) : () -> ()
    %barrier3A = arith.constant 0 : index
    tpu.barrier barrier_id(%barrier3A)
    %scan3A = arith.constant 0 : i32
    %scan3A_5 = arith.constant 0 : i32
    %scan3A_6 = arith.constant 10 : i32
    %scan3A_7 = arith.addi %scan3A_5, %scan3A_6 : i32
    %scan3A_8 = arith.constant 1 : i32
    scf.for %scan3A_21 = %scan3A_5 to %scan3A_7 step %scan3A_8  : i32 {
      %dma_start3A = arith.constant 0 : i32
      %dma_start3A_22 = tpu.memref_slice %arg6[%scan3A_21, %dma_start3A] : memref<10x1000xi32, #tpu.memory_space<vmem>> -> memref<1x1000xi32, #tpu.memory_space<vmem>>
      %dma_start3A_23 = tpu.memref_squeeze %dma_start3A_22 : memref<1x1000xi32, #tpu.memory_space<vmem>> -> memref<1000xi32, #tpu.memory_space<vmem>>
      %dma_start3A_24 = arith.constant 0 : i32
      %dma_start3A_25 = arith.constant 0 : i32
      %dma_start3A_26 = tpu.memref_slice %arg8[%dma_start3A_24, %dma_start3A_25] : memref<10240x8xf32, #tpu.memory_space<vmem_shared>> -> memref<10240x8xf32, #tpu.memory_space<vmem_shared>>
      tpu.enqueue_indirect_dma source(%arg7 : memref<1000x8xf32, #tpu.memory_space<vmem>>) target(%dma_start3A_26 : memref<10240x8xf32, #tpu.memory_space<vmem_shared>>) offsets(%dma_start3A_23 : memref<1000xi32, #tpu.memory_space<vmem>>) semaphore(%arg9 : memref<!tpu.dma_semaphore, #tpu.memory_space<semaphore_mem>>) {add = true}
    }
    %scan3A_9 = arith.constant 10 : i32
    %scan3A_10 = arith.constant 0 : i32
    %scan3A_11 = arith.constant 0 : i32
    %scan3A_12 = arith.constant 10 : i32
    %scan3A_13 = arith.addi %scan3A_11, %scan3A_12 : i32
    %scan3A_14 = arith.constant 1 : i32
    scf.for %scan3A_21 = %scan3A_11 to %scan3A_13 step %scan3A_14  : i32 {
      %dma_wait3A = arith.constant 0 : i32
      %dma_wait3A_22 = arith.constant 0 : i32
      %dma_wait3A_23 = tpu.memref_slice %arg6[%dma_wait3A, %dma_wait3A_22] : memref<10x1000xi32, #tpu.memory_space<vmem>> -> memref<1x1000xi32, #tpu.memory_space<vmem>>
      %dma_wait3A_24 = tpu.memref_squeeze %dma_wait3A_23 : memref<1x1000xi32, #tpu.memory_space<vmem>> -> memref<1000xi32, #tpu.memory_space<vmem>>
      %dma_wait3A_25 = arith.constant 0 : i32
      %dma_wait3A_26 = arith.constant 0 : i32
      %dma_wait3A_27 = tpu.memref_slice %arg8[%dma_wait3A_25, %dma_wait3A_26] : memref<10240x8xf32, #tpu.memory_space<vmem_shared>> -> memref<10240x8xf32, #tpu.memory_space<vmem_shared>>
      tpu.wait_indirect_dma semaphore(%arg9 : memref<!tpu.dma_semaphore, #tpu.memory_space<semaphore_mem>>) src(%arg7 : memref<1000x8xf32, #tpu.memory_space<vmem>>) dst(%dma_wait3A_27 : memref<10240x8xf32, #tpu.memory_space<vmem_shared>>)
    }
    %scan3A_15 = arith.constant 10 : i32
    %barrier3A_16 = arith.constant 0 : index
    tpu.barrier barrier_id(%barrier3A_16)
    %mul3A_17 = arith.constant 640 : i32
    %mul3A_18 = arith.muli %arg1, %mul3A_17 : i32
    %mul3A_19 = arith.constant 640 : i32
    %mul3A_20 = arith.muli %arg1, %mul3A_19 : i32
    "tpu.region"() ({
      %run_scoped3A = tpu.sem_alloc : memref<!tpu.dma_semaphore, #tpu.memory_space<semaphore_mem>>
      %dma_start3A = arith.constant 0 : i32
      %dma_start3A_21 = tpu.memref_slice %arg5[%arg0, %mul3A_20, %dma_start3A] : memref<2x10240x8xf32, #tpu.memory_space<hbm>> -> memref<1x640x8xf32, #tpu.memory_space<hbm>>
      %dma_start3A_22 = tpu.memref_squeeze %dma_start3A_21 : memref<1x640x8xf32, #tpu.memory_space<hbm>> -> memref<640x8xf32, #tpu.memory_space<hbm>>
      %dma_start3A_23 = arith.constant 0 : i32
      %dma_start3A_24 = tpu.memref_slice %arg8[%mul3A_18, %dma_start3A_23] : memref<10240x8xf32, #tpu.memory_space<vmem_shared>> -> memref<640x8xf32, #tpu.memory_space<vmem_shared>>
      tpu.enqueue_dma source(%dma_start3A_24 : memref<640x8xf32, #tpu.memory_space<vmem_shared>>) target(%dma_start3A_22 : memref<640x8xf32, #tpu.memory_space<hbm>>) target_semaphore(%run_scoped3A : memref<!tpu.dma_semaphore, #tpu.memory_space<semaphore_mem>>)
      %dma_wait3A = arith.constant 0 : i32
      %dma_wait3A_25 = tpu.memref_slice %arg5[%arg0, %mul3A_20, %dma_wait3A] : memref<2x10240x8xf32, #tpu.memory_space<hbm>> -> memref<1x640x8xf32, #tpu.memory_space<hbm>>
      %dma_wait3A_26 = tpu.memref_squeeze %dma_wait3A_25 : memref<1x640x8xf32, #tpu.memory_space<hbm>> -> memref<640x8xf32, #tpu.memory_space<hbm>>
      %dma_wait3A_27 = arith.constant 0 : i32
      %dma_wait3A_28 = tpu.memref_slice %arg8[%mul3A_18, %dma_wait3A_27] : memref<10240x8xf32, #tpu.memory_space<vmem_shared>> -> memref<640x8xf32, #tpu.memory_space<vmem_shared>>
      tpu.wait_dma2 semaphore(%run_scoped3A : memref<!tpu.dma_semaphore, #tpu.memory_space<semaphore_mem>>) src(%dma_wait3A_28 : memref<640x8xf32, #tpu.memory_space<vmem_shared>>) dst(%dma_wait3A_26 : memref<640x8xf32, #tpu.memory_space<hbm>>)
      tpu.yield
    }) : () -> ()
    return
  }
}

#map = affine_map<(d0, d1) -> (0, 0)>
#map1 = affine_map<(d0, d1) -> (0, 0, 0)>
module attributes {stable_mosaic.version = 14 : i64} {
  func.func @k(%arg0: i32, %arg1: i32, %arg2: memref<10240x32xf32, #tpu.memory_space<hbm>>, %arg3: memref<32x10x1000xi32, #tpu.memory_space<hbm>>, %arg4: memref<32x10x1000xi32, #tpu.memory_space<hbm>>, %arg5: memref<10240x32xf32, #tpu.memory_space<hbm>>, %arg6: memref<2x10240x32xf32, #tpu.memory_space<hbm>>, %arg7: memref<10x1000xi32, #tpu.memory_space<vmem>>, %arg8: memref<10x1000xi32, #tpu.memory_space<vmem>>, %arg9: memref<1000x32xf32, #tpu.memory_space<vmem>>, %arg10: memref<1000x32xf32, #tpu.memory_space<vmem>>, %arg11: memref<10240x32xf32, #tpu.memory_space<vmem_shared>>, %arg12: memref<10240x32xf32, #tpu.memory_space<vmem_shared>>, %arg13: memref<!tpu.dma_semaphore, #tpu.memory_space<semaphore_mem>>, %arg14: memref<!tpu.dma_semaphore, #tpu.memory_space<semaphore_mem>>, %arg15: memref<!tpu.dma_semaphore, #tpu.memory_space<semaphore_mem>>, %arg16: memref<!tpu.dma_semaphore, #tpu.memory_space<semaphore_mem>>) attributes {dimension_semantics = [#tpu.dimension_semantics<core_parallel>, #tpu.dimension_semantics<subcore_parallel>], iteration_bounds = array<i64: 2, 16>, scalar_prefetch = 0 : i64, scratch_operands = 10 : i64, tpu.core_type = #tpu.core_type<sc_vector_subcore>, window_params = [{transform_indices = #map}, {transform_indices = #map1}, {transform_indices = #map1}, {transform_indices = #map}, {transform_indices = #map1}]} {
    %mul3A = arith.constant 16 : i32
    %mul3A_0 = arith.muli %arg0, %mul3A : i32
    %add3A = arith.addi %mul3A_0, %arg1 : i32
    %mul3A_1 = arith.constant 640 : i32
    %mul3A_2 = arith.muli %arg1, %mul3A_1 : i32
    %mul3A_3 = arith.constant 640 : i32
    %mul3A_4 = arith.muli %arg1, %mul3A_3 : i32
    "tpu.region"() ({
      %run_scoped3A = tpu.sem_alloc : memref<!tpu.dma_semaphore, #tpu.memory_space<semaphore_mem>>
      %dma_start3A_129 = arith.constant 0 : i32
      %dma_start3A_130 = tpu.memref_slice %arg11[%mul3A_4, %dma_start3A_129] : memref<10240x32xf32, #tpu.memory_space<vmem_shared>> -> memref<640x32xf32, #tpu.memory_space<vmem_shared>>
      %dma_start3A_131 = arith.constant 0 : i32
      %dma_start3A_132 = tpu.memref_slice %arg5[%mul3A_2, %dma_start3A_131] : memref<10240x32xf32, #tpu.memory_space<hbm>> -> memref<640x32xf32, #tpu.memory_space<hbm>>
      tpu.enqueue_dma source(%dma_start3A_132 : memref<640x32xf32, #tpu.memory_space<hbm>>) target(%dma_start3A_130 : memref<640x32xf32, #tpu.memory_space<vmem_shared>>) target_semaphore(%run_scoped3A : memref<!tpu.dma_semaphore, #tpu.memory_space<semaphore_mem>>)
      %dma_wait3A_133 = arith.constant 0 : i32
      %dma_wait3A_134 = tpu.memref_slice %arg11[%mul3A_4, %dma_wait3A_133] : memref<10240x32xf32, #tpu.memory_space<vmem_shared>> -> memref<640x32xf32, #tpu.memory_space<vmem_shared>>
      %dma_wait3A_135 = arith.constant 0 : i32
      %dma_wait3A_136 = tpu.memref_slice %arg5[%mul3A_2, %dma_wait3A_135] : memref<10240x32xf32, #tpu.memory_space<hbm>> -> memref<640x32xf32, #tpu.memory_space<hbm>>
      tpu.wait_dma2 semaphore(%run_scoped3A : memref<!tpu.dma_semaphore, #tpu.memory_space<semaphore_mem>>) src(%dma_wait3A_136 : memref<640x32xf32, #tpu.memory_space<hbm>>) dst(%dma_wait3A_134 : memref<640x32xf32, #tpu.memory_space<vmem_shared>>)
      tpu.yield
    }) : () -> ()
    %mul3A_5 = arith.constant 640 : i32
    %mul3A_6 = arith.muli %arg1, %mul3A_5 : i32
    %mul3A_7 = arith.constant 640 : i32
    %mul3A_8 = arith.muli %arg1, %mul3A_7 : i32
    "tpu.region"() ({
      %run_scoped3A = tpu.sem_alloc : memref<!tpu.dma_semaphore, #tpu.memory_space<semaphore_mem>>
      %dma_start3A_129 = arith.constant 0 : i32
      %dma_start3A_130 = tpu.memref_slice %arg12[%mul3A_8, %dma_start3A_129] : memref<10240x32xf32, #tpu.memory_space<vmem_shared>> -> memref<640x32xf32, #tpu.memory_space<vmem_shared>>
      %dma_start3A_131 = arith.constant 0 : i32
      %dma_start3A_132 = tpu.memref_slice %arg2[%mul3A_6, %dma_start3A_131] : memref<10240x32xf32, #tpu.memory_space<hbm>> -> memref<640x32xf32, #tpu.memory_space<hbm>>
      tpu.enqueue_dma source(%dma_start3A_132 : memref<640x32xf32, #tpu.memory_space<hbm>>) target(%dma_start3A_130 : memref<640x32xf32, #tpu.memory_space<vmem_shared>>) target_semaphore(%run_scoped3A : memref<!tpu.dma_semaphore, #tpu.memory_space<semaphore_mem>>)
      %dma_wait3A_133 = arith.constant 0 : i32
      %dma_wait3A_134 = tpu.memref_slice %arg12[%mul3A_8, %dma_wait3A_133] : memref<10240x32xf32, #tpu.memory_space<vmem_shared>> -> memref<640x32xf32, #tpu.memory_space<vmem_shared>>
      %dma_wait3A_135 = arith.constant 0 : i32
      %dma_wait3A_136 = tpu.memref_slice %arg2[%mul3A_6, %dma_wait3A_135] : memref<10240x32xf32, #tpu.memory_space<hbm>> -> memref<640x32xf32, #tpu.memory_space<hbm>>
      tpu.wait_dma2 semaphore(%run_scoped3A : memref<!tpu.dma_semaphore, #tpu.memory_space<semaphore_mem>>) src(%dma_wait3A_136 : memref<640x32xf32, #tpu.memory_space<hbm>>) dst(%dma_wait3A_134 : memref<640x32xf32, #tpu.memory_space<vmem_shared>>)
      tpu.yield
    }) : () -> ()
    "tpu.region"() ({
      %run_scoped3A = tpu.sem_alloc : memref<!tpu.dma_semaphore, #tpu.memory_space<semaphore_mem>>
      %dma_start3A_129 = arith.constant 0 : i32
      %dma_start3A_130 = arith.constant 0 : i32
      %dma_start3A_131 = tpu.memref_slice %arg3[%add3A, %dma_start3A_129, %dma_start3A_130] : memref<32x10x1000xi32, #tpu.memory_space<hbm>> -> memref<1x10x1000xi32, #tpu.memory_space<hbm>>
      %dma_start3A_132 = tpu.memref_squeeze %dma_start3A_131 : memref<1x10x1000xi32, #tpu.memory_space<hbm>> -> memref<10x1000xi32, #tpu.memory_space<hbm>>
      %dma_start3A_133 = arith.constant 0 : i32
      %dma_start3A_134 = arith.constant 0 : i32
      %dma_start3A_135 = tpu.memref_slice %arg3[%add3A, %dma_start3A_133, %dma_start3A_134] : memref<32x10x1000xi32, #tpu.memory_space<hbm>> -> memref<1x10x1000xi32, #tpu.memory_space<hbm>>
      %dma_start3A_136 = tpu.memref_squeeze %dma_start3A_135 : memref<1x10x1000xi32, #tpu.memory_space<hbm>> -> memref<10x1000xi32, #tpu.memory_space<hbm>>
      tpu.enqueue_dma source(%dma_start3A_136 : memref<10x1000xi32, #tpu.memory_space<hbm>>) target(%arg7 : memref<10x1000xi32, #tpu.memory_space<vmem>>) target_semaphore(%run_scoped3A : memref<!tpu.dma_semaphore, #tpu.memory_space<semaphore_mem>>)
      %dma_wait3A_137 = arith.constant 0 : i32
      %dma_wait3A_138 = arith.constant 0 : i32
      %dma_wait3A_139 = tpu.memref_slice %arg3[%add3A, %dma_wait3A_137, %dma_wait3A_138] : memref<32x10x1000xi32, #tpu.memory_space<hbm>> -> memref<1x10x1000xi32, #tpu.memory_space<hbm>>
      %dma_wait3A_140 = tpu.memref_squeeze %dma_wait3A_139 : memref<1x10x1000xi32, #tpu.memory_space<hbm>> -> memref<10x1000xi32, #tpu.memory_space<hbm>>
      %dma_wait3A_141 = arith.constant 0 : i32
      %dma_wait3A_142 = arith.constant 0 : i32
      %dma_wait3A_143 = tpu.memref_slice %arg3[%add3A, %dma_wait3A_141, %dma_wait3A_142] : memref<32x10x1000xi32, #tpu.memory_space<hbm>> -> memref<1x10x1000xi32, #tpu.memory_space<hbm>>
      %dma_wait3A_144 = tpu.memref_squeeze %dma_wait3A_143 : memref<1x10x1000xi32, #tpu.memory_space<hbm>> -> memref<10x1000xi32, #tpu.memory_space<hbm>>
      tpu.wait_dma2 semaphore(%run_scoped3A : memref<!tpu.dma_semaphore, #tpu.memory_space<semaphore_mem>>) src(%dma_wait3A_144 : memref<10x1000xi32, #tpu.memory_space<hbm>>) dst(%arg7 : memref<10x1000xi32, #tpu.memory_space<vmem>>)
      tpu.yield
    }) : () -> ()
    "tpu.region"() ({
      %run_scoped3A = tpu.sem_alloc : memref<!tpu.dma_semaphore, #tpu.memory_space<semaphore_mem>>
      %dma_start3A_129 = arith.constant 0 : i32
      %dma_start3A_130 = arith.constant 0 : i32
      %dma_start3A_131 = tpu.memref_slice %arg4[%add3A, %dma_start3A_129, %dma_start3A_130] : memref<32x10x1000xi32, #tpu.memory_space<hbm>> -> memref<1x10x1000xi32, #tpu.memory_space<hbm>>
      %dma_start3A_132 = tpu.memref_squeeze %dma_start3A_131 : memref<1x10x1000xi32, #tpu.memory_space<hbm>> -> memref<10x1000xi32, #tpu.memory_space<hbm>>
      %dma_start3A_133 = arith.constant 0 : i32
      %dma_start3A_134 = arith.constant 0 : i32
      %dma_start3A_135 = tpu.memref_slice %arg4[%add3A, %dma_start3A_133, %dma_start3A_134] : memref<32x10x1000xi32, #tpu.memory_space<hbm>> -> memref<1x10x1000xi32, #tpu.memory_space<hbm>>
      %dma_start3A_136 = tpu.memref_squeeze %dma_start3A_135 : memref<1x10x1000xi32, #tpu.memory_space<hbm>> -> memref<10x1000xi32, #tpu.memory_space<hbm>>
      tpu.enqueue_dma source(%dma_start3A_136 : memref<10x1000xi32, #tpu.memory_space<hbm>>) target(%arg8 : memref<10x1000xi32, #tpu.memory_space<vmem>>) target_semaphore(%run_scoped3A : memref<!tpu.dma_semaphore, #tpu.memory_space<semaphore_mem>>)
      %dma_wait3A_137 = arith.constant 0 : i32
      %dma_wait3A_138 = arith.constant 0 : i32
      %dma_wait3A_139 = tpu.memref_slice %arg4[%add3A, %dma_wait3A_137, %dma_wait3A_138] : memref<32x10x1000xi32, #tpu.memory_space<hbm>> -> memref<1x10x1000xi32, #tpu.memory_space<hbm>>
      %dma_wait3A_140 = tpu.memref_squeeze %dma_wait3A_139 : memref<1x10x1000xi32, #tpu.memory_space<hbm>> -> memref<10x1000xi32, #tpu.memory_space<hbm>>
      %dma_wait3A_141 = arith.constant 0 : i32
      %dma_wait3A_142 = arith.constant 0 : i32
      %dma_wait3A_143 = tpu.memref_slice %arg4[%add3A, %dma_wait3A_141, %dma_wait3A_142] : memref<32x10x1000xi32, #tpu.memory_space<hbm>> -> memref<1x10x1000xi32, #tpu.memory_space<hbm>>
      %dma_wait3A_144 = tpu.memref_squeeze %dma_wait3A_143 : memref<1x10x1000xi32, #tpu.memory_space<hbm>> -> memref<10x1000xi32, #tpu.memory_space<hbm>>
      tpu.wait_dma2 semaphore(%run_scoped3A : memref<!tpu.dma_semaphore, #tpu.memory_space<semaphore_mem>>) src(%dma_wait3A_144 : memref<10x1000xi32, #tpu.memory_space<hbm>>) dst(%arg8 : memref<10x1000xi32, #tpu.memory_space<vmem>>)
      tpu.yield
    }) : () -> ()
    %barrier3A = arith.constant 0 : index
    tpu.barrier barrier_id(%barrier3A)
    %dma_start3A = arith.constant 0 : i32
    %dma_start3A_9 = arith.constant 0 : i32
    %dma_start3A_10 = tpu.memref_slice %arg7[%dma_start3A, %dma_start3A_9] : memref<10x1000xi32, #tpu.memory_space<vmem>> -> memref<1x1000xi32, #tpu.memory_space<vmem>>
    %dma_start3A_11 = tpu.memref_squeeze %dma_start3A_10 : memref<1x1000xi32, #tpu.memory_space<vmem>> -> memref<1000xi32, #tpu.memory_space<vmem>>
    %dma_start3A_12 = arith.constant 0 : i32
    %dma_start3A_13 = arith.constant 0 : i32
    %dma_start3A_14 = tpu.memref_slice %arg12[%dma_start3A_12, %dma_start3A_13] : memref<10240x32xf32, #tpu.memory_space<vmem_shared>> -> memref<10240x32xf32, #tpu.memory_space<vmem_shared>>
    tpu.enqueue_indirect_dma source(%dma_start3A_14 : memref<10240x32xf32, #tpu.memory_space<vmem_shared>>) target(%arg9 : memref<1000x32xf32, #tpu.memory_space<vmem>>) offsets(%dma_start3A_11 : memref<1000xi32, #tpu.memory_space<vmem>>) semaphore(%arg13 : memref<!tpu.dma_semaphore, #tpu.memory_space<semaphore_mem>>)
    %dma_wait3A = arith.constant 0 : i32
    %dma_wait3A_15 = arith.constant 0 : i32
    %dma_wait3A_16 = tpu.memref_slice %arg7[%dma_wait3A, %dma_wait3A_15] : memref<10x1000xi32, #tpu.memory_space<vmem>> -> memref<1x1000xi32, #tpu.memory_space<vmem>>
    %dma_wait3A_17 = tpu.memref_squeeze %dma_wait3A_16 : memref<1x1000xi32, #tpu.memory_space<vmem>> -> memref<1000xi32, #tpu.memory_space<vmem>>
    %dma_wait3A_18 = arith.constant 0 : i32
    %dma_wait3A_19 = arith.constant 0 : i32
    %dma_wait3A_20 = tpu.memref_slice %arg12[%dma_wait3A_18, %dma_wait3A_19] : memref<10240x32xf32, #tpu.memory_space<vmem_shared>> -> memref<10240x32xf32, #tpu.memory_space<vmem_shared>>
    tpu.wait_indirect_dma semaphore(%arg13 : memref<!tpu.dma_semaphore, #tpu.memory_space<semaphore_mem>>) src(%dma_wait3A_20 : memref<10240x32xf32, #tpu.memory_space<vmem_shared>>) dst(%arg9 : memref<1000x32xf32, #tpu.memory_space<vmem>>)
    %dma_start3A_21 = arith.constant 1 : i32
    %dma_start3A_22 = arith.constant 0 : i32
    %dma_start3A_23 = tpu.memref_slice %arg7[%dma_start3A_21, %dma_start3A_22] : memref<10x1000xi32, #tpu.memory_space<vmem>> -> memref<1x1000xi32, #tpu.memory_space<vmem>>
    %dma_start3A_24 = tpu.memref_squeeze %dma_start3A_23 : memref<1x1000xi32, #tpu.memory_space<vmem>> -> memref<1000xi32, #tpu.memory_space<vmem>>
    %dma_start3A_25 = arith.constant 0 : i32
    %dma_start3A_26 = arith.constant 0 : i32
    %dma_start3A_27 = tpu.memref_slice %arg12[%dma_start3A_25, %dma_start3A_26] : memref<10240x32xf32, #tpu.memory_space<vmem_shared>> -> memref<10240x32xf32, #tpu.memory_space<vmem_shared>>
    tpu.enqueue_indirect_dma source(%dma_start3A_27 : memref<10240x32xf32, #tpu.memory_space<vmem_shared>>) target(%arg10 : memref<1000x32xf32, #tpu.memory_space<vmem>>) offsets(%dma_start3A_24 : memref<1000xi32, #tpu.memory_space<vmem>>) semaphore(%arg14 : memref<!tpu.dma_semaphore, #tpu.memory_space<semaphore_mem>>)
    %dma_start3A_28 = arith.constant 0 : i32
    %dma_start3A_29 = arith.constant 0 : i32
    %dma_start3A_30 = tpu.memref_slice %arg8[%dma_start3A_28, %dma_start3A_29] : memref<10x1000xi32, #tpu.memory_space<vmem>> -> memref<1x1000xi32, #tpu.memory_space<vmem>>
    %dma_start3A_31 = tpu.memref_squeeze %dma_start3A_30 : memref<1x1000xi32, #tpu.memory_space<vmem>> -> memref<1000xi32, #tpu.memory_space<vmem>>
    %dma_start3A_32 = arith.constant 0 : i32
    %dma_start3A_33 = arith.constant 0 : i32
    %dma_start3A_34 = tpu.memref_slice %arg11[%dma_start3A_32, %dma_start3A_33] : memref<10240x32xf32, #tpu.memory_space<vmem_shared>> -> memref<10240x32xf32, #tpu.memory_space<vmem_shared>>
    tpu.enqueue_indirect_dma source(%arg9 : memref<1000x32xf32, #tpu.memory_space<vmem>>) target(%dma_start3A_34 : memref<10240x32xf32, #tpu.memory_space<vmem_shared>>) offsets(%dma_start3A_31 : memref<1000xi32, #tpu.memory_space<vmem>>) semaphore(%arg15 : memref<!tpu.dma_semaphore, #tpu.memory_space<semaphore_mem>>) {add = true}
    %dma_wait3A_35 = arith.constant 1 : i32
    %dma_wait3A_36 = arith.constant 0 : i32
    %dma_wait3A_37 = tpu.memref_slice %arg7[%dma_wait3A_35, %dma_wait3A_36] : memref<10x1000xi32, #tpu.memory_space<vmem>> -> memref<1x1000xi32, #tpu.memory_space<vmem>>
    %dma_wait3A_38 = tpu.memref_squeeze %dma_wait3A_37 : memref<1x1000xi32, #tpu.memory_space<vmem>> -> memref<1000xi32, #tpu.memory_space<vmem>>
    %dma_wait3A_39 = arith.constant 0 : i32
    %dma_wait3A_40 = arith.constant 0 : i32
    %dma_wait3A_41 = tpu.memref_slice %arg12[%dma_wait3A_39, %dma_wait3A_40] : memref<10240x32xf32, #tpu.memory_space<vmem_shared>> -> memref<10240x32xf32, #tpu.memory_space<vmem_shared>>
    tpu.wait_indirect_dma semaphore(%arg14 : memref<!tpu.dma_semaphore, #tpu.memory_space<semaphore_mem>>) src(%dma_wait3A_41 : memref<10240x32xf32, #tpu.memory_space<vmem_shared>>) dst(%arg10 : memref<1000x32xf32, #tpu.memory_space<vmem>>)
    %dma_wait3A_42 = arith.constant 0 : i32
    %dma_wait3A_43 = arith.constant 0 : i32
    %dma_wait3A_44 = tpu.memref_slice %arg8[%dma_wait3A_42, %dma_wait3A_43] : memref<10x1000xi32, #tpu.memory_space<vmem>> -> memref<1x1000xi32, #tpu.memory_space<vmem>>
    %dma_wait3A_45 = tpu.memref_squeeze %dma_wait3A_44 : memref<1x1000xi32, #tpu.memory_space<vmem>> -> memref<1000xi32, #tpu.memory_space<vmem>>
    %dma_wait3A_46 = arith.constant 0 : i32
    %dma_wait3A_47 = arith.constant 0 : i32
    %dma_wait3A_48 = tpu.memref_slice %arg11[%dma_wait3A_46, %dma_wait3A_47] : memref<10240x32xf32, #tpu.memory_space<vmem_shared>> -> memref<10240x32xf32, #tpu.memory_space<vmem_shared>>
    tpu.wait_indirect_dma semaphore(%arg15 : memref<!tpu.dma_semaphore, #tpu.memory_space<semaphore_mem>>) src(%arg9 : memref<1000x32xf32, #tpu.memory_space<vmem>>) dst(%dma_wait3A_48 : memref<10240x32xf32, #tpu.memory_space<vmem_shared>>)
    %dma_start3A_49 = arith.constant 2 : i32
    %dma_start3A_50 = arith.constant 0 : i32
    %dma_start3A_51 = tpu.memref_slice %arg7[%dma_start3A_49, %dma_start3A_50] : memref<10x1000xi32, #tpu.memory_space<vmem>> -> memref<1x1000xi32, #tpu.memory_space<vmem>>
    %dma_start3A_52 = tpu.memref_squeeze %dma_start3A_51 : memref<1x1000xi32, #tpu.memory_space<vmem>> -> memref<1000xi32, #tpu.memory_space<vmem>>
    %dma_start3A_53 = arith.constant 0 : i32
    %dma_start3A_54 = arith.constant 0 : i32
    %dma_start3A_55 = tpu.memref_slice %arg12[%dma_start3A_53, %dma_start3A_54] : memref<10240x32xf32, #tpu.memory_space<vmem_shared>> -> memref<10240x32xf32, #tpu.memory_space<vmem_shared>>
    tpu.enqueue_indirect_dma source(%dma_start3A_55 : memref<10240x32xf32, #tpu.memory_space<vmem_shared>>) target(%arg9 : memref<1000x32xf32, #tpu.memory_space<vmem>>) offsets(%dma_start3A_52 : memref<1000xi32, #tpu.memory_space<vmem>>) semaphore(%arg13 : memref<!tpu.dma_semaphore, #tpu.memory_space<semaphore_mem>>)
    %dma_start3A_56 = arith.constant 1 : i32
    %dma_start3A_57 = arith.constant 0 : i32
    %dma_start3A_58 = tpu.memref_slice %arg8[%dma_start3A_56, %dma_start3A_57] : memref<10x1000xi32, #tpu.memory_space<vmem>> -> memref<1x1000xi32, #tpu.memory_space<vmem>>
    %dma_start3A_59 = tpu.memref_squeeze %dma_start3A_58 : memref<1x1000xi32, #tpu.memory_space<vmem>> -> memref<1000xi32, #tpu.memory_space<vmem>>
    %dma_start3A_60 = arith.constant 0 : i32
    %dma_start3A_61 = arith.constant 0 : i32
    %dma_start3A_62 = tpu.memref_slice %arg11[%dma_start3A_60, %dma_start3A_61] : memref<10240x32xf32, #tpu.memory_space<vmem_shared>> -> memref<10240x32xf32, #tpu.memory_space<vmem_shared>>
    tpu.enqueue_indirect_dma source(%arg10 : memref<1000x32xf32, #tpu.memory_space<vmem>>) target(%dma_start3A_62 : memref<10240x32xf32, #tpu.memory_space<vmem_shared>>) offsets(%dma_start3A_59 : memref<1000xi32, #tpu.memory_space<vmem>>) semaphore(%arg16 : memref<!tpu.dma_semaphore, #tpu.memory_space<semaphore_mem>>) {add = true}
    %scan3A = arith.constant 0 : i32
    %scan3A_63 = arith.constant 1 : i32
    %scan3A_64 = arith.constant 3 : i32
    %scan3A_65 = arith.addi %scan3A_63, %scan3A_64 : i32
    %scan3A_66 = arith.constant 1 : i32
    scf.for %scan3A_129 = %scan3A_63 to %scan3A_65 step %scan3A_66  : i32 {
      %mul3A_130 = arith.constant 2 : i32
      %mul3A_131 = arith.muli %scan3A_129, %mul3A_130 : i32
      %dma_wait3A_132 = arith.constant 0 : i32
      %dma_wait3A_133 = tpu.memref_slice %arg7[%mul3A_131, %dma_wait3A_132] : memref<10x1000xi32, #tpu.memory_space<vmem>> -> memref<1x1000xi32, #tpu.memory_space<vmem>>
      %dma_wait3A_134 = tpu.memref_squeeze %dma_wait3A_133 : memref<1x1000xi32, #tpu.memory_space<vmem>> -> memref<1000xi32, #tpu.memory_space<vmem>>
      %dma_wait3A_135 = arith.constant 0 : i32
      %dma_wait3A_136 = arith.constant 0 : i32
      %dma_wait3A_137 = tpu.memref_slice %arg12[%dma_wait3A_135, %dma_wait3A_136] : memref<10240x32xf32, #tpu.memory_space<vmem_shared>> -> memref<10240x32xf32, #tpu.memory_space<vmem_shared>>
      tpu.wait_indirect_dma semaphore(%arg13 : memref<!tpu.dma_semaphore, #tpu.memory_space<semaphore_mem>>) src(%dma_wait3A_137 : memref<10240x32xf32, #tpu.memory_space<vmem_shared>>) dst(%arg9 : memref<1000x32xf32, #tpu.memory_space<vmem>>)
      %sub3A = arith.constant 1 : i32
      %sub3A_138 = arith.subi %mul3A_131, %sub3A : i32
      %dma_wait3A_139 = arith.constant 0 : i32
      %dma_wait3A_140 = tpu.memref_slice %arg8[%sub3A_138, %dma_wait3A_139] : memref<10x1000xi32, #tpu.memory_space<vmem>> -> memref<1x1000xi32, #tpu.memory_space<vmem>>
      %dma_wait3A_141 = tpu.memref_squeeze %dma_wait3A_140 : memref<1x1000xi32, #tpu.memory_space<vmem>> -> memref<1000xi32, #tpu.memory_space<vmem>>
      %dma_wait3A_142 = arith.constant 0 : i32
      %dma_wait3A_143 = arith.constant 0 : i32
      %dma_wait3A_144 = tpu.memref_slice %arg11[%dma_wait3A_142, %dma_wait3A_143] : memref<10240x32xf32, #tpu.memory_space<vmem_shared>> -> memref<10240x32xf32, #tpu.memory_space<vmem_shared>>
      tpu.wait_indirect_dma semaphore(%arg16 : memref<!tpu.dma_semaphore, #tpu.memory_space<semaphore_mem>>) src(%arg10 : memref<1000x32xf32, #tpu.memory_space<vmem>>) dst(%dma_wait3A_144 : memref<10240x32xf32, #tpu.memory_space<vmem_shared>>)
      %add3A_145 = arith.constant 1 : i32
      %add3A_146 = arith.addi %mul3A_131, %add3A_145 : i32
      %dma_start3A_147 = arith.constant 0 : i32
      %dma_start3A_148 = tpu.memref_slice %arg7[%add3A_146, %dma_start3A_147] : memref<10x1000xi32, #tpu.memory_space<vmem>> -> memref<1x1000xi32, #tpu.memory_space<vmem>>
      %dma_start3A_149 = tpu.memref_squeeze %dma_start3A_148 : memref<1x1000xi32, #tpu.memory_space<vmem>> -> memref<1000xi32, #tpu.memory_space<vmem>>
      %dma_start3A_150 = arith.constant 0 : i32
      %dma_start3A_151 = arith.constant 0 : i32
      %dma_start3A_152 = tpu.memref_slice %arg12[%dma_start3A_150, %dma_start3A_151] : memref<10240x32xf32, #tpu.memory_space<vmem_shared>> -> memref<10240x32xf32, #tpu.memory_space<vmem_shared>>
      tpu.enqueue_indirect_dma source(%dma_start3A_152 : memref<10240x32xf32, #tpu.memory_space<vmem_shared>>) target(%arg10 : memref<1000x32xf32, #tpu.memory_space<vmem>>) offsets(%dma_start3A_149 : memref<1000xi32, #tpu.memory_space<vmem>>) semaphore(%arg14 : memref<!tpu.dma_semaphore, #tpu.memory_space<semaphore_mem>>)
      %dma_start3A_153 = arith.constant 0 : i32
      %dma_start3A_154 = tpu.memref_slice %arg8[%mul3A_131, %dma_start3A_153] : memref<10x1000xi32, #tpu.memory_space<vmem>> -> memref<1x1000xi32, #tpu.memory_space<vmem>>
      %dma_start3A_155 = tpu.memref_squeeze %dma_start3A_154 : memref<1x1000xi32, #tpu.memory_space<vmem>> -> memref<1000xi32, #tpu.memory_space<vmem>>
      %dma_start3A_156 = arith.constant 0 : i32
      %dma_start3A_157 = arith.constant 0 : i32
      %dma_start3A_158 = tpu.memref_slice %arg11[%dma_start3A_156, %dma_start3A_157] : memref<10240x32xf32, #tpu.memory_space<vmem_shared>> -> memref<10240x32xf32, #tpu.memory_space<vmem_shared>>
      tpu.enqueue_indirect_dma source(%arg9 : memref<1000x32xf32, #tpu.memory_space<vmem>>) target(%dma_start3A_158 : memref<10240x32xf32, #tpu.memory_space<vmem_shared>>) offsets(%dma_start3A_155 : memref<1000xi32, #tpu.memory_space<vmem>>) semaphore(%arg15 : memref<!tpu.dma_semaphore, #tpu.memory_space<semaphore_mem>>) {add = true}
      %add3A_159 = arith.constant 1 : i32
      %add3A_160 = arith.addi %mul3A_131, %add3A_159 : i32
      %dma_wait3A_161 = arith.constant 0 : i32
      %dma_wait3A_162 = tpu.memref_slice %arg7[%add3A_160, %dma_wait3A_161] : memref<10x1000xi32, #tpu.memory_space<vmem>> -> memref<1x1000xi32, #tpu.memory_space<vmem>>
      %dma_wait3A_163 = tpu.memref_squeeze %dma_wait3A_162 : memref<1x1000xi32, #tpu.memory_space<vmem>> -> memref<1000xi32, #tpu.memory_space<vmem>>
      %dma_wait3A_164 = arith.constant 0 : i32
      %dma_wait3A_165 = arith.constant 0 : i32
      %dma_wait3A_166 = tpu.memref_slice %arg12[%dma_wait3A_164, %dma_wait3A_165] : memref<10240x32xf32, #tpu.memory_space<vmem_shared>> -> memref<10240x32xf32, #tpu.memory_space<vmem_shared>>
      tpu.wait_indirect_dma semaphore(%arg14 : memref<!tpu.dma_semaphore, #tpu.memory_space<semaphore_mem>>) src(%dma_wait3A_166 : memref<10240x32xf32, #tpu.memory_space<vmem_shared>>) dst(%arg10 : memref<1000x32xf32, #tpu.memory_space<vmem>>)
      %dma_wait3A_167 = arith.constant 0 : i32
      %dma_wait3A_168 = tpu.memref_slice %arg8[%mul3A_131, %dma_wait3A_167] : memref<10x1000xi32, #tpu.memory_space<vmem>> -> memref<1x1000xi32, #tpu.memory_space<vmem>>
      %dma_wait3A_169 = tpu.memref_squeeze %dma_wait3A_168 : memref<1x1000xi32, #tpu.memory_space<vmem>> -> memref<1000xi32, #tpu.memory_space<vmem>>
      %dma_wait3A_170 = arith.constant 0 : i32
      %dma_wait3A_171 = arith.constant 0 : i32
      %dma_wait3A_172 = tpu.memref_slice %arg11[%dma_wait3A_170, %dma_wait3A_171] : memref<10240x32xf32, #tpu.memory_space<vmem_shared>> -> memref<10240x32xf32, #tpu.memory_space<vmem_shared>>
      tpu.wait_indirect_dma semaphore(%arg15 : memref<!tpu.dma_semaphore, #tpu.memory_space<semaphore_mem>>) src(%arg9 : memref<1000x32xf32, #tpu.memory_space<vmem>>) dst(%dma_wait3A_172 : memref<10240x32xf32, #tpu.memory_space<vmem_shared>>)
      %add3A_173 = arith.constant 2 : i32
      %add3A_174 = arith.addi %mul3A_131, %add3A_173 : i32
      %dma_start3A_175 = arith.constant 0 : i32
      %dma_start3A_176 = tpu.memref_slice %arg7[%add3A_174, %dma_start3A_175] : memref<10x1000xi32, #tpu.memory_space<vmem>> -> memref<1x1000xi32, #tpu.memory_space<vmem>>
      %dma_start3A_177 = tpu.memref_squeeze %dma_start3A_176 : memref<1x1000xi32, #tpu.memory_space<vmem>> -> memref<1000xi32, #tpu.memory_space<vmem>>
      %dma_start3A_178 = arith.constant 0 : i32
      %dma_start3A_179 = arith.constant 0 : i32
      %dma_start3A_180 = tpu.memref_slice %arg12[%dma_start3A_178, %dma_start3A_179] : memref<10240x32xf32, #tpu.memory_space<vmem_shared>> -> memref<10240x32xf32, #tpu.memory_space<vmem_shared>>
      tpu.enqueue_indirect_dma source(%dma_start3A_180 : memref<10240x32xf32, #tpu.memory_space<vmem_shared>>) target(%arg9 : memref<1000x32xf32, #tpu.memory_space<vmem>>) offsets(%dma_start3A_177 : memref<1000xi32, #tpu.memory_space<vmem>>) semaphore(%arg13 : memref<!tpu.dma_semaphore, #tpu.memory_space<semaphore_mem>>)
      %add3A_181 = arith.constant 1 : i32
      %add3A_182 = arith.addi %mul3A_131, %add3A_181 : i32
      %dma_start3A_183 = arith.constant 0 : i32
      %dma_start3A_184 = tpu.memref_slice %arg8[%add3A_182, %dma_start3A_183] : memref<10x1000xi32, #tpu.memory_space<vmem>> -> memref<1x1000xi32, #tpu.memory_space<vmem>>
      %dma_start3A_185 = tpu.memref_squeeze %dma_start3A_184 : memref<1x1000xi32, #tpu.memory_space<vmem>> -> memref<1000xi32, #tpu.memory_space<vmem>>
      %dma_start3A_186 = arith.constant 0 : i32
      %dma_start3A_187 = arith.constant 0 : i32
      %dma_start3A_188 = tpu.memref_slice %arg11[%dma_start3A_186, %dma_start3A_187] : memref<10240x32xf32, #tpu.memory_space<vmem_shared>> -> memref<10240x32xf32, #tpu.memory_space<vmem_shared>>
      tpu.enqueue_indirect_dma source(%arg10 : memref<1000x32xf32, #tpu.memory_space<vmem>>) target(%dma_start3A_188 : memref<10240x32xf32, #tpu.memory_space<vmem_shared>>) offsets(%dma_start3A_185 : memref<1000xi32, #tpu.memory_space<vmem>>) semaphore(%arg16 : memref<!tpu.dma_semaphore, #tpu.memory_space<semaphore_mem>>) {add = true}
    }
    %scan3A_67 = arith.constant 3 : i32
    %dma_wait3A_68 = arith.constant 8 : i32
    %dma_wait3A_69 = arith.constant 0 : i32
    %dma_wait3A_70 = tpu.memref_slice %arg7[%dma_wait3A_68, %dma_wait3A_69] : memref<10x1000xi32, #tpu.memory_space<vmem>> -> memref<1x1000xi32, #tpu.memory_space<vmem>>
    %dma_wait3A_71 = tpu.memref_squeeze %dma_wait3A_70 : memref<1x1000xi32, #tpu.memory_space<vmem>> -> memref<1000xi32, #tpu.memory_space<vmem>>
    %dma_wait3A_72 = arith.constant 0 : i32
    %dma_wait3A_73 = arith.constant 0 : i32
    %dma_wait3A_74 = tpu.memref_slice %arg12[%dma_wait3A_72, %dma_wait3A_73] : memref<10240x32xf32, #tpu.memory_space<vmem_shared>> -> memref<10240x32xf32, #tpu.memory_space<vmem_shared>>
    tpu.wait_indirect_dma semaphore(%arg13 : memref<!tpu.dma_semaphore, #tpu.memory_space<semaphore_mem>>) src(%dma_wait3A_74 : memref<10240x32xf32, #tpu.memory_space<vmem_shared>>) dst(%arg9 : memref<1000x32xf32, #tpu.memory_space<vmem>>)
    %dma_wait3A_75 = arith.constant 7 : i32
    %dma_wait3A_76 = arith.constant 0 : i32
    %dma_wait3A_77 = tpu.memref_slice %arg8[%dma_wait3A_75, %dma_wait3A_76] : memref<10x1000xi32, #tpu.memory_space<vmem>> -> memref<1x1000xi32, #tpu.memory_space<vmem>>
    %dma_wait3A_78 = tpu.memref_squeeze %dma_wait3A_77 : memref<1x1000xi32, #tpu.memory_space<vmem>> -> memref<1000xi32, #tpu.memory_space<vmem>>
    %dma_wait3A_79 = arith.constant 0 : i32
    %dma_wait3A_80 = arith.constant 0 : i32
    %dma_wait3A_81 = tpu.memref_slice %arg11[%dma_wait3A_79, %dma_wait3A_80] : memref<10240x32xf32, #tpu.memory_space<vmem_shared>> -> memref<10240x32xf32, #tpu.memory_space<vmem_shared>>
    tpu.wait_indirect_dma semaphore(%arg16 : memref<!tpu.dma_semaphore, #tpu.memory_space<semaphore_mem>>) src(%arg10 : memref<1000x32xf32, #tpu.memory_space<vmem>>) dst(%dma_wait3A_81 : memref<10240x32xf32, #tpu.memory_space<vmem_shared>>)
    %dma_start3A_82 = arith.constant 9 : i32
    %dma_start3A_83 = arith.constant 0 : i32
    %dma_start3A_84 = tpu.memref_slice %arg7[%dma_start3A_82, %dma_start3A_83] : memref<10x1000xi32, #tpu.memory_space<vmem>> -> memref<1x1000xi32, #tpu.memory_space<vmem>>
    %dma_start3A_85 = tpu.memref_squeeze %dma_start3A_84 : memref<1x1000xi32, #tpu.memory_space<vmem>> -> memref<1000xi32, #tpu.memory_space<vmem>>
    %dma_start3A_86 = arith.constant 0 : i32
    %dma_start3A_87 = arith.constant 0 : i32
    %dma_start3A_88 = tpu.memref_slice %arg12[%dma_start3A_86, %dma_start3A_87] : memref<10240x32xf32, #tpu.memory_space<vmem_shared>> -> memref<10240x32xf32, #tpu.memory_space<vmem_shared>>
    tpu.enqueue_indirect_dma source(%dma_start3A_88 : memref<10240x32xf32, #tpu.memory_space<vmem_shared>>) target(%arg10 : memref<1000x32xf32, #tpu.memory_space<vmem>>) offsets(%dma_start3A_85 : memref<1000xi32, #tpu.memory_space<vmem>>) semaphore(%arg14 : memref<!tpu.dma_semaphore, #tpu.memory_space<semaphore_mem>>)
    %dma_start3A_89 = arith.constant 8 : i32
    %dma_start3A_90 = arith.constant 0 : i32
    %dma_start3A_91 = tpu.memref_slice %arg8[%dma_start3A_89, %dma_start3A_90] : memref<10x1000xi32, #tpu.memory_space<vmem>> -> memref<1x1000xi32, #tpu.memory_space<vmem>>
    %dma_start3A_92 = tpu.memref_squeeze %dma_start3A_91 : memref<1x1000xi32, #tpu.memory_space<vmem>> -> memref<1000xi32, #tpu.memory_space<vmem>>
    %dma_start3A_93 = arith.constant 0 : i32
    %dma_start3A_94 = arith.constant 0 : i32
    %dma_start3A_95 = tpu.memref_slice %arg11[%dma_start3A_93, %dma_start3A_94] : memref<10240x32xf32, #tpu.memory_space<vmem_shared>> -> memref<10240x32xf32, #tpu.memory_space<vmem_shared>>
    tpu.enqueue_indirect_dma source(%arg9 : memref<1000x32xf32, #tpu.memory_space<vmem>>) target(%dma_start3A_95 : memref<10240x32xf32, #tpu.memory_space<vmem_shared>>) offsets(%dma_start3A_92 : memref<1000xi32, #tpu.memory_space<vmem>>) semaphore(%arg15 : memref<!tpu.dma_semaphore, #tpu.memory_space<semaphore_mem>>) {add = true}
    %dma_wait3A_96 = arith.constant 9 : i32
    %dma_wait3A_97 = arith.constant 0 : i32
    %dma_wait3A_98 = tpu.memref_slice %arg7[%dma_wait3A_96, %dma_wait3A_97] : memref<10x1000xi32, #tpu.memory_space<vmem>> -> memref<1x1000xi32, #tpu.memory_space<vmem>>
    %dma_wait3A_99 = tpu.memref_squeeze %dma_wait3A_98 : memref<1x1000xi32, #tpu.memory_space<vmem>> -> memref<1000xi32, #tpu.memory_space<vmem>>
    %dma_wait3A_100 = arith.constant 0 : i32
    %dma_wait3A_101 = arith.constant 0 : i32
    %dma_wait3A_102 = tpu.memref_slice %arg12[%dma_wait3A_100, %dma_wait3A_101] : memref<10240x32xf32, #tpu.memory_space<vmem_shared>> -> memref<10240x32xf32, #tpu.memory_space<vmem_shared>>
    tpu.wait_indirect_dma semaphore(%arg14 : memref<!tpu.dma_semaphore, #tpu.memory_space<semaphore_mem>>) src(%dma_wait3A_102 : memref<10240x32xf32, #tpu.memory_space<vmem_shared>>) dst(%arg10 : memref<1000x32xf32, #tpu.memory_space<vmem>>)
    %dma_wait3A_103 = arith.constant 8 : i32
    %dma_wait3A_104 = arith.constant 0 : i32
    %dma_wait3A_105 = tpu.memref_slice %arg8[%dma_wait3A_103, %dma_wait3A_104] : memref<10x1000xi32, #tpu.memory_space<vmem>> -> memref<1x1000xi32, #tpu.memory_space<vmem>>
    %dma_wait3A_106 = tpu.memref_squeeze %dma_wait3A_105 : memref<1x1000xi32, #tpu.memory_space<vmem>> -> memref<1000xi32, #tpu.memory_space<vmem>>
    %dma_wait3A_107 = arith.constant 0 : i32
    %dma_wait3A_108 = arith.constant 0 : i32
    %dma_wait3A_109 = tpu.memref_slice %arg11[%dma_wait3A_107, %dma_wait3A_108] : memref<10240x32xf32, #tpu.memory_space<vmem_shared>> -> memref<10240x32xf32, #tpu.memory_space<vmem_shared>>
    tpu.wait_indirect_dma semaphore(%arg15 : memref<!tpu.dma_semaphore, #tpu.memory_space<semaphore_mem>>) src(%arg9 : memref<1000x32xf32, #tpu.memory_space<vmem>>) dst(%dma_wait3A_109 : memref<10240x32xf32, #tpu.memory_space<vmem_shared>>)
    %dma_start3A_110 = arith.constant 9 : i32
    %dma_start3A_111 = arith.constant 0 : i32
    %dma_start3A_112 = tpu.memref_slice %arg8[%dma_start3A_110, %dma_start3A_111] : memref<10x1000xi32, #tpu.memory_space<vmem>> -> memref<1x1000xi32, #tpu.memory_space<vmem>>
    %dma_start3A_113 = tpu.memref_squeeze %dma_start3A_112 : memref<1x1000xi32, #tpu.memory_space<vmem>> -> memref<1000xi32, #tpu.memory_space<vmem>>
    %dma_start3A_114 = arith.constant 0 : i32
    %dma_start3A_115 = arith.constant 0 : i32
    %dma_start3A_116 = tpu.memref_slice %arg11[%dma_start3A_114, %dma_start3A_115] : memref<10240x32xf32, #tpu.memory_space<vmem_shared>> -> memref<10240x32xf32, #tpu.memory_space<vmem_shared>>
    tpu.enqueue_indirect_dma source(%arg10 : memref<1000x32xf32, #tpu.memory_space<vmem>>) target(%dma_start3A_116 : memref<10240x32xf32, #tpu.memory_space<vmem_shared>>) offsets(%dma_start3A_113 : memref<1000xi32, #tpu.memory_space<vmem>>) semaphore(%arg16 : memref<!tpu.dma_semaphore, #tpu.memory_space<semaphore_mem>>) {add = true}
    %dma_wait3A_117 = arith.constant 9 : i32
    %dma_wait3A_118 = arith.constant 0 : i32
    %dma_wait3A_119 = tpu.memref_slice %arg8[%dma_wait3A_117, %dma_wait3A_118] : memref<10x1000xi32, #tpu.memory_space<vmem>> -> memref<1x1000xi32, #tpu.memory_space<vmem>>
    %dma_wait3A_120 = tpu.memref_squeeze %dma_wait3A_119 : memref<1x1000xi32, #tpu.memory_space<vmem>> -> memref<1000xi32, #tpu.memory_space<vmem>>
    %dma_wait3A_121 = arith.constant 0 : i32
    %dma_wait3A_122 = arith.constant 0 : i32
    %dma_wait3A_123 = tpu.memref_slice %arg11[%dma_wait3A_121, %dma_wait3A_122] : memref<10240x32xf32, #tpu.memory_space<vmem_shared>> -> memref<10240x32xf32, #tpu.memory_space<vmem_shared>>
    tpu.wait_indirect_dma semaphore(%arg16 : memref<!tpu.dma_semaphore, #tpu.memory_space<semaphore_mem>>) src(%arg10 : memref<1000x32xf32, #tpu.memory_space<vmem>>) dst(%dma_wait3A_123 : memref<10240x32xf32, #tpu.memory_space<vmem_shared>>)
    %barrier3A_124 = arith.constant 0 : index
    tpu.barrier barrier_id(%barrier3A_124)
    %mul3A_125 = arith.constant 640 : i32
    %mul3A_126 = arith.muli %arg1, %mul3A_125 : i32
    %mul3A_127 = arith.constant 640 : i32
    %mul3A_128 = arith.muli %arg1, %mul3A_127 : i32
    "tpu.region"() ({
      %run_scoped3A = tpu.sem_alloc : memref<!tpu.dma_semaphore, #tpu.memory_space<semaphore_mem>>
      %dma_start3A_129 = arith.constant 0 : i32
      %dma_start3A_130 = tpu.memref_slice %arg6[%arg0, %mul3A_128, %dma_start3A_129] : memref<2x10240x32xf32, #tpu.memory_space<hbm>> -> memref<1x640x32xf32, #tpu.memory_space<hbm>>
      %dma_start3A_131 = tpu.memref_squeeze %dma_start3A_130 : memref<1x640x32xf32, #tpu.memory_space<hbm>> -> memref<640x32xf32, #tpu.memory_space<hbm>>
      %dma_start3A_132 = arith.constant 0 : i32
      %dma_start3A_133 = tpu.memref_slice %arg11[%mul3A_126, %dma_start3A_132] : memref<10240x32xf32, #tpu.memory_space<vmem_shared>> -> memref<640x32xf32, #tpu.memory_space<vmem_shared>>
      tpu.enqueue_dma source(%dma_start3A_133 : memref<640x32xf32, #tpu.memory_space<vmem_shared>>) target(%dma_start3A_131 : memref<640x32xf32, #tpu.memory_space<hbm>>) target_semaphore(%run_scoped3A : memref<!tpu.dma_semaphore, #tpu.memory_space<semaphore_mem>>)
      %dma_wait3A_134 = arith.constant 0 : i32
      %dma_wait3A_135 = tpu.memref_slice %arg6[%arg0, %mul3A_128, %dma_wait3A_134] : memref<2x10240x32xf32, #tpu.memory_space<hbm>> -> memref<1x640x32xf32, #tpu.memory_space<hbm>>
      %dma_wait3A_136 = tpu.memref_squeeze %dma_wait3A_135 : memref<1x640x32xf32, #tpu.memory_space<hbm>> -> memref<640x32xf32, #tpu.memory_space<hbm>>
      %dma_wait3A_137 = arith.constant 0 : i32
      %dma_wait3A_138 = tpu.memref_slice %arg11[%mul3A_126, %dma_wait3A_137] : memref<10240x32xf32, #tpu.memory_space<vmem_shared>> -> memref<640x32xf32, #tpu.memory_space<vmem_shared>>
      tpu.wait_dma2 semaphore(%run_scoped3A : memref<!tpu.dma_semaphore, #tpu.memory_space<semaphore_mem>>) src(%dma_wait3A_138 : memref<640x32xf32, #tpu.memory_space<vmem_shared>>) dst(%dma_wait3A_136 : memref<640x32xf32, #tpu.memory_space<hbm>>)
      tpu.yield
    }) : () -> ()
    return
  }
}

module attributes {stable_mosaic.version = 14 : i64} {
  func.func @body(%arg0: i32, %arg1: memref<5000x128xf32, #tpu.memory_space<vmem>>, %arg2: memref<128x64xf32, #tpu.memory_space<vmem>>, %arg3: memref<1x64xf32, #tpu.memory_space<vmem>>, %arg4: memref<64x32xf32, #tpu.memory_space<vmem>>, %arg5: memref<1x32xf32, #tpu.memory_space<vmem>>, %arg6: memref<5000x32xf32, #tpu.memory_space<vmem>>) attributes {dimension_semantics = [#tpu.dimension_semantics<arbitrary>], iteration_bounds = array<i64: 2>, scalar_prefetch = 0 : i64, scratch_operands = 0 : i64, tpu.core_type = #tpu.core_type<tc>, window_params = [{transform_indices = @transform_0, window_bounds = array<i64: 5000, 128>}, {pipeline_mode = #tpu.pipeline_mode<synchronous>, transform_indices = @transform_1, window_bounds = array<i64: 128, 64>}, {pipeline_mode = #tpu.pipeline_mode<synchronous>, transform_indices = @transform_2, window_bounds = array<i64: 1, 64>}, {pipeline_mode = #tpu.pipeline_mode<synchronous>, transform_indices = @transform_3, window_bounds = array<i64: 64, 32>}, {pipeline_mode = #tpu.pipeline_mode<synchronous>, transform_indices = @transform_4, window_bounds = array<i64: 1, 32>}, {transform_indices = @transform_5, window_bounds = array<i64: 5000, 32>}]} {
    %get3A = arith.constant 0 : index
    %get3A_0 = arith.constant 0 : index
    %get3A_1 = vector.load %arg1[%get3A, %get3A_0] : memref<5000x128xf32, #tpu.memory_space<vmem>>, vector<5000x128xf32>
    %get3A_2 = arith.constant 0 : index
    %get3A_3 = arith.constant 0 : index
    %get3A_4 = vector.load %arg2[%get3A_2, %get3A_3] : memref<128x64xf32, #tpu.memory_space<vmem>>, vector<128x64xf32>
    %dot_general3A = arith.constant dense<0.000000e+00> : vector<5000x64xf32>
    %dot_general3A_5 = tpu.matmul %get3A_1, %get3A_4, %dot_general3A {dimension_numbers = #tpu.dot_dimension_numbers<[1], [0], [0], [1], [0, 0, 1, 1], [], []>, transpose_lhs_hint = false} : vector<5000x128xf32>, vector<128x64xf32>, vector<5000x64xf32> -> vector<5000x64xf32>
    %get3A_6 = arith.constant 0 : index
    %get3A_7 = arith.constant 0 : index
    %get3A_8 = vector.load %arg3[%get3A_6, %get3A_7] : memref<1x64xf32, #tpu.memory_space<vmem>>, vector<1x64xf32>
    %add3A = vector.broadcast %get3A_8 : vector<1x64xf32> to vector<5000x64xf32>
    %add3A_9 = arith.addf %dot_general3A_5, %add3A : vector<5000x64xf32>
    %tanh3A = math.tanh %add3A_9 : vector<5000x64xf32>
    %get3A_10 = arith.constant 0 : index
    %get3A_11 = arith.constant 0 : index
    %get3A_12 = vector.load %arg4[%get3A_10, %get3A_11] : memref<64x32xf32, #tpu.memory_space<vmem>>, vector<64x32xf32>
    %dot_general3A_13 = arith.constant dense<0.000000e+00> : vector<5000x32xf32>
    %dot_general3A_14 = tpu.matmul %tanh3A, %get3A_12, %dot_general3A_13 {dimension_numbers = #tpu.dot_dimension_numbers<[1], [0], [0], [1], [0, 0, 1, 1], [], []>, transpose_lhs_hint = false} : vector<5000x64xf32>, vector<64x32xf32>, vector<5000x32xf32> -> vector<5000x32xf32>
    %get3A_15 = arith.constant 0 : index
    %get3A_16 = arith.constant 0 : index
    %get3A_17 = vector.load %arg5[%get3A_15, %get3A_16] : memref<1x32xf32, #tpu.memory_space<vmem>>, vector<1x32xf32>
    %add3A_18 = vector.broadcast %get3A_17 : vector<1x32xf32> to vector<5000x32xf32>
    %add3A_19 = arith.addf %dot_general3A_14, %add3A_18 : vector<5000x32xf32>
    %tanh3A_20 = math.tanh %add3A_19 : vector<5000x32xf32>
    %swap3A = arith.constant 0 : index
    %swap3A_21 = arith.constant 0 : index
    %swap3A_22 = vector.load %arg6[%swap3A, %swap3A_21] : memref<5000x32xf32, #tpu.memory_space<vmem>>, vector<5000x32xf32>
    tpu.vector_store %arg6[%swap3A, %swap3A_21], %tanh3A_20 {strides = array<i32>} : memref<5000x32xf32, #tpu.memory_space<vmem>>, vector<5000x32xf32>,
    return
  }
  func.func @transform_0(%arg0: i32) -> (i32, i32) {
    %c0_i32 = arith.constant 0 : i32
    %c0_i32_0 = arith.constant 0 : i32
    return %arg0, %c0_i32 : i32, i32
  }
  func.func @transform_1(%arg0: i32) -> (i32, i32) {
    %c0_i32 = arith.constant 0 : i32
    %c0_i32_0 = arith.constant 0 : i32
    %c0_i32_1 = arith.constant 0 : i32
    return %c0_i32, %c0_i32_0 : i32, i32
  }
  func.func @transform_2(%arg0: i32) -> (i32, i32) {
    %c0_i32 = arith.constant 0 : i32
    %c0_i32_0 = arith.constant 0 : i32
    %c0_i32_1 = arith.constant 0 : i32
    return %c0_i32, %c0_i32_0 : i32, i32
  }
  func.func @transform_3(%arg0: i32) -> (i32, i32) {
    %c0_i32 = arith.constant 0 : i32
    %c0_i32_0 = arith.constant 0 : i32
    %c0_i32_1 = arith.constant 0 : i32
    return %c0_i32, %c0_i32_0 : i32, i32
  }
  func.func @transform_4(%arg0: i32) -> (i32, i32) {
    %c0_i32 = arith.constant 0 : i32
    %c0_i32_0 = arith.constant 0 : i32
    %c0_i32_1 = arith.constant 0 : i32
    return %c0_i32, %c0_i32_0 : i32, i32
  }
  func.func @transform_5(%arg0: i32) -> (i32, i32) {
    %c0_i32 = arith.constant 0 : i32
    %c0_i32_0 = arith.constant 0 : i32
    return %arg0, %c0_i32 : i32, i32
  }
}

module attributes {stable_mosaic.version = 14 : i64} {
  func.func @body(%arg0: i32, %arg1: memref<2x5000x8xf32, #tpu.memory_space<vmem>>, %arg2: memref<5000x32xf32, #tpu.memory_space<vmem>>, %arg3: memref<32x32xf32, #tpu.memory_space<vmem>>, %arg4: memref<5000x32xf32, #tpu.memory_space<vmem>>) attributes {dimension_semantics = [#tpu.dimension_semantics<arbitrary>], iteration_bounds = array<i64: 2>, scalar_prefetch = 0 : i64, scratch_operands = 0 : i64, tpu.core_type = #tpu.core_type<tc>, window_params = [{transform_indices = @transform_0, window_bounds = array<i64: 2, 5000, 8>}, {transform_indices = @transform_1, window_bounds = array<i64: 5000, 32>}, {pipeline_mode = #tpu.pipeline_mode<synchronous>, transform_indices = @transform_2, window_bounds = array<i64: 32, 32>}, {transform_indices = @transform_3, window_bounds = array<i64: 5000, 32>}]} {
    %get3A = arith.constant 0 : index
    %get3A_0 = arith.constant 0 : index
    %get3A_1 = arith.constant 0 : index
    %get3A_2 = vector.load %arg1[%get3A, %get3A_0, %get3A_1] : memref<2x5000x8xf32, #tpu.memory_space<vmem>>, vector<2x5000x8xf32>
    %slice3A = vector.extract_strided_slice %get3A_2 {offsets = [0, 0, 0], sizes = [1, 5000, 8], strides = [1, 1, 1]} : vector<2x5000x8xf32> to vector<1x5000x8xf32>
    %squeeze3A = vector.shape_cast %slice3A : vector<1x5000x8xf32> to vector<5000x8xf32>
    %slice3A_3 = vector.extract_strided_slice %squeeze3A {offsets = [0, 0], sizes = [5000, 1], strides = [1, 1]} : vector<5000x8xf32> to vector<5000x1xf32>
    %slice3A_4 = vector.extract_strided_slice %get3A_2 {offsets = [1, 0, 0], sizes = [1, 5000, 8], strides = [1, 1, 1]} : vector<2x5000x8xf32> to vector<1x5000x8xf32>
    %squeeze3A_5 = vector.shape_cast %slice3A_4 : vector<1x5000x8xf32> to vector<5000x8xf32>
    %slice3A_6 = vector.extract_strided_slice %squeeze3A_5 {offsets = [0, 0], sizes = [5000, 1], strides = [1, 1]} : vector<5000x8xf32> to vector<5000x1xf32>
    %add3A = arith.addf %slice3A_3, %slice3A_6 : vector<5000x1xf32>
    %add3A_7 = arith.constant 1.000000e+00 : f32
    %add3A_8 = vector.broadcast %add3A_7 : f32 to vector<5000x1xf32>
    %add3A_9 = arith.addf %add3A, %add3A_8 : vector<5000x1xf32>
    %rsqrt3A = math.rsqrt %add3A_9 : vector<5000x1xf32>
    %get3A_10 = arith.constant 0 : index
    %get3A_11 = arith.constant 0 : index
    %get3A_12 = vector.load %arg2[%get3A_10, %get3A_11] : memref<5000x32xf32, #tpu.memory_space<vmem>>, vector<5000x32xf32>
    %get3A_13 = arith.constant 0 : index
    %get3A_14 = arith.constant 0 : index
    %get3A_15 = vector.load %arg3[%get3A_13, %get3A_14] : memref<32x32xf32, #tpu.memory_space<vmem>>, vector<32x32xf32>
    %dot_general3A = arith.constant dense<0.000000e+00> : vector<5000x32xf32>
    %dot_general3A_16 = tpu.matmul %get3A_12, %get3A_15, %dot_general3A {dimension_numbers = #tpu.dot_dimension_numbers<[1], [0], [0], [1], [0, 0, 1, 1], [], []>, transpose_lhs_hint = false} : vector<5000x32xf32>, vector<32x32xf32>, vector<5000x32xf32> -> vector<5000x32xf32>
    %mul3A = vector.broadcast %rsqrt3A : vector<5000x1xf32> to vector<5000x32xf32>
    %mul3A_17 = arith.mulf %mul3A, %dot_general3A_16 : vector<5000x32xf32>
    %swap3A = arith.constant 0 : index
    %swap3A_18 = arith.constant 0 : index
    %swap3A_19 = vector.load %arg4[%swap3A, %swap3A_18] : memref<5000x32xf32, #tpu.memory_space<vmem>>, vector<5000x32xf32>
    tpu.vector_store %arg4[%swap3A, %swap3A_18], %mul3A_17 {strides = array<i32>} : memref<5000x32xf32, #tpu.memory_space<vmem>>, vector<5000x32xf32>,
    return
  }
  func.func @transform_0(%arg0: i32) -> (i32, i32, i32) {
    %c0_i32 = arith.constant 0 : i32
    %c0_i32_0 = arith.constant 0 : i32
    %c0_i32_1 = arith.constant 0 : i32
    return %c0_i32, %arg0, %c0_i32_0 : i32, i32, i32
  }
  func.func @transform_1(%arg0: i32) -> (i32, i32) {
    %c0_i32 = arith.constant 0 : i32
    %c0_i32_0 = arith.constant 0 : i32
    return %arg0, %c0_i32 : i32, i32
  }
  func.func @transform_2(%arg0: i32) -> (i32, i32) {
    %c0_i32 = arith.constant 0 : i32
    %c0_i32_0 = arith.constant 0 : i32
    %c0_i32_1 = arith.constant 0 : i32
    return %c0_i32, %c0_i32_0 : i32, i32
  }
  func.func @transform_3(%arg0: i32) -> (i32, i32) {
    %c0_i32 = arith.constant 0 : i32
    %c0_i32_0 = arith.constant 0 : i32
    return %arg0, %c0_i32 : i32, i32
  }
}

module attributes {stable_mosaic.version = 14 : i64} {
  func.func @body(%arg0: i32, %arg1: memref<2x5000x8xf32, #tpu.memory_space<vmem>>, %arg2: memref<2x5000x32xf32, #tpu.memory_space<vmem>>, %arg3: memref<5000x32xf32, #tpu.memory_space<vmem>>, %arg4: memref<1x32xf32, #tpu.memory_space<vmem>>, %arg5: memref<32x32xf32, #tpu.memory_space<vmem>>, %arg6: memref<1x32xf32, #tpu.memory_space<vmem>>, %arg7: memref<32x16xf32, #tpu.memory_space<vmem>>, %arg8: memref<1x16xf32, #tpu.memory_space<vmem>>, %arg9: memref<5000x16xf32, #tpu.memory_space<vmem>>, %arg10: memref<5000x16xf32, #tpu.memory_space<vmem>>) attributes {dimension_semantics = [#tpu.dimension_semantics<arbitrary>], iteration_bounds = array<i64: 2>, scalar_prefetch = 0 : i64, scratch_operands = 0 : i64, tpu.core_type = #tpu.core_type<tc>, window_params = [{transform_indices = @transform_0, window_bounds = array<i64: 2, 5000, 8>}, {transform_indices = @transform_1, window_bounds = array<i64: 2, 5000, 32>}, {transform_indices = @transform_2, window_bounds = array<i64: 5000, 32>}, {pipeline_mode = #tpu.pipeline_mode<synchronous>, transform_indices = @transform_3, window_bounds = array<i64: 1, 32>}, {pipeline_mode = #tpu.pipeline_mode<synchronous>, transform_indices = @transform_4, window_bounds = array<i64: 32, 32>}, {pipeline_mode = #tpu.pipeline_mode<synchronous>, transform_indices = @transform_5, window_bounds = array<i64: 1, 32>}, {pipeline_mode = #tpu.pipeline_mode<synchronous>, transform_indices = @transform_6, window_bounds = array<i64: 32, 16>}, {pipeline_mode = #tpu.pipeline_mode<synchronous>, transform_indices = @transform_7, window_bounds = array<i64: 1, 16>}, {transform_indices = @transform_8, window_bounds = array<i64: 5000, 16>}, {transform_indices = @transform_9, window_bounds = array<i64: 5000, 16>}]} {
    %get3A = arith.constant 0 : index
    %get3A_0 = arith.constant 0 : index
    %get3A_1 = arith.constant 0 : index
    %get3A_2 = vector.load %arg1[%get3A, %get3A_0, %get3A_1] : memref<2x5000x8xf32, #tpu.memory_space<vmem>>, vector<2x5000x8xf32>
    %slice3A = vector.extract_strided_slice %get3A_2 {offsets = [0, 0, 0], sizes = [1, 5000, 8], strides = [1, 1, 1]} : vector<2x5000x8xf32> to vector<1x5000x8xf32>
    %squeeze3A = vector.shape_cast %slice3A : vector<1x5000x8xf32> to vector<5000x8xf32>
    %slice3A_3 = vector.extract_strided_slice %squeeze3A {offsets = [0, 0], sizes = [5000, 1], strides = [1, 1]} : vector<5000x8xf32> to vector<5000x1xf32>
    %slice3A_4 = vector.extract_strided_slice %get3A_2 {offsets = [1, 0, 0], sizes = [1, 5000, 8], strides = [1, 1, 1]} : vector<2x5000x8xf32> to vector<1x5000x8xf32>
    %squeeze3A_5 = vector.shape_cast %slice3A_4 : vector<1x5000x8xf32> to vector<5000x8xf32>
    %slice3A_6 = vector.extract_strided_slice %squeeze3A_5 {offsets = [0, 0], sizes = [5000, 1], strides = [1, 1]} : vector<5000x8xf32> to vector<5000x1xf32>
    %add3A = arith.addf %slice3A_3, %slice3A_6 : vector<5000x1xf32>
    %add3A_7 = arith.constant 1.000000e+00 : f32
    %add3A_8 = vector.broadcast %add3A_7 : f32 to vector<5000x1xf32>
    %add3A_9 = arith.addf %add3A, %add3A_8 : vector<5000x1xf32>
    %rsqrt3A = math.rsqrt %add3A_9 : vector<5000x1xf32>
    %get3A_10 = arith.constant 0 : index
    %get3A_11 = arith.constant 0 : index
    %get3A_12 = arith.constant 0 : index
    %get3A_13 = vector.load %arg2[%get3A_10, %get3A_11, %get3A_12] : memref<2x5000x32xf32, #tpu.memory_space<vmem>>, vector<2x5000x32xf32>
    %slice3A_14 = vector.extract_strided_slice %get3A_13 {offsets = [0, 0, 0], sizes = [1, 5000, 32], strides = [1, 1, 1]} : vector<2x5000x32xf32> to vector<1x5000x32xf32>
    %squeeze3A_15 = vector.shape_cast %slice3A_14 : vector<1x5000x32xf32> to vector<5000x32xf32>
    %slice3A_16 = vector.extract_strided_slice %get3A_13 {offsets = [1, 0, 0], sizes = [1, 5000, 32], strides = [1, 1, 1]} : vector<2x5000x32xf32> to vector<1x5000x32xf32>
    %squeeze3A_17 = vector.shape_cast %slice3A_16 : vector<1x5000x32xf32> to vector<5000x32xf32>
    %add3A_18 = arith.addf %squeeze3A_15, %squeeze3A_17 : vector<5000x32xf32>
    %get3A_19 = arith.constant 0 : index
    %get3A_20 = arith.constant 0 : index
    %get3A_21 = vector.load %arg3[%get3A_19, %get3A_20] : memref<5000x32xf32, #tpu.memory_space<vmem>>, vector<5000x32xf32>
    %add3A_22 = arith.addf %add3A_18, %get3A_21 : vector<5000x32xf32>
    %mul3A = vector.broadcast %rsqrt3A : vector<5000x1xf32> to vector<5000x32xf32>
    %mul3A_23 = arith.mulf %mul3A, %add3A_22 : vector<5000x32xf32>
    %get3A_24 = arith.constant 0 : index
    %get3A_25 = arith.constant 0 : index
    %get3A_26 = vector.load %arg4[%get3A_24, %get3A_25] : memref<1x32xf32, #tpu.memory_space<vmem>>, vector<1x32xf32>
    %add3A_27 = vector.broadcast %get3A_26 : vector<1x32xf32> to vector<5000x32xf32>
    %add3A_28 = arith.addf %mul3A_23, %add3A_27 : vector<5000x32xf32>
    %max3A = arith.constant 0.000000e+00 : f32
    %max3A_29 = vector.broadcast %max3A : f32 to vector<5000x32xf32>
    %max3A_30 = arith.maximumf %add3A_28, %max3A_29 : vector<5000x32xf32>
    %get3A_31 = arith.constant 0 : index
    %get3A_32 = arith.constant 0 : index
    %get3A_33 = vector.load %arg5[%get3A_31, %get3A_32] : memref<32x32xf32, #tpu.memory_space<vmem>>, vector<32x32xf32>
    %dot_general3A = arith.constant dense<0.000000e+00> : vector<5000x32xf32>
    %dot_general3A_34 = tpu.matmul %max3A_30, %get3A_33, %dot_general3A {dimension_numbers = #tpu.dot_dimension_numbers<[1], [0], [0], [1], [0, 0, 1, 1], [], []>, transpose_lhs_hint = false} : vector<5000x32xf32>, vector<32x32xf32>, vector<5000x32xf32> -> vector<5000x32xf32>
    %get3A_35 = arith.constant 0 : index
    %get3A_36 = arith.constant 0 : index
    %get3A_37 = vector.load %arg6[%get3A_35, %get3A_36] : memref<1x32xf32, #tpu.memory_space<vmem>>, vector<1x32xf32>
    %add3A_38 = vector.broadcast %get3A_37 : vector<1x32xf32> to vector<5000x32xf32>
    %add3A_39 = arith.addf %dot_general3A_34, %add3A_38 : vector<5000x32xf32>
    %tanh3A = math.tanh %add3A_39 : vector<5000x32xf32>
    %get3A_40 = arith.constant 0 : index
    %get3A_41 = arith.constant 0 : index
    %get3A_42 = vector.load %arg7[%get3A_40, %get3A_41] : memref<32x16xf32, #tpu.memory_space<vmem>>, vector<32x16xf32>
    %dot_general3A_43 = arith.constant dense<0.000000e+00> : vector<5000x16xf32>
    %dot_general3A_44 = tpu.matmul %tanh3A, %get3A_42, %dot_general3A_43 {dimension_numbers = #tpu.dot_dimension_numbers<[1], [0], [0], [1], [0, 0, 1, 1], [], []>, transpose_lhs_hint = false} : vector<5000x32xf32>, vector<32x16xf32>, vector<5000x16xf32> -> vector<5000x16xf32>
    %get3A_45 = arith.constant 0 : index
    %get3A_46 = arith.constant 0 : index
    %get3A_47 = vector.load %arg8[%get3A_45, %get3A_46] : memref<1x16xf32, #tpu.memory_space<vmem>>, vector<1x16xf32>
    %add3A_48 = vector.broadcast %get3A_47 : vector<1x16xf32> to vector<5000x16xf32>
    %add3A_49 = arith.addf %dot_general3A_44, %add3A_48 : vector<5000x16xf32>
    %tanh3A_50 = math.tanh %add3A_49 : vector<5000x16xf32>
    %get3A_51 = arith.constant 0 : index
    %get3A_52 = arith.constant 0 : index
    %get3A_53 = vector.load %arg9[%get3A_51, %get3A_52] : memref<5000x16xf32, #tpu.memory_space<vmem>>, vector<5000x16xf32>
    %add3A_54 = arith.addf %tanh3A_50, %get3A_53 : vector<5000x16xf32>
    %swap3A = arith.constant 0 : index
    %swap3A_55 = arith.constant 0 : index
    %swap3A_56 = vector.load %arg10[%swap3A, %swap3A_55] : memref<5000x16xf32, #tpu.memory_space<vmem>>, vector<5000x16xf32>
    tpu.vector_store %arg10[%swap3A, %swap3A_55], %add3A_54 {strides = array<i32>} : memref<5000x16xf32, #tpu.memory_space<vmem>>, vector<5000x16xf32>,
    return
  }
  func.func @transform_0(%arg0: i32) -> (i32, i32, i32) {
    %c0_i32 = arith.constant 0 : i32
    %c0_i32_0 = arith.constant 0 : i32
    %c0_i32_1 = arith.constant 0 : i32
    return %c0_i32, %arg0, %c0_i32_0 : i32, i32, i32
  }
  func.func @transform_1(%arg0: i32) -> (i32, i32, i32) {
    %c0_i32 = arith.constant 0 : i32
    %c0_i32_0 = arith.constant 0 : i32
    %c0_i32_1 = arith.constant 0 : i32
    return %c0_i32, %arg0, %c0_i32_0 : i32, i32, i32
  }
  func.func @transform_2(%arg0: i32) -> (i32, i32) {
    %c0_i32 = arith.constant 0 : i32
    %c0_i32_0 = arith.constant 0 : i32
    return %arg0, %c0_i32 : i32, i32
  }
  func.func @transform_3(%arg0: i32) -> (i32, i32) {
    %c0_i32 = arith.constant 0 : i32
    %c0_i32_0 = arith.constant 0 : i32
    %c0_i32_1 = arith.constant 0 : i32
    return %c0_i32, %c0_i32_0 : i32, i32
  }
  func.func @transform_4(%arg0: i32) -> (i32, i32) {
    %c0_i32 = arith.constant 0 : i32
    %c0_i32_0 = arith.constant 0 : i32
    %c0_i32_1 = arith.constant 0 : i32
    return %c0_i32, %c0_i32_0 : i32, i32
  }
  func.func @transform_5(%arg0: i32) -> (i32, i32) {
    %c0_i32 = arith.constant 0 : i32
    %c0_i32_0 = arith.constant 0 : i32
    %c0_i32_1 = arith.constant 0 : i32
    return %c0_i32, %c0_i32_0 : i32, i32
  }
  func.func @transform_6(%arg0: i32) -> (i32, i32) {
    %c0_i32 = arith.constant 0 : i32
    %c0_i32_0 = arith.constant 0 : i32
    %c0_i32_1 = arith.constant 0 : i32
    return %c0_i32, %c0_i32_0 : i32, i32
  }
  func.func @transform_7(%arg0: i32) -> (i32, i32) {
    %c0_i32 = arith.constant 0 : i32
    %c0_i32_0 = arith.constant 0 : i32
    %c0_i32_1 = arith.constant 0 : i32
    return %c0_i32, %c0_i32_0 : i32, i32
  }
  func.func @transform_8(%arg0: i32) -> (i32, i32) {
    %c0_i32 = arith.constant 0 : i32
    %c0_i32_0 = arith.constant 0 : i32
    return %arg0, %c0_i32 : i32, i32
  }
  func.func @transform_9(%arg0: i32) -> (i32, i32) {
    %c0_i32 = arith.constant 0 : i32
    %c0_i32_0 = arith.constant 0 : i32
    return %arg0, %c0_i32 : i32, i32
  }
}

module attributes {stable_mosaic.version = 14 : i64} {
  func.func @body(%arg0: i32, %arg1: memref<2x5000x8xf32, #tpu.memory_space<vmem>>, %arg2: memref<2x5000x32xf32, #tpu.memory_space<vmem>>, %arg3: memref<5000x32xf32, #tpu.memory_space<vmem>>, %arg4: memref<1x32xf32, #tpu.memory_space<vmem>>, %arg5: memref<32x32xf32, #tpu.memory_space<vmem>>, %arg6: memref<5000x32xf32, #tpu.memory_space<vmem>>) attributes {dimension_semantics = [#tpu.dimension_semantics<arbitrary>], iteration_bounds = array<i64: 2>, scalar_prefetch = 0 : i64, scratch_operands = 0 : i64, tpu.core_type = #tpu.core_type<tc>, window_params = [{transform_indices = @transform_0, window_bounds = array<i64: 2, 5000, 8>}, {transform_indices = @transform_1, window_bounds = array<i64: 2, 5000, 32>}, {transform_indices = @transform_2, window_bounds = array<i64: 5000, 32>}, {pipeline_mode = #tpu.pipeline_mode<synchronous>, transform_indices = @transform_3, window_bounds = array<i64: 1, 32>}, {pipeline_mode = #tpu.pipeline_mode<synchronous>, transform_indices = @transform_4, window_bounds = array<i64: 32, 32>}, {transform_indices = @transform_5, window_bounds = array<i64: 5000, 32>}]} {
    %get3A = arith.constant 0 : index
    %get3A_0 = arith.constant 0 : index
    %get3A_1 = arith.constant 0 : index
    %get3A_2 = vector.load %arg1[%get3A, %get3A_0, %get3A_1] : memref<2x5000x8xf32, #tpu.memory_space<vmem>>, vector<2x5000x8xf32>
    %slice3A = vector.extract_strided_slice %get3A_2 {offsets = [0, 0, 0], sizes = [1, 5000, 8], strides = [1, 1, 1]} : vector<2x5000x8xf32> to vector<1x5000x8xf32>
    %squeeze3A = vector.shape_cast %slice3A : vector<1x5000x8xf32> to vector<5000x8xf32>
    %slice3A_3 = vector.extract_strided_slice %squeeze3A {offsets = [0, 0], sizes = [5000, 1], strides = [1, 1]} : vector<5000x8xf32> to vector<5000x1xf32>
    %slice3A_4 = vector.extract_strided_slice %get3A_2 {offsets = [1, 0, 0], sizes = [1, 5000, 8], strides = [1, 1, 1]} : vector<2x5000x8xf32> to vector<1x5000x8xf32>
    %squeeze3A_5 = vector.shape_cast %slice3A_4 : vector<1x5000x8xf32> to vector<5000x8xf32>
    %slice3A_6 = vector.extract_strided_slice %squeeze3A_5 {offsets = [0, 0], sizes = [5000, 1], strides = [1, 1]} : vector<5000x8xf32> to vector<5000x1xf32>
    %add3A = arith.addf %slice3A_3, %slice3A_6 : vector<5000x1xf32>
    %add3A_7 = arith.constant 1.000000e+00 : f32
    %add3A_8 = vector.broadcast %add3A_7 : f32 to vector<5000x1xf32>
    %add3A_9 = arith.addf %add3A, %add3A_8 : vector<5000x1xf32>
    %rsqrt3A = math.rsqrt %add3A_9 : vector<5000x1xf32>
    %get3A_10 = arith.constant 0 : index
    %get3A_11 = arith.constant 0 : index
    %get3A_12 = arith.constant 0 : index
    %get3A_13 = vector.load %arg2[%get3A_10, %get3A_11, %get3A_12] : memref<2x5000x32xf32, #tpu.memory_space<vmem>>, vector<2x5000x32xf32>
    %slice3A_14 = vector.extract_strided_slice %get3A_13 {offsets = [0, 0, 0], sizes = [1, 5000, 32], strides = [1, 1, 1]} : vector<2x5000x32xf32> to vector<1x5000x32xf32>
    %squeeze3A_15 = vector.shape_cast %slice3A_14 : vector<1x5000x32xf32> to vector<5000x32xf32>
    %slice3A_16 = vector.extract_strided_slice %get3A_13 {offsets = [1, 0, 0], sizes = [1, 5000, 32], strides = [1, 1, 1]} : vector<2x5000x32xf32> to vector<1x5000x32xf32>
    %squeeze3A_17 = vector.shape_cast %slice3A_16 : vector<1x5000x32xf32> to vector<5000x32xf32>
    %add3A_18 = arith.addf %squeeze3A_15, %squeeze3A_17 : vector<5000x32xf32>
    %get3A_19 = arith.constant 0 : index
    %get3A_20 = arith.constant 0 : index
    %get3A_21 = vector.load %arg3[%get3A_19, %get3A_20] : memref<5000x32xf32, #tpu.memory_space<vmem>>, vector<5000x32xf32>
    %add3A_22 = arith.addf %add3A_18, %get3A_21 : vector<5000x32xf32>
    %mul3A = vector.broadcast %rsqrt3A : vector<5000x1xf32> to vector<5000x32xf32>
    %mul3A_23 = arith.mulf %mul3A, %add3A_22 : vector<5000x32xf32>
    %get3A_24 = arith.constant 0 : index
    %get3A_25 = arith.constant 0 : index
    %get3A_26 = vector.load %arg4[%get3A_24, %get3A_25] : memref<1x32xf32, #tpu.memory_space<vmem>>, vector<1x32xf32>
    %add3A_27 = vector.broadcast %get3A_26 : vector<1x32xf32> to vector<5000x32xf32>
    %add3A_28 = arith.addf %mul3A_23, %add3A_27 : vector<5000x32xf32>
    %max3A = arith.constant 0.000000e+00 : f32
    %max3A_29 = vector.broadcast %max3A : f32 to vector<5000x32xf32>
    %max3A_30 = arith.maximumf %add3A_28, %max3A_29 : vector<5000x32xf32>
    %get3A_31 = arith.constant 0 : index
    %get3A_32 = arith.constant 0 : index
    %get3A_33 = vector.load %arg5[%get3A_31, %get3A_32] : memref<32x32xf32, #tpu.memory_space<vmem>>, vector<32x32xf32>
    %dot_general3A = arith.constant dense<0.000000e+00> : vector<5000x32xf32>
    %dot_general3A_34 = tpu.matmul %max3A_30, %get3A_33, %dot_general3A {dimension_numbers = #tpu.dot_dimension_numbers<[1], [0], [0], [1], [0, 0, 1, 1], [], []>, transpose_lhs_hint = false} : vector<5000x32xf32>, vector<32x32xf32>, vector<5000x32xf32> -> vector<5000x32xf32>
    %mul3A_35 = vector.broadcast %rsqrt3A : vector<5000x1xf32> to vector<5000x32xf32>
    %mul3A_36 = arith.mulf %mul3A_35, %dot_general3A_34 : vector<5000x32xf32>
    %swap3A = arith.constant 0 : index
    %swap3A_37 = arith.constant 0 : index
    %swap3A_38 = vector.load %arg6[%swap3A, %swap3A_37] : memref<5000x32xf32, #tpu.memory_space<vmem>>, vector<5000x32xf32>
    tpu.vector_store %arg6[%swap3A, %swap3A_37], %mul3A_36 {strides = array<i32>} : memref<5000x32xf32, #tpu.memory_space<vmem>>, vector<5000x32xf32>,
    return
  }
  func.func @transform_0(%arg0: i32) -> (i32, i32, i32) {
    %c0_i32 = arith.constant 0 : i32
    %c0_i32_0 = arith.constant 0 : i32
    %c0_i32_1 = arith.constant 0 : i32
    return %c0_i32, %arg0, %c0_i32_0 : i32, i32, i32
  }
  func.func @transform_1(%arg0: i32) -> (i32, i32, i32) {
    %c0_i32 = arith.constant 0 : i32
    %c0_i32_0 = arith.constant 0 : i32
    %c0_i32_1 = arith.constant 0 : i32
    return %c0_i32, %arg0, %c0_i32_0 : i32, i32, i32
  }
  func.func @transform_2(%arg0: i32) -> (i32, i32) {
    %c0_i32 = arith.constant 0 : i32
    %c0_i32_0 = arith.constant 0 : i32
    return %arg0, %c0_i32 : i32, i32
  }
  func.func @transform_3(%arg0: i32) -> (i32, i32) {
    %c0_i32 = arith.constant 0 : i32
    %c0_i32_0 = arith.constant 0 : i32
    %c0_i32_1 = arith.constant 0 : i32
    return %c0_i32, %c0_i32_0 : i32, i32
  }
  func.func @transform_4(%arg0: i32) -> (i32, i32) {
    %c0_i32 = arith.constant 0 : i32
    %c0_i32_0 = arith.constant 0 : i32
    %c0_i32_1 = arith.constant 0 : i32
    return %c0_i32, %c0_i32_0 : i32, i32
  }
  func.func @transform_5(%arg0: i32) -> (i32, i32) {
    %c0_i32 = arith.constant 0 : i32
    %c0_i32_0 = arith.constant 0 : i32
    return %arg0, %c0_i32 : i32, i32
  }
}

</mosaic_0001>

<sc_bundles>
// kernel: kernel.11.cloned.1.call-start
scs
__scs_entry_jumppad:
0x0: {  	(pc) =	sbr.rel $0x88, $3  }
0x1: {  	(tag) =	ssettag $0x0;
	lr =	simm.s32 $0x1  }
0x2: {  	[smem:$0x3F90] =	sst lr;
	_ =	strace $0xD0000000  }
0x3: {  	_ = 	snop  }
0x4: {  	_ = 	snop  }
0x5: {  	_ = 	snop  }
0x6: {  	_ = 	snop  }
0x7: {  	_ = 	snop  }
__scs_overlays_trampoline_lowered:
0x8: {  	[smem:$0x3F9F] =	sst s0  }
0x9: {  	[smem:$0x3FA0] =	sst s1  }
0xa: {  	[smem:$0x3FA1] =	sst s2  }
0xb: {  	[smem:$0x3FA2] =	sst s3  }
0xc: {  	[smem:$0x3FA3] =	sst s4  }
0xd: {  	[smem:$0x3FA4] =	sst s5  }
0xe: {  	[smem:$0x3FA5] =	sst s6  }
0xf: {  	[smem:$0x3FA6] =	sst s7  }
0x10: {  	[smem:$0x3FA7] =	sst s8  }
0x11: {  	[smem:$0x3FA8] =	sst s9;
	s0 =	simm.s32 @!p0 $0x0  }
0x12: {  	s1 =	sld [smem:$0x3F8E];
	s0 =	simm.s32 @p0 $0x1  }
0x13: {  	[smem:$0x3FA9] =	sst s0;
	s0 =	simm.s32 @!p1 $0x0  }
0x14: {  	s2 =	sld [smem:$0x3F8D];
	s0 =	simm.s32 @p1 $0x1  }
0x15: {  	[smem:$0x3FAA] =	sst s0;
	s0 =	simm.s32 @!p2 $0x0  }
0x16: {  	s3 =	sld [smem:$0x3FDB];
	s0 =	simm.s32 @p2 $0x1  }
0x17: {  	s4 =	simm.s32 $0x1BF5;
	[smem:$0x3FAC] =	sst s0  }
0x18: {  	s0 =	sld [smem:$0x3F8F];
	_ =	swait.ge [sflag:s4], $0x0  }
0x19: {  	s7 =	sld [smem:$0x3F90]  }
0x1a: {  	s8 =	sadd.s32 $0xFFFFE003, lr  }
0x1b: {  	s9 =	sadd.s32 $0xFFFFFEF7, lr;
	s5 =	simm.s32 $0xFFFFFFFF;
	p2 =	slt.u32 s8, $0xFFFFF086  }
0x1c: {  	p1 =	slt.u32 s9, $0xF7A;
	s5 =	simm.s32 @!p2 $0x0  }
0x1d: {  	s5 =	simm.s32 @p1 $0x1;
	p0 =	seq.s32 s7, s2  }
0x1e: {  	s7 =	smul.u32 @!p0 $0xF7A, s2;
	p2 =	seq.s32 @!p0 s5, $0x0  }
0x1f: {  	s9 =	smul.u32 $0xF7A, s1;
	s8 =	simm.s32 @!p0 $0x1BF5;
	p2 =	por !p2, p0  }
0x20: {  	[sflag:s8] =	ssyncset.s32 @!p0 $0xFFFFF086;
	s6 =	sadd.s32 @!p0 s3, s7;
	s7 =	simm.s32 @!p0 $0x108  }
0x21: {  	s3 =	sadd.s32 s3, s9;
	s6 =	sadd.s32 @!p0 $0x88, s6;
	s7 =	simm.s32 @p2 $0x1082  }
0x22: {  	[simem:s7], [sflag:s8] =	dma.local @!p0 [hbm:s6], $0xF7A  }
0x23: {  	s9 =	sor.u32 $0xD0000000, s2;
	s6 =	simm.s32 $0x108;
	_ =	swait.ge @!p0 [sflag:s8], $0x0  }
0x24: {  	s3 =	sadd.s32 $0x88, s3;
	s6 =	simm.s32 @!p1 $0x1082;
	[sflag:s4] =	ssyncset.s32 $0xFFFFF086  }
0x25: {  	[simem:s6], [sflag:s4] =	dma.local [hbm:s3], $0xF7A  }
0x26: {  	[smem:$0x3F90] =	sst s1;
	(tag) =	ssettag s2;
	_ =	strace s9  }
0x27: {  	s1 =	sld [smem:$0x3FA0]  }
0x28: {  	s2 =	sld [smem:$0x3FA1]  }
0x29: {  	s4 =	sld [smem:$0x3FA3]  }
0x2a: {  	p0 =	seq.s32 s5, $0x0;
	s5 =	sld [smem:$0x3FA4]  }
0x2b: {  	s6 =	sld [smem:$0x3FA5]  }
0x2c: {  	s7 =	sld [smem:$0x3FA6]  }
0x2d: {  	s3 =	simm.s32 $0x108;
	s8 =	sld [smem:$0x3FA7]  }
0x2e: {  	s3 =	simm.s32 @!p0 $0x1082;
	s9 =	sld [smem:$0x3FA8]  }
0x2f: {  	lr =	sadd.s32 s0, s3;
	s0 =	sld [smem:$0x3F9F]  }
0x30: {  	s3 =	sld [smem:$0x3FA2]  }
0x31: {  	[smem:$0x3FAB] =	sst s10  }
0x32: {  	s10 =	sld [smem:$0x3FA9];
	_ =	sdelay $0x3  }
0x33: {  	p0 =	seq.s32 s10, $0x1;
	s10 =	sld [smem:$0x3FAB];
	_ =	sdelay $0x3  }
0x34: {  	[smem:$0x3FAB] =	sst s10  }
0x35: {  	s10 =	sld [smem:$0x3FAA];
	_ =	sdelay $0x3  }
0x36: {  	p1 =	seq.s32 s10, $0x1;
	s10 =	sld [smem:$0x3FAB];
	_ =	sdelay $0x3  }
0x37: {  	[smem:$0x3FAB] =	sst s10  }
0x38: {  	s10 =	sld [smem:$0x3FAC]  }
0x39: {  	_ = 	snop;
	(pc) =	sbr.ind lr, $3  }
0x3a: {  	_ = 	snop  }
0x3b: {  	_ = 	snop  }
0x3c: {  	p2 =	seq.s32 s10, $0x1;
	s10 =	sld [smem:$0x3FAB]  }
0x3d: {  	_ =	shalt  }
0x3e: {  	_ =	shalt  }
0x3f: {  	_ =	shalt  }
0x40: {  	_ =	shalt  }
0x41: {  	_ =	shalt  }
0x42: {  	_ =	shalt  }
0x43: {  	_ =	shalt  }
0x44: {  	_ =	shalt  }
0x45: {  	_ =	shalt  }
0x46: {  	_ =	shalt  }
0x47: {  	_ =	shalt  }
0x48: {  	_ =	shalt  }
0x49: {  	_ =	shalt  }
0x4a: {  	_ =	shalt  }
0x4b: {  	_ =	shalt  }
0x4c: {  	_ =	shalt  }
0x4d: {  	_ =	shalt  }
0x4e: {  	_ =	shalt  }
0x4f: {  	_ =	shalt  }
0x50: {  	_ =	shalt  }
0x51: {  	_ =	shalt  }
0x52: {  	_ =	shalt  }
0x53: {  	_ =	shalt  }
0x54: {  	_ =	shalt  }
0x55: {  	_ =	shalt  }
0x56: {  	_ =	shalt  }
0x57: {  	_ =	shalt  }
0x58: {  	_ =	shalt  }
0x59: {  	_ =	shalt  }
0x5a: {  	_ =	shalt  }
0x5b: {  	_ =	shalt  }
0x5c: {  	_ =	shalt  }
0x5d: {  	_ =	shalt  }
0x5e: {  	_ =	shalt  }
0x5f: {  	_ =	shalt  }
0x60: {  	_ =	shalt  }
0x61: {  	_ =	shalt  }
0x62: {  	_ =	shalt  }
0x63: {  	_ =	shalt  }
0x64: {  	_ =	shalt  }
0x65: {  	_ =	shalt  }
0x66: {  	_ =	shalt  }
0x67: {  	_ =	shalt  }
0x68: {  	_ =	shalt  }
0x69: {  	_ =	shalt  }
0x6a: {  	_ =	shalt  }
0x6b: {  	_ =	shalt  }
0x6c: {  	_ =	shalt  }
0x6d: {  	_ =	shalt  }
0x6e: {  	_ =	shalt  }
0x6f: {  	_ =	shalt  }
0x70: {  	_ =	shalt  }
0x71: {  	_ =	shalt  }
0x72: {  	_ =	shalt  }
0x73: {  	_ =	shalt  }
0x74: {  	_ =	shalt  }
0x75: {  	_ =	shalt  }
0x76: {  	_ =	shalt  }
0x77: {  	_ =	shalt  }
0x78: {  	_ =	shalt  }
0x79: {  	_ =	shalt  }
0x7a: {  	_ =	shalt  }
0x7b: {  	_ =	shalt  }
0x7c: {  	_ =	shalt  }
0x7d: {  	_ =	shalt  }
0x7e: {  	_ =	shalt  }
0x7f: {  	_ =	shalt  }
0x80: {  	_ =	shalt  }
0x81: {  	_ =	shalt  }
0x82: {  	_ =	shalt  }
0x83: {  	_ =	shalt  }
0x84: {  	_ =	shalt  }
0x85: {  	_ =	shalt  }
0x86: {  	_ =	shalt  }
0x87: {  	_ =	shalt  }
.Lfunc_end0:
.L_simem_size_0:
called_computation_lowered:
.L_overlay_start_0:
0x88: {  	s2 =	sld [smem:$0x3FD9]  }
0x89: {  	s3 =	sld [smem:$0x3FFE];
	_ =	sdelay $0x1  }
0x8a: {  	s1 =	srdreg.scid  }
0x8b: {  	s0 =	sand.u32 $0x1, s1  }
0x8c: {  	s17 =	sshll.u32 s0, $0xA;
	s2 =	sadd.s32 s3, s2  }
0x8d: {  	s2 =	sadd.s32 s2, s17  }
0x8e: {  	[smem:$0x3FB7] =	sst s2  }
0x8f: {  	_ = 	snop  }
0x90: {  	s2 =	sld [smem:$0x3FD0];
	(tm) =	ssettm $0x1  }
0x91: {  	s18 =	sld [smem:$0x3FFB];
	_ =	sdelay $0x3  }
0x92: {  	_ =	strace s18  }
0x93: {  	s3 =	sld [smem:$0x3FFC];
	_ =	sdelay $0x3  }
0x94: {  	_ =	strace s3  }
0x95: {  	s3 =	sld [smem:$0x3FFD];
	_ =	sdelay $0x3  }
0x96: {  	_ =	strace s3  }
0x97: {  	_ =	strace $0x8FFFFFFF  }
0x98: {  	s19 =	sld [smem:$0x3FDB];
	_ =	sdelay $0x1  }
0x99: {  	s4 =	simm.s32 $_scs_section_size  }
0x9a: {  	s5 =	simm.s32 $_size__tile_overlayer_lowered;
	s6 =	simm.s32 $_tile_overlayer_lowered  }
0x9b: {  	s22 =	simm.s32 $0x1BFF;
	s21 =	sshll.u32 s6, $0x1;
	s3 =	sadd.s32 s4, s19  }
0x9c: {  	s7 =	simm.s32 $0x0;
	s20 =	sshll.u32 s5, $0x1;
	s5 =	sadd.s32 s21, s3  }
0x9d: {  	[timem:s7], [sflag:s22] =	dma.local [hbm:s5], s20  }
0x9e: {  	_ =	swait.ge [sflag:s22], s20  }
0x9f: {  	s4 =	ssub.s32 $0x0, s20;
	[sflag:s22] =	ssyncset.done $0x0  }
0xa0: {  	[sflag:s22] =	ssyncadd.s32 s4;
	_ =	sdelay $0x1  }
0xa1: {  	s23 =	simm.s32 $0x1B8B  }
0xa2: {  	_ =	swait.ge [sflag:s23], $0x1  }
0xa3: {  	[sflag:s23] =	ssyncset.done $0x0  }
0xa4: {  	s25 =	simm.s32 $0x1B8E;
	s24 =	sld [smem:$0x3FFE];
	[sflag:s23] =	ssyncadd.s32 $0xFFFFFFFF  }
0xa5: {  	s26 =	simm.s32 $execute0_lowered;
	[smem:$0x3FD2] =	sst s25  }
0xa6: {  	s5 =	sshll.u32 s26, $0x1;
	_ =	strace $0x80000046;
	[dreg:$0x1] =	wrdreg $0xFFFFFFFF  }
0xa7: {  	s28 =	simm.s32 $_size_execute0_lowered;
	s3 =	sadd.s32 s3, s5;
	[dreg:$0x0] =	wrdreg $0x0  }
0xa8: {  	s5 =	sshll.u32 s28, $0x1;
	[dreg:$0x2] =	wrdreg s3  }
0xa9: {  	[dreg:$0x3] =	wrdreg s5  }
0xaa: {  	[dreg:$0x4] =	wrdreg $0xC0  }
0xab: {  	_ =	task [dreg:s7], $0x5FFFF  }
0xac: {  	[dreg:$0x1] =	wrdreg $0xFFFFFFFF  }
0xad: {  	[dreg:$0x0] =	wrdreg $0x60  }
0xae: {  	[dreg:$0x2] =	wrdreg s24  }
0xaf: {  	[dreg:$0x3] =	wrdreg s2  }
0xb0: {  	[dreg:$0x4] =	wrdreg $0x46500  }
0xb1: {  	[dreg:$0x5] =	wrdreg $0x9  }
0xb2: {  	_ =	task.clear_ibuf [dreg:s7], $0x6FFFF;
	_ =	strace $0x90000046  }
0xb3: {  	s29 =	simm.s32 $0x9;
	_ =	strace $0x80000048  }
0xb4: {  	_ =	swait.ge [sflag:s29], $0x1  }
0xb5: {  	[sflag:s29] =	ssyncadd.s32 $0xFFFFFFFF  }
0xb6: {  	_ =	strace $0x90000048  }
0xb7: {  	_ =	sfence  }
0xb8: {  	s30 =	sld [smem:$0x0];
	_ =	sdelay $0x2  }
0xb9: {  	s31 =	sshll.u32 s1, $0xD;
	s1 =	sshrl.u32 s1, $0x2  }
0xba: {  	s3 =	sand.u32 $0x4000, s31;
	s1 =	sadd.s32 s1, s30  }
0xbb: {  	s0 =	sor.u32 s3, s0;
	s1 =	sshll.u32 s1, $0x11  }
0xbc: {  	s0 =	sor.u32 s1, s0  }
0xbd: {  	s0 =	sadd.s32 $0x8F2B, s0  }
0xbe: {  	[sflag:s0] =	ssyncadd.remote.s32 $0x1  }
0xbf: {  	_ =	sfence.sel $0xFFFF  }
0xc0: {  	[dreg:$0x0] =	wrdreg $0xFFFFFFFF;
	(pc) =	sbr.abs _section_cstart, $3  }
0xc1: {  	[dreg:$0x1] =	wrdreg $0xFFFFFFFF  }
0xc2: {  	_ =	task.clear_ibuf [dreg:s7], $0x2FFFF;
	_ =	strace $0x9FFFFFFF  }
0xc3: {  	(tm) =	ssettm $0x7FFFFFFF  }
tec
execute0_lowered:
.L_overlay_start_1:
0x0: {  	(tag) =	ssettag $0x1  }
0x1: {  	s21 =	rddreg [dreg:$0x0]  }
0x2: {  	s4 =	rddreg [dreg:$0x1]  }
0x3: {  	s2 =	rddreg [dreg:$0x2];
	s3 =	srdreg.scid  }
0x4: {  	s0 =	rddreg [dreg:$0x3];
	s1 =	stileid.u32  }
0x5: {  	s22 =	sand.u32 $0x1, s3;
	s3 =	simm.s32 $0x0;
	s23 =	smul.u32 $0x1400, s1  }
0x6: {  	s30 =	sshll.u32 s1, $0x6;
	s5 =	sshll.u32 s22, $0x4;
	[smem:$0x7FF] =	sst s3  }
0x7: {  	s5 =	sor.u32 s1, s5;
	_ =	strace $0x80000047;
	s29 =	sshrl.u32 s23, $0x3  }
0x8: {  	s6 =	sadd.s32 s23, s2;
	s8 =	smul.u32 $0x4E2, s5;
	s4 =	sadd.s32 s4, s29  }
0x9: {  	s5 =	sor.u32 $0x1C02, s30;
	s7 =	sshrl.u32 s6, $0x3;
	s6 =	simm.s32 $0x2  }
0xa: {  	[spmem:s7], [sflag:s5] =	dma.local [hbm:s4], $0x280  }
0xb: {  	_ =	swait.ge [sflag:s6], $0x280  }
0xc: {  	s8 =	sadd.s32 s8, s21;
	[sflag:s6] =	ssyncset.done $0x0  }
0xd: {  	s8 =	sadd.s32 $0xD200, s8;
	[sflag:s6] =	ssyncadd.s32 $0xFFFFFD80  }
0xe: {  	[tilespmem:s3], [sflag:$0x2] =	stream.linear.gather [hbm4b:s8+s3], $0x2710, $0x38;
	[tilespmem:$0x5A50] =	vst v63  }
0xf: {  	_ =	swait.ge [sflag:s6], $0x2710  }
0x10: {  	[sflag:s6] =	ssyncset.done $0x0  }
0x11: {  	s10 =	simm.s32 $0x2710;
	s9 =	sadd.s32 $0x17000, s21;
	[sflag:s6] =	ssyncadd.s32 $0xFFFFD8F0  }
0x12: {  	[tilespmem:s10], [sflag:$0x2] =	stream.linear.gather [hbm4b:s9+s3], $0x1F40, $0x38;
	[tilespmem:$0x5A50] =	vst v63  }
0x13: {  	_ =	swait.ge [sflag:s6], $0x1F40  }
0x14: {  	[sflag:s6] =	ssyncset.done $0x0  }
0x15: {  	[sflag:s6] =	ssyncadd.s32 $0xFFFFE0C0  }
0x16: {  	s11 =	simm.s32 $0x3E8;
	[bflag:$0x0] =	sbarrier.arrive $0xFFFF  }
0x17: {  	[spmem:s2] =	stream.indirect.scatter.add.f32 [tilespmem:s10], [sflag:$0x1], $0x8, s3, s11, $0xb8;
	[tilespmem:$0x5A50] =	vst v63  }
0x18: {  	_ = 	snop  }
0x19: {  	[spmem:s2] =	stream.indirect.scatter.add.f32 [tilespmem:s10], [sflag:$0x1], $0x8, s11, s11, $0xb8;
	[tilespmem:$0x5A50] =	vst v63  }
0x1a: {  	s12 =	simm.s32 $0x7D0  }
0x1b: {  	[spmem:s2] =	stream.indirect.scatter.add.f32 [tilespmem:s10], [sflag:$0x1], $0x8, s12, s11, $0xb8;
	[tilespmem:$0x5A50] =	vst v63  }
0x1c: {  	s13 =	simm.s32 $0xBB8  }
0x1d: {  	[spmem:s2] =	stream.indirect.scatter.add.f32 [tilespmem:s10], [sflag:$0x1], $0x8, s13, s11, $0xb8;
	[tilespmem:$0x5A50] =	vst v63  }
0x1e: {  	s14 =	simm.s32 $0xFA0  }
0x1f: {  	[spmem:s2] =	stream.indirect.scatter.add.f32 [tilespmem:s10], [sflag:$0x1], $0x8, s14, s11, $0xb8;
	[tilespmem:$0x5A50] =	vst v63  }
0x20: {  	s15 =	simm.s32 $0x1388  }
0x21: {  	[spmem:s2] =	stream.indirect.scatter.add.f32 [tilespmem:s10], [sflag:$0x1], $0x8, s15, s11, $0xb8;
	[tilespmem:$0x5A50] =	vst v63  }
0x22: {  	s16 =	simm.s32 $0x1770  }
0x23: {  	[spmem:s2] =	stream.indirect.scatter.add.f32 [tilespmem:s10], [sflag:$0x1], $0x8, s16, s11, $0xb8;
	[tilespmem:$0x5A50] =	vst v63  }
0x24: {  	s17 =	simm.s32 $0x1B58  }
0x25: {  	[spmem:s2] =	stream.indirect.scatter.add.f32 [tilespmem:s10], [sflag:$0x1], $0x8, s17, s11, $0xb8;
	[tilespmem:$0x5A50] =	vst v63  }
0x26: {  	s18 =	simm.s32 $0x1F40  }
0x27: {  	[spmem:s2] =	stream.indirect.scatter.add.f32 [tilespmem:s10], [sflag:$0x1], $0x8, s18, s11, $0xb8;
	[tilespmem:$0x5A50] =	vst v63  }
0x28: {  	s19 =	simm.s32 $0x2328;
	s20 =	simm.s32 $0x1  }
0x29: {  	[spmem:s2] =	stream.indirect.scatter.add.f32 [tilespmem:s10], [sflag:$0x1], $0x8, s19, s11, $0xb8;
	[tilespmem:$0x5A50] =	vst v63  }
0x2a: {  	_ =	swait.ge [sflag:s20], $0x1F40  }
0x2b: {  	[sflag:s20] =	ssyncset.done $0x0  }
0x2c: {  	[sflag:s20] =	ssyncadd.s32 $0xFFFFE0C0  }
0x2d: {  	_ =	swait.ge [sflag:s20], $0x1F40  }
0x2e: {  	[sflag:s20] =	ssyncset.done $0x0  }
0x2f: {  	[sflag:s20] =	ssyncadd.s32 $0xFFFFE0C0  }
0x30: {  	_ =	swait.ge [sflag:s20], $0x1F40  }
0x31: {  	[sflag:s20] =	ssyncset.done $0x0  }
0x32: {  	[sflag:s20] =	ssyncadd.s32 $0xFFFFE0C0  }
0x33: {  	_ =	swait.ge [sflag:s20], $0x1F40  }
0x34: {  	[sflag:s20] =	ssyncset.done $0x0  }
0x35: {  	[sflag:s20] =	ssyncadd.s32 $0xFFFFE0C0  }
0x36: {  	_ =	swait.ge [sflag:s20], $0x1F40  }
0x37: {  	[sflag:s20] =	ssyncset.done $0x0  }
0x38: {  	[sflag:s20] =	ssyncadd.s32 $0xFFFFE0C0  }
0x39: {  	_ =	swait.ge [sflag:s20], $0x1F40  }
0x3a: {  	[sflag:s20] =	ssyncset.done $0x0  }
0x3b: {  	[sflag:s20] =	ssyncadd.s32 $0xFFFFE0C0  }
0x3c: {  	_ =	swait.ge [sflag:s20], $0x1F40  }
0x3d: {  	[sflag:s20] =	ssyncset.done $0x0  }
0x3e: {  	[sflag:s20] =	ssyncadd.s32 $0xFFFFE0C0  }
0x3f: {  	_ =	swait.ge [sflag:s20], $0x1F40  }
0x40: {  	[sflag:s20] =	ssyncset.done $0x0  }
0x41: {  	[sflag:s20] =	ssyncadd.s32 $0xFFFFE0C0  }
0x42: {  	s24 =	smul.u32 $0x14000, s22;
	s22 =	ssub.s32 $0x2, s22;
	_ =	swait.ge [sflag:s20], $0x1F40  }
0x43: {  	s31 =	sshrl.u32 s22, $0x1;
	[sflag:s20] =	ssyncset.done $0x0  }
0x44: {  	s22 =	ssub.s32 s22, s31;
	[sflag:s20] =	ssyncadd.s32 $0xFFFFE0C0  }
0x45: {  	s23 =	sadd.s32 s23, s24;
	s22 =	smax.u32 s22, $0x1;
	_ =	swait.ge [sflag:s20], $0x1F40  }
0x46: {  	s23 =	sshrl.u32 s23, $0x3;
	p0 =	sne.s32 s22, $0x1;
	[sflag:s20] =	ssyncset.done $0x0  }
.Ltmp0:
0x47: {  	s21 =	sadd.s32 s23, s21;
	[sflag:s20] =	ssyncadd.s32 $0xFFFFE0C0;
	(pc) =	sbr.rel @!p0 .LBB2_2-.Ltmp0, $4  }
0x48: {  	s21 =	sadd.s32 $0x17400, s21;
	[bflag:$0x0] =	sbarrier.arrive $0xFFFF  }
0x49: {  	[hbm:s21], [sflag:s5] =	dma.local [spmem:s7], $0x280  }
0x4a: {  	_ =	swait.ge [sflag:s6], $0x280  }
0x4b: {  	s22 =	sadd.s32 $0xFFFFFFFF, s22;
	[sflag:s6] =	ssyncset.done $0x0  }
.LBB2_1:
0x4c: {  	p0 =	sne.s32 s22, $0x1;
	s22 =	sadd.s32 $0xFFFFFFFF, s22;
	[sflag:s6] =	ssyncadd.s32 $0xFFFFFD80  }
0x4d: {  	[spmem:s7], [sflag:s5] =	dma.local [hbm:s4], $0x280  }
0x4e: {  	_ =	swait.ge [sflag:s6], $0x280  }
0x4f: {  	[sflag:s6] =	ssyncset.done $0x0  }
0x50: {  	[sflag:s6] =	ssyncadd.s32 $0xFFFFFD80  }
0x51: {  	[tilespmem:s3], [sflag:$0x2] =	stream.linear.gather [hbm4b:s8+s3], $0x2710, $0x38;
	[tilespmem:$0x5A50] =	vst v63  }
0x52: {  	_ =	swait.ge [sflag:s6], $0x2710  }
0x53: {  	[sflag:s6] =	ssyncset.done $0x0  }
0x54: {  	[sflag:s6] =	ssyncadd.s32 $0xFFFFD8F0  }
0x55: {  	[tilespmem:s10], [sflag:$0x2] =	stream.linear.gather [hbm4b:s9+s3], $0x1F40, $0x38;
	[tilespmem:$0x5A50] =	vst v63  }
0x56: {  	_ =	swait.ge [sflag:s6], $0x1F40  }
0x57: {  	[sflag:s6] =	ssyncset.done $0x0  }
0x58: {  	[sflag:s6] =	ssyncadd.s32 $0xFFFFE0C0  }
0x59: {  	[bflag:$0x0] =	sbarrier.arrive $0xFFFF  }
0x5a: {  	[spmem:s2] =	stream.indirect.scatter.add.f32 [tilespmem:s10], [sflag:$0x1], $0x8, s3, s11, $0xb8;
	[tilespmem:$0x5A50] =	vst v63  }
0x5b: {  	_ = 	snop  }
0x5c: {  	[spmem:s2] =	stream.indirect.scatter.add.f32 [tilespmem:s10], [sflag:$0x1], $0x8, s11, s11, $0xb8;
	[tilespmem:$0x5A50] =	vst v63  }
0x5d: {  	_ = 	snop  }
0x5e: {  	[spmem:s2] =	stream.indirect.scatter.add.f32 [tilespmem:s10], [sflag:$0x1], $0x8, s12, s11, $0xb8;
	[tilespmem:$0x5A50] =	vst v63  }
0x5f: {  	_ = 	snop  }
0x60: {  	[spmem:s2] =	stream.indirect.scatter.add.f32 [tilespmem:s10], [sflag:$0x1], $0x8, s13, s11, $0xb8;
	[tilespmem:$0x5A50] =	vst v63  }
0x61: {  	_ = 	snop  }
0x62: {  	[spmem:s2] =	stream.indirect.scatter.add.f32 [tilespmem:s10], [sflag:$0x1], $0x8, s14, s11, $0xb8;
	[tilespmem:$0x5A50] =	vst v63  }
0x63: {  	_ = 	snop  }
0x64: {  	[spmem:s2] =	stream.indirect.scatter.add.f32 [tilespmem:s10], [sflag:$0x1], $0x8, s15, s11, $0xb8;
	[tilespmem:$0x5A50] =	vst v63  }
0x65: {  	_ = 	snop  }
0x66: {  	[spmem:s2] =	stream.indirect.scatter.add.f32 [tilespmem:s10], [sflag:$0x1], $0x8, s16, s11, $0xb8;
	[tilespmem:$0x5A50] =	vst v63  }
0x67: {  	_ = 	snop  }
0x68: {  	[spmem:s2] =	stream.indirect.scatter.add.f32 [tilespmem:s10], [sflag:$0x1], $0x8, s17, s11, $0xb8;
	[tilespmem:$0x5A50] =	vst v63  }
0x69: {  	_ = 	snop  }
0x6a: {  	[spmem:s2] =	stream.indirect.scatter.add.f32 [tilespmem:s10], [sflag:$0x1], $0x8, s18, s11, $0xb8;
	[tilespmem:$0x5A50] =	vst v63  }
0x6b: {  	_ = 	snop  }
0x6c: {  	[spmem:s2] =	stream.indirect.scatter.add.f32 [tilespmem:s10], [sflag:$0x1], $0x8, s19, s11, $0xb8;
	[tilespmem:$0x5A50] =	vst v63  }
0x6d: {  	_ =	swait.ge [sflag:s20], $0x1F40  }
0x6e: {  	[sflag:s20] =	ssyncset.done $0x0  }
0x6f: {  	[sflag:s20] =	ssyncadd.s32 $0xFFFFE0C0  }
0x70: {  	_ =	swait.ge [sflag:s20], $0x1F40  }
0x71: {  	[sflag:s20] =	ssyncset.done $0x0  }
0x72: {  	[sflag:s20] =	ssyncadd.s32 $0xFFFFE0C0  }
0x73: {  	_ =	swait.ge [sflag:s20], $0x1F40  }
0x74: {  	[sflag:s20] =	ssyncset.done $0x0  }
0x75: {  	[sflag:s20] =	ssyncadd.s32 $0xFFFFE0C0  }
0x76: {  	_ =	swait.ge [sflag:s20], $0x1F40  }
0x77: {  	[sflag:s20] =	ssyncset.done $0x0  }
0x78: {  	[sflag:s20] =	ssyncadd.s32 $0xFFFFE0C0  }
0x79: {  	_ =	swait.ge [sflag:s20], $0x1F40  }
0x7a: {  	[sflag:s20] =	ssyncset.done $0x0  }
0x7b: {  	[sflag:s20] =	ssyncadd.s32 $0xFFFFE0C0  }
0x7c: {  	_ =	swait.ge [sflag:s20], $0x1F40  }
0x7d: {  	[sflag:s20] =	ssyncset.done $0x0  }
0x7e: {  	[sflag:s20] =	ssyncadd.s32 $0xFFFFE0C0  }
0x7f: {  	_ =	swait.ge [sflag:s20], $0x1F40  }
0x80: {  	[sflag:s20] =	ssyncset.done $0x0  }
0x81: {  	[sflag:s20] =	ssyncadd.s32 $0xFFFFE0C0  }
0x82: {  	_ =	swait.ge [sflag:s20], $0x1F40  }
0x83: {  	[sflag:s20] =	ssyncset.done $0x0  }
0x84: {  	[sflag:s20] =	ssyncadd.s32 $0xFFFFE0C0  }
0x85: {  	_ =	swait.ge [sflag:s20], $0x1F40  }
0x86: {  	[sflag:s20] =	ssyncset.done $0x0  }
0x87: {  	[sflag:s20] =	ssyncadd.s32 $0xFFFFE0C0  }
0x88: {  	_ =	swait.ge [sflag:s20], $0x1F40  }
0x89: {  	[sflag:s20] =	ssyncset.done $0x0  }
.Ltmp1:
0x8a: {  	[sflag:s20] =	ssyncadd.s32 $0xFFFFE0C0;
	(pc) =	sbr.rel @p0 .LBB2_1-.Ltmp1, $4  }
0x8b: {  	[bflag:$0x0] =	sbarrier.arrive $0xFFFF  }
0x8c: {  	[hbm:s21], [sflag:s5] =	dma.local [spmem:s7], $0x280  }
0x8d: {  	_ =	swait.ge [sflag:s6], $0x280  }
0x8e: {  	[sflag:s6] =	ssyncset.done $0x0  }
.LBB2_2:
0x8f: {  	[sflag:s6] =	ssyncadd.s32 $0xFFFFFD80  }
0x90: {  	_ =	sfence.sel $0x180000  }
0x91: {  	[bflag:$0x0] =	sbarrier.arrive $0xFFFF  }
0x92: {  	p0 =	sne.s32 s1, $0x0;
	_ =	strace $0x90000047  }
0x93: {  	s0 =	sadd.s32 @!p0 $0x100000, s0;
	[bflag:$0x2] =	sbarrier.arrive $0xFFFF  }
0x94: {  	[sflag:s0] =	ssyncadd.tile.s32 @!p0 $0x1;
	_ =	shalt  }
.Lfunc_end2:
_tile_overlayer_lowered:
.L_overlay_start_2:
0x95: {  	(tag) =	ssettag $0x2  }
0x96: {  	s0 =	rddreg [dreg:$0x0];
	s2 =	stileid.u32  }
0x97: {  	s1 =	rddreg [dreg:$0x1];
	p0 =	sne.s32 s2, $0x0  }
0x98: {  	s3 =	rddreg [dreg:$0x2];
	[bflag:$0x3] =	sbarrier.arrive $0xFFFF;
	s2 =	simm.s32 @!p0 $0x1C02  }
0x99: {  	[timem:s3], [sflag:s2] =	dma.local @!p0 [hbm:s0], s1  }
0x9a: {  	s0 =	simm.s32 @!p0 $0x2  }
0x9b: {  	_ =	swait.ge @!p0 [sflag:s0], s1  }
0x9c: {  	s1 =	ssub.s32 @!p0 $0x0, s1;
	[sflag:s0] =	ssyncset.done @!p0 $0x0  }
0x9d: {  	[sflag:s0] =	ssyncadd.s32 @!p0 s1  }
0x9e: {  	[bflag:$0x3] =	sbarrier.arrive $0xFFFF  }
0x9f: {  	_ =	shalt  }

// kernel: kernel.14.cloned.1.call-start
scs
__scs_entry_jumppad:
0x0: {  	(pc) =	sbr.rel $0x88, $3  }
0x1: {  	(tag) =	ssettag $0x0;
	lr =	simm.s32 $0x1  }
0x2: {  	[smem:$0x3F90] =	sst lr;
	_ =	strace $0xD0000000  }
0x3: {  	_ = 	snop  }
0x4: {  	_ = 	snop  }
0x5: {  	_ = 	snop  }
0x6: {  	_ = 	snop  }
0x7: {  	_ = 	snop  }
__scs_overlays_trampoline_lowered:
0x8: {  	[smem:$0x3F9F] =	sst s0  }
0x9: {  	[smem:$0x3FA0] =	sst s1  }
0xa: {  	[smem:$0x3FA1] =	sst s2  }
0xb: {  	[smem:$0x3FA2] =	sst s3  }
0xc: {  	[smem:$0x3FA3] =	sst s4  }
0xd: {  	[smem:$0x3FA4] =	sst s5  }
0xe: {  	[smem:$0x3FA5] =	sst s6  }
0xf: {  	[smem:$0x3FA6] =	sst s7  }
0x10: {  	[smem:$0x3FA7] =	sst s8  }
0x11: {  	[smem:$0x3FA8] =	sst s9;
	s0 =	simm.s32 @!p0 $0x0  }
0x12: {  	s1 =	sld [smem:$0x3F8E];
	s0 =	simm.s32 @p0 $0x1  }
0x13: {  	[smem:$0x3FA9] =	sst s0;
	s0 =	simm.s32 @!p1 $0x0  }
0x14: {  	s2 =	sld [smem:$0x3F8D];
	s0 =	simm.s32 @p1 $0x1  }
0x15: {  	[smem:$0x3FAA] =	sst s0;
	s0 =	simm.s32 @!p2 $0x0  }
0x16: {  	s3 =	sld [smem:$0x3FDB];
	s0 =	simm.s32 @p2 $0x1  }
0x17: {  	s4 =	simm.s32 $0x1BF5;
	[smem:$0x3FAC] =	sst s0  }
0x18: {  	s0 =	sld [smem:$0x3F8F];
	_ =	swait.ge [sflag:s4], $0x0  }
0x19: {  	s7 =	sld [smem:$0x3F90]  }
0x1a: {  	s8 =	sadd.s32 $0xFFFFE003, lr  }
0x1b: {  	s9 =	sadd.s32 $0xFFFFFEF7, lr;
	s5 =	simm.s32 $0xFFFFFFFF;
	p2 =	slt.u32 s8, $0xFFFFF086  }
0x1c: {  	p1 =	slt.u32 s9, $0xF7A;
	s5 =	simm.s32 @!p2 $0x0  }
0x1d: {  	s5 =	simm.s32 @p1 $0x1;
	p0 =	seq.s32 s7, s2  }
0x1e: {  	s7 =	smul.u32 @!p0 $0xF7A, s2;
	p2 =	seq.s32 @!p0 s5, $0x0  }
0x1f: {  	s9 =	smul.u32 $0xF7A, s1;
	s8 =	simm.s32 @!p0 $0x1BF5;
	p2 =	por !p2, p0  }
0x20: {  	[sflag:s8] =	ssyncset.s32 @!p0 $0xFFFFF086;
	s6 =	sadd.s32 @!p0 s3, s7;
	s7 =	simm.s32 @!p0 $0x108  }
0x21: {  	s3 =	sadd.s32 s3, s9;
	s6 =	sadd.s32 @!p0 $0x88, s6;
	s7 =	simm.s32 @p2 $0x1082  }
0x22: {  	[simem:s7], [sflag:s8] =	dma.local @!p0 [hbm:s6], $0xF7A  }
0x23: {  	s9 =	sor.u32 $0xD0000000, s2;
	s6 =	simm.s32 $0x108;
	_ =	swait.ge @!p0 [sflag:s8], $0x0  }
0x24: {  	s3 =	sadd.s32 $0x88, s3;
	s6 =	simm.s32 @!p1 $0x1082;
	[sflag:s4] =	ssyncset.s32 $0xFFFFF086  }
0x25: {  	[simem:s6], [sflag:s4] =	dma.local [hbm:s3], $0xF7A  }
0x26: {  	[smem:$0x3F90] =	sst s1;
	(tag) =	ssettag s2;
	_ =	strace s9  }
0x27: {  	s1 =	sld [smem:$0x3FA0]  }
0x28: {  	s2 =	sld [smem:$0x3FA1]  }
0x29: {  	s4 =	sld [smem:$0x3FA3]  }
0x2a: {  	p0 =	seq.s32 s5, $0x0;
	s5 =	sld [smem:$0x3FA4]  }
0x2b: {  	s6 =	sld [smem:$0x3FA5]  }
0x2c: {  	s7 =	sld [smem:$0x3FA6]  }
0x2d: {  	s3 =	simm.s32 $0x108;
	s8 =	sld [smem:$0x3FA7]  }
0x2e: {  	s3 =	simm.s32 @!p0 $0x1082;
	s9 =	sld [smem:$0x3FA8]  }
0x2f: {  	lr =	sadd.s32 s0, s3;
	s0 =	sld [smem:$0x3F9F]  }
0x30: {  	s3 =	sld [smem:$0x3FA2]  }
0x31: {  	[smem:$0x3FAB] =	sst s10  }
0x32: {  	s10 =	sld [smem:$0x3FA9];
	_ =	sdelay $0x3  }
0x33: {  	p0 =	seq.s32 s10, $0x1;
	s10 =	sld [smem:$0x3FAB];
	_ =	sdelay $0x3  }
0x34: {  	[smem:$0x3FAB] =	sst s10  }
0x35: {  	s10 =	sld [smem:$0x3FAA];
	_ =	sdelay $0x3  }
0x36: {  	p1 =	seq.s32 s10, $0x1;
	s10 =	sld [smem:$0x3FAB];
	_ =	sdelay $0x3  }
0x37: {  	[smem:$0x3FAB] =	sst s10  }
0x38: {  	s10 =	sld [smem:$0x3FAC]  }
0x39: {  	_ = 	snop;
	(pc) =	sbr.ind lr, $3  }
0x3a: {  	_ = 	snop  }
0x3b: {  	_ = 	snop  }
0x3c: {  	p2 =	seq.s32 s10, $0x1;
	s10 =	sld [smem:$0x3FAB]  }
0x3d: {  	_ =	shalt  }
0x3e: {  	_ =	shalt  }
0x3f: {  	_ =	shalt  }
0x40: {  	_ =	shalt  }
0x41: {  	_ =	shalt  }
0x42: {  	_ =	shalt  }
0x43: {  	_ =	shalt  }
0x44: {  	_ =	shalt  }
0x45: {  	_ =	shalt  }
0x46: {  	_ =	shalt  }
0x47: {  	_ =	shalt  }
0x48: {  	_ =	shalt  }
0x49: {  	_ =	shalt  }
0x4a: {  	_ =	shalt  }
0x4b: {  	_ =	shalt  }
0x4c: {  	_ =	shalt  }
0x4d: {  	_ =	shalt  }
0x4e: {  	_ =	shalt  }
0x4f: {  	_ =	shalt  }
0x50: {  	_ =	shalt  }
0x51: {  	_ =	shalt  }
0x52: {  	_ =	shalt  }
0x53: {  	_ =	shalt  }
0x54: {  	_ =	shalt  }
0x55: {  	_ =	shalt  }
0x56: {  	_ =	shalt  }
0x57: {  	_ =	shalt  }
0x58: {  	_ =	shalt  }
0x59: {  	_ =	shalt  }
0x5a: {  	_ =	shalt  }
0x5b: {  	_ =	shalt  }
0x5c: {  	_ =	shalt  }
0x5d: {  	_ =	shalt  }
0x5e: {  	_ =	shalt  }
0x5f: {  	_ =	shalt  }
0x60: {  	_ =	shalt  }
0x61: {  	_ =	shalt  }
0x62: {  	_ =	shalt  }
0x63: {  	_ =	shalt  }
0x64: {  	_ =	shalt  }
0x65: {  	_ =	shalt  }
0x66: {  	_ =	shalt  }
0x67: {  	_ =	shalt  }
0x68: {  	_ =	shalt  }
0x69: {  	_ =	shalt  }
0x6a: {  	_ =	shalt  }
0x6b: {  	_ =	shalt  }
0x6c: {  	_ =	shalt  }
0x6d: {  	_ =	shalt  }
0x6e: {  	_ =	shalt  }
0x6f: {  	_ =	shalt  }
0x70: {  	_ =	shalt  }
0x71: {  	_ =	shalt  }
0x72: {  	_ =	shalt  }
0x73: {  	_ =	shalt  }
0x74: {  	_ =	shalt  }
0x75: {  	_ =	shalt  }
0x76: {  	_ =	shalt  }
0x77: {  	_ =	shalt  }
0x78: {  	_ =	shalt  }
0x79: {  	_ =	shalt  }
0x7a: {  	_ =	shalt  }
0x7b: {  	_ =	shalt  }
0x7c: {  	_ =	shalt  }
0x7d: {  	_ =	shalt  }
0x7e: {  	_ =	shalt  }
0x7f: {  	_ =	shalt  }
0x80: {  	_ =	shalt  }
0x81: {  	_ =	shalt  }
0x82: {  	_ =	shalt  }
0x83: {  	_ =	shalt  }
0x84: {  	_ =	shalt  }
0x85: {  	_ =	shalt  }
0x86: {  	_ =	shalt  }
0x87: {  	_ =	shalt  }
.Lfunc_end0:
.L_simem_size_0:
called_computation.1_lowered:
.L_overlay_start_0:
0x88: {  	s2 =	sld [smem:$0x3FD9]  }
0x89: {  	s3 =	sld [smem:$0x3FFE];
	_ =	sdelay $0x1  }
0x8a: {  	s1 =	srdreg.scid  }
0x8b: {  	s0 =	sand.u32 $0x1, s1  }
0x8c: {  	s16 =	sshll.u32 s0, $0xA;
	s2 =	sadd.s32 s3, s2  }
0x8d: {  	s2 =	sadd.s32 s2, s16  }
0x8e: {  	[smem:$0x3FB7] =	sst s2  }
0x8f: {  	_ = 	snop  }
0x90: {  	(tm) =	ssettm $0x1  }
0x91: {  	s17 =	sld [smem:$0x3FFB];
	_ =	sdelay $0x3  }
0x92: {  	_ =	strace s17  }
0x93: {  	s2 =	sld [smem:$0x3FFC];
	_ =	sdelay $0x3  }
0x94: {  	_ =	strace s2  }
0x95: {  	s2 =	sld [smem:$0x3FFD];
	_ =	sdelay $0x3  }
0x96: {  	_ =	strace s2  }
0x97: {  	_ =	strace $0x8FFFFFFF  }
0x98: {  	s18 =	sld [smem:$0x3FDB];
	_ =	sdelay $0x1  }
0x99: {  	s19 =	simm.s32 $_scs_section_size  }
0x9a: {  	s4 =	simm.s32 $_size__tile_overlayer_lowered;
	s5 =	simm.s32 $_tile_overlayer_lowered  }
0x9b: {  	s22 =	simm.s32 $0x1BFF;
	s21 =	sshll.u32 s5, $0x1;
	s2 =	sadd.s32 s19, s18  }
0x9c: {  	s6 =	simm.s32 $0x0;
	s20 =	sshll.u32 s4, $0x1;
	s4 =	sadd.s32 s21, s2  }
0x9d: {  	[timem:s6], [sflag:s22] =	dma.local [hbm:s4], s20  }
0x9e: {  	_ =	swait.ge [sflag:s22], s20  }
0x9f: {  	s3 =	ssub.s32 $0x0, s20;
	[sflag:s22] =	ssyncset.done $0x0  }
0xa0: {  	[sflag:s22] =	ssyncadd.s32 s3;
	_ =	sdelay $0x1  }
0xa1: {  	s23 =	simm.s32 $0x1B8B  }
0xa2: {  	_ =	swait.ge [sflag:s23], $0x1  }
0xa3: {  	[sflag:s23] =	ssyncset.done $0x0  }
0xa4: {  	s25 =	simm.s32 $0x1B8E;
	s24 =	sld [smem:$0x3FFE];
	[sflag:s23] =	ssyncadd.s32 $0xFFFFFFFF  }
0xa5: {  	s26 =	simm.s32 $execute0_lowered;
	[smem:$0x3FD2] =	sst s25  }
0xa6: {  	s4 =	sshll.u32 s26, $0x1;
	_ =	strace $0x80000049;
	[dreg:$0x1] =	wrdreg $0xFFFFFFFF  }
0xa7: {  	s28 =	simm.s32 $_size_execute0_lowered;
	s2 =	sadd.s32 s2, s4;
	[dreg:$0x0] =	wrdreg $0x0  }
0xa8: {  	s4 =	sshll.u32 s28, $0x1;
	[dreg:$0x2] =	wrdreg s2  }
0xa9: {  	[dreg:$0x3] =	wrdreg s4  }
0xaa: {  	[dreg:$0x4] =	wrdreg $0xC0  }
0xab: {  	_ =	task [dreg:s6], $0x5FFFF  }
0xac: {  	[dreg:$0x1] =	wrdreg $0xFFFFFFFF  }
0xad: {  	[dreg:$0x0] =	wrdreg $0x60  }
0xae: {  	[dreg:$0x2] =	wrdreg s24  }
0xaf: {  	[dreg:$0x3] =	wrdreg $0x148200  }
0xb0: {  	[dreg:$0x4] =	wrdreg $0x198200  }
0xb1: {  	[dreg:$0x5] =	wrdreg $0x9  }
0xb2: {  	_ =	task.clear_ibuf [dreg:s6], $0x6FFFF;
	_ =	strace $0x90000049  }
0xb3: {  	s29 =	simm.s32 $0x9;
	_ =	strace $0x8000004B  }
0xb4: {  	_ =	swait.ge [sflag:s29], $0x1  }
0xb5: {  	[sflag:s29] =	ssyncadd.s32 $0xFFFFFFFF  }
0xb6: {  	_ =	strace $0x9000004B  }
0xb7: {  	_ =	sfence  }
0xb8: {  	s30 =	sld [smem:$0x0];
	_ =	sdelay $0x2  }
0xb9: {  	s31 =	sshll.u32 s1, $0xD;
	s1 =	sshrl.u32 s1, $0x2  }
0xba: {  	s3 =	sand.u32 $0x4000, s31;
	s1 =	sadd.s32 s1, s30  }
0xbb: {  	s0 =	sor.u32 s3, s0;
	s1 =	sshll.u32 s1, $0x11  }
0xbc: {  	s0 =	sor.u32 s1, s0  }
0xbd: {  	s0 =	sadd.s32 $0x8F2B, s0  }
0xbe: {  	[sflag:s0] =	ssyncadd.remote.s32 $0x1  }
0xbf: {  	_ =	sfence.sel $0xFFFF  }
0xc0: {  	[dreg:$0x0] =	wrdreg $0xFFFFFFFF;
	(pc) =	sbr.abs _section_cstart, $3  }
0xc1: {  	[dreg:$0x1] =	wrdreg $0xFFFFFFFF  }
0xc2: {  	_ =	task.clear_ibuf [dreg:s6], $0x2FFFF;
	_ =	strace $0x9FFFFFFF  }
0xc3: {  	(tm) =	ssettm $0x7FFFFFFF  }
tec
execute0_lowered:
.L_overlay_start_1:
0x0: {  	(tag) =	ssettag $0x1  }
0x1: {  	s0 =	rddreg [dreg:$0x0]  }
0x2: {  	s2 =	rddreg [dreg:$0x1]  }
0x3: {  	s3 =	rddreg [dreg:$0x2];
	s4 =	srdreg.scid  }
0x4: {  	s14 =	rddreg [dreg:$0x3];
	s1 =	stileid.u32;
	s19 =	simm.s32 $0x0  }
0x5: {  	s31 =	simm.s32 $0x2710;
	s13 =	simm.s32 $0x1;
	s25 =	simm.s32 $0x7D0  }
0x6: {  	s11 =	simm.s32 $0x2;
	s26 =	simm.s32 $0x2AF8;
	s12 =	simm.s32 $0x3  }
0x7: {  	s29 =	simm.s32 $0xBB8;
	s30 =	simm.s32 $0x2EE0;
	s28 =	simm.s32 $0x32C8  }
0x8: {  	s22 =	simm.s32 $0x1770;
	s23 =	simm.s32 $0x3A98;
	p0 =	por $0x0, $0x0  }
0x9: {  	s4 =	sand.u32 $0x1, s4;
	s5 =	smul.u32 $0x5000, s1;
	[smem:$0x7FF] =	sst s19  }
0xa: {  	s20 =	sshll.u32 s1, $0x6;
	s6 =	sshll.u32 s4, $0x4;
	s7 =	smul.u32 $0x50000, s4  }
0xb: {  	_ =	strace $0x8000004A;
	s4 =	ssub.s32 $0x2, s4;
	[dreg:$0xa] =	wrdreg s25  }
0xc: {  	[dreg:$0xb] =	wrdreg s26;
	s26 =	simm.s32 $0xFA0;
	s25 =	simm.s32 $0x36B0  }
0xd: {  	s6 =	sor.u32 s1, s6;
	s8 =	sshrl.u32 s5, $0x3;
	s9 =	sshrl.u32 s4, $0x1  }
0xe: {  	s17 =	sadd.s32 s5, s2;
	s6 =	smul.u32 $0x4E2, s6;
	s8 =	sadd.s32 s8, s0  }
0xf: {  	s7 =	sadd.s32 s5, s7;
	s15 =	ssub.s32 s4, s9;
	s4 =	sor.u32 $0x1C05, s20  }
0x10: {  	s5 =	sadd.s32 s5, s3;
	s9 =	simm.s32 $0x4;
	s20 =	simm.s32 $0x1B58  }
0x11: {  	s7 =	sshrl.u32 s7, $0x3;
	s16 =	sadd.s32 $0x71000, s8;
	s18 =	sadd.s32 $0x67000, s8  }
0x12: {  	s21 =	smax.u32 s15, $0x1;
	s24 =	sshrl.u32 s5, $0x3;
	s5 =	simm.s32 $0x5  }
0x13: {  	s8 =	simm.s32 $0xCB20;
	s15 =	simm.s32 $0x2328;
	[dreg:$0x4] =	wrdreg s16  }
0x14: {  	s6 =	sadd.s32 s6, s0;
	s0 =	sadd.s32 s7, s0;
	[dreg:$0x5] =	wrdreg s18  }
0x15: {  	[dreg:$0x9] =	wrdreg s24;
	s7 =	simm.s32 $0x3E8;
	p1 =	sne.s32 s21, $0x1  }
.Ltmp0:
0x16: {  	s24 =	simm.s32 $0x1388;
	s10 =	sadd.s32 $0x3400, s6;
	(pc) =	sbr.rel @!p1 .LBB2_5-.Ltmp0, $4  }
0x17: {  	s18 =	simm.s32 $0x4268;
	s6 =	sadd.s32 $0xD200, s6;
	[dreg:$0x6] =	wrdreg s10  }
0x18: {  	s16 =	simm.s32 $0x4650;
	s0 =	sadd.s32 $0x7B000, s0;
	[dreg:$0x7] =	wrdreg s6  }
0x19: {  	[dreg:$0x8] =	wrdreg s0;
	s6 =	sshrl.u32 s17, $0x3;
	s10 =	simm.s32 $0x4E20  }
0x1a: {  	s0 =	sadd.s32 $0xFFFFFFFF, s21;
	s21 =	simm.s32 $0x3E80;
	s17 =	simm.s32 $0x1F40  }
0x1b: {  	s1 =	rddreg [dreg:$0x4]  }
0x1c: {  	[spmem:s6], [sflag:s4] =	dma.local [hbm:s1], $0xA00  }
0x1d: {  	_ =	swait.ge [sflag:s5], $0xA00  }
0x1e: {  	s1 =	rddreg [dreg:$0x5];
	[sflag:s5] =	ssyncset.done $0x0  }
0x1f: {  	s14 =	smov.u32 s0;
	s0 =	rddreg [dreg:$0x9];
	[sflag:s5] =	ssyncadd.s32 $0xFFFFF600  }
0x20: {  	[spmem:s0], [sflag:s4] =	dma.local [hbm:s1], $0xA00  }
0x21: {  	_ =	swait.ge [sflag:s5], $0xA00  }
0x22: {  	[sflag:s5] =	ssyncset.done $0x0  }
0x23: {  	s1 =	rddreg [dreg:$0x6];
	[sflag:s5] =	ssyncadd.s32 $0xFFFFF600  }
0x24: {  	[tilespmem:s19], [sflag:$0x5] =	stream.linear.gather [hbm4b:s1+s19], $0x2710, $0x38;
	[tilespmem:$0x1E820] =	vst v63  }
0x25: {  	_ =	swait.ge [sflag:s5], $0x2710  }
0x26: {  	[sflag:s5] =	ssyncset.done $0x0  }
0x27: {  	s1 =	rddreg [dreg:$0x7];
	[sflag:s5] =	ssyncadd.s32 $0xFFFFD8F0  }
0x28: {  	[tilespmem:s31], [sflag:$0x5] =	stream.linear.gather [hbm4b:s1+s19], $0x2710, $0x38;
	[tilespmem:$0x1E820] =	vst v63  }
0x29: {  	_ =	swait.ge [sflag:s5], $0x2710  }
0x2a: {  	[sflag:s5] =	ssyncset.done $0x0  }
0x2b: {  	[sflag:s5] =	ssyncadd.s32 $0xFFFFD8F0  }
0x2c: {  	[bflag:$0x0] =	sbarrier.arrive $0xFFFF  }
0x2d: {  	[tilespmem:s10], [sflag:$0x1] =	stream.indirect.gather [spmem:s3], $0x20, s19, s7, $0xb8;
	[tilespmem:$0x1E820] =	vst v63  }
0x2e: {  	_ =	swait.ge [sflag:s13], $0x7D00  }
0x2f: {  	[sflag:s13] =	ssyncset.done $0x0  }
0x30: {  	[sflag:s13] =	ssyncadd.s32 $0xFFFF8300  }
0x31: {  	[tilespmem:s8], [sflag:$0x2] =	stream.indirect.gather [spmem:s3], $0x20, s7, s7, $0xb8;
	[tilespmem:$0x1E820] =	vst v63  }
0x32: {  	_ = 	snop  }
0x33: {  	[spmem:s2] =	stream.indirect.scatter.add.f32 [tilespmem:s10], [sflag:$0x3], $0x20, s31, s7, $0xb8;
	[tilespmem:$0x1E820] =	vst v63  }
0x34: {  	_ =	swait.ge [sflag:s11], $0x7D00  }
0x35: {  	[sflag:s11] =	ssyncset.done $0x0  }
0x36: {  	[sflag:s11] =	ssyncadd.s32 $0xFFFF8300  }
0x37: {  	_ =	swait.ge [sflag:s12], $0x7D00  }
0x38: {  	[sflag:s12] =	ssyncset.done $0x0  }
0x39: {  	s0 =	rddreg [dreg:$0xa];
	[sflag:s12] =	ssyncadd.s32 $0xFFFF8300  }
0x3a: {  	[tilespmem:s10], [sflag:$0x1] =	stream.indirect.gather [spmem:s3], $0x20, s0, s7, $0xb8;
	[tilespmem:$0x1E820] =	vst v63  }
0x3b: {  	s1 =	rddreg [dreg:$0xb]  }
0x3c: {  	[spmem:s2] =	stream.indirect.scatter.add.f32 [tilespmem:s8], [sflag:$0x4], $0x20, s1, s7, $0xb8;
	[tilespmem:$0x1E820] =	vst v63  }
0x3d: {  	_ =	swait.ge [sflag:s13], $0x7D00  }
0x3e: {  	[sflag:s13] =	ssyncset.done $0x0  }
0x3f: {  	[sflag:s13] =	ssyncadd.s32 $0xFFFF8300  }
0x40: {  	_ =	swait.ge [sflag:s9], $0x7D00  }
0x41: {  	[sflag:s9] =	ssyncset.done $0x0  }
0x42: {  	[sflag:s9] =	ssyncadd.s32 $0xFFFF8300  }
0x43: {  	[tilespmem:s8], [sflag:$0x2] =	stream.indirect.gather [spmem:s3], $0x20, s29, s7, $0xb8;
	[tilespmem:$0x1E820] =	vst v63  }
0x44: {  	_ = 	snop  }
0x45: {  	[spmem:s2] =	stream.indirect.scatter.add.f32 [tilespmem:s10], [sflag:$0x3], $0x20, s30, s7, $0xb8;
	[tilespmem:$0x1E820] =	vst v63  }
0x46: {  	_ =	swait.ge [sflag:s11], $0x7D00  }
0x47: {  	[sflag:s11] =	ssyncset.done $0x0  }
0x48: {  	[sflag:s11] =	ssyncadd.s32 $0xFFFF8300  }
0x49: {  	_ =	swait.ge [sflag:s12], $0x7D00  }
0x4a: {  	[sflag:s12] =	ssyncset.done $0x0  }
0x4b: {  	[sflag:s12] =	ssyncadd.s32 $0xFFFF8300  }
0x4c: {  	[tilespmem:s10], [sflag:$0x1] =	stream.indirect.gather [spmem:s3], $0x20, s26, s7, $0xb8;
	[tilespmem:$0x1E820] =	vst v63  }
0x4d: {  	_ = 	snop  }
0x4e: {  	[spmem:s2] =	stream.indirect.scatter.add.f32 [tilespmem:s8], [sflag:$0x4], $0x20, s28, s7, $0xb8;
	[tilespmem:$0x1E820] =	vst v63  }
0x4f: {  	_ =	swait.ge [sflag:s13], $0x7D00  }
0x50: {  	[sflag:s13] =	ssyncset.done $0x0  }
0x51: {  	[sflag:s13] =	ssyncadd.s32 $0xFFFF8300  }
0x52: {  	_ =	swait.ge [sflag:s9], $0x7D00  }
0x53: {  	[sflag:s9] =	ssyncset.done $0x0  }
0x54: {  	[sflag:s9] =	ssyncadd.s32 $0xFFFF8300  }
0x55: {  	[tilespmem:s8], [sflag:$0x2] =	stream.indirect.gather [spmem:s3], $0x20, s24, s7, $0xb8;
	[tilespmem:$0x1E820] =	vst v63  }
0x56: {  	_ = 	snop  }
0x57: {  	[spmem:s2] =	stream.indirect.scatter.add.f32 [tilespmem:s10], [sflag:$0x3], $0x20, s25, s7, $0xb8;
	[tilespmem:$0x1E820] =	vst v63  }
0x58: {  	_ =	swait.ge [sflag:s11], $0x7D00  }
0x59: {  	[sflag:s11] =	ssyncset.done $0x0  }
0x5a: {  	[sflag:s11] =	ssyncadd.s32 $0xFFFF8300  }
0x5b: {  	_ =	swait.ge [sflag:s12], $0x7D00  }
0x5c: {  	[sflag:s12] =	ssyncset.done $0x0  }
0x5d: {  	[sflag:s12] =	ssyncadd.s32 $0xFFFF8300  }
0x5e: {  	[tilespmem:s10], [sflag:$0x1] =	stream.indirect.gather [spmem:s3], $0x20, s22, s7, $0xb8;
	[tilespmem:$0x1E820] =	vst v63  }
0x5f: {  	_ = 	snop  }
0x60: {  	[spmem:s2] =	stream.indirect.scatter.add.f32 [tilespmem:s8], [sflag:$0x4], $0x20, s23, s7, $0xb8;
	[tilespmem:$0x1E820] =	vst v63  }
0x61: {  	_ =	swait.ge [sflag:s13], $0x7D00  }
0x62: {  	[sflag:s13] =	ssyncset.done $0x0  }
0x63: {  	[sflag:s13] =	ssyncadd.s32 $0xFFFF8300  }
0x64: {  	_ =	swait.ge [sflag:s9], $0x7D00  }
0x65: {  	[sflag:s9] =	ssyncset.done $0x0  }
0x66: {  	[sflag:s9] =	ssyncadd.s32 $0xFFFF8300  }
0x67: {  	[tilespmem:s8], [sflag:$0x2] =	stream.indirect.gather [spmem:s3], $0x20, s20, s7, $0xb8;
	[tilespmem:$0x1E820] =	vst v63  }
0x68: {  	_ = 	snop  }
0x69: {  	[spmem:s2] =	stream.indirect.scatter.add.f32 [tilespmem:s10], [sflag:$0x3], $0x20, s21, s7, $0xb8;
	[tilespmem:$0x1E820] =	vst v63  }
0x6a: {  	_ =	swait.ge [sflag:s11], $0x7D00  }
0x6b: {  	[sflag:s11] =	ssyncset.done $0x0  }
0x6c: {  	[sflag:s11] =	ssyncadd.s32 $0xFFFF8300  }
0x6d: {  	_ =	swait.ge [sflag:s12], $0x7D00  }
0x6e: {  	[sflag:s12] =	ssyncset.done $0x0  }
0x6f: {  	[sflag:s12] =	ssyncadd.s32 $0xFFFF8300  }
0x70: {  	[tilespmem:s10], [sflag:$0x1] =	stream.indirect.gather [spmem:s3], $0x20, s17, s7, $0xb8;
	[tilespmem:$0x1E820] =	vst v63  }
0x71: {  	_ = 	snop  }
0x72: {  	[spmem:s2] =	stream.indirect.scatter.add.f32 [tilespmem:s8], [sflag:$0x4], $0x20, s18, s7, $0xb8;
	[tilespmem:$0x1E820] =	vst v63  }
0x73: {  	_ =	swait.ge [sflag:s13], $0x7D00  }
0x74: {  	[sflag:s13] =	ssyncset.done $0x0  }
0x75: {  	[sflag:s13] =	ssyncadd.s32 $0xFFFF8300  }
0x76: {  	_ =	swait.ge [sflag:s9], $0x7D00  }
0x77: {  	[sflag:s9] =	ssyncset.done $0x0  }
0x78: {  	[sflag:s9] =	ssyncadd.s32 $0xFFFF8300  }
0x79: {  	[tilespmem:s8], [sflag:$0x2] =	stream.indirect.gather [spmem:s3], $0x20, s15, s7, $0xb8;
	[tilespmem:$0x1E820] =	vst v63  }
0x7a: {  	_ = 	snop  }
0x7b: {  	[spmem:s2] =	stream.indirect.scatter.add.f32 [tilespmem:s10], [sflag:$0x3], $0x20, s16, s7, $0xb8;
	[tilespmem:$0x1E820] =	vst v63  }
0x7c: {  	_ =	swait.ge [sflag:s11], $0x7D00  }
0x7d: {  	[sflag:s11] =	ssyncset.done $0x0  }
0x7e: {  	[sflag:s11] =	ssyncadd.s32 $0xFFFF8300  }
0x7f: {  	_ =	swait.ge [sflag:s12], $0x7D00  }
0x80: {  	[sflag:s12] =	ssyncset.done $0x0  }
0x81: {  	s1 =	simm.s32 $0x4A38;
	[sflag:s12] =	ssyncadd.s32 $0xFFFF8300  }
0x82: {  	[spmem:s2] =	stream.indirect.scatter.add.f32 [tilespmem:s8], [sflag:$0x4], $0x20, s1, s7, $0xb8;
	[tilespmem:$0x1E820] =	vst v63  }
0x83: {  	_ =	swait.ge [sflag:s9], $0x7D00  }
0x84: {  	p1 =	sne.s32 s14, $0x1;
	[sflag:s9] =	ssyncset.done $0x0  }
.Ltmp1:
0x85: {  	[sflag:s9] =	ssyncadd.s32 $0xFFFF8300;
	(pc) =	sbr.rel @!p1 .LBB2_2-.Ltmp1, $4  }
0x86: {  	[bflag:$0x0] =	sbarrier.arrive $0xFFFF  }
0x87: {  	s1 =	rddreg [dreg:$0x8]  }
0x88: {  	[hbm:s1], [sflag:s4] =	dma.local [spmem:s6], $0xA00  }
0x89: {  	p0 =	por $0x1, $0x1;
	s0 =	sadd.s32 $0xFFFFFFFF, s14;
	_ =	swait.ge [sflag:s5], $0xA00  }
.LBB2_3:
0x8a: {  	[sflag:s5] =	ssyncset.done $0x0  }
0x8b: {  	s1 =	rddreg [dreg:$0x4];
	[sflag:s5] =	ssyncadd.s32 $0xFFFFF600  }
0x8c: {  	[spmem:s6], [sflag:s4] =	dma.local [hbm:s1], $0xA00  }
0x8d: {  	_ =	swait.ge [sflag:s5], $0xA00  }
0x8e: {  	[sflag:s5] =	ssyncset.done $0x0;
	s1 =	rddreg [dreg:$0x5]  }
0x8f: {  	s14 =	rddreg [dreg:$0x9];
	[sflag:s5] =	ssyncadd.s32 $0xFFFFF600  }
0x90: {  	[spmem:s14], [sflag:s4] =	dma.local [hbm:s1], $0xA00  }
0x91: {  	_ =	swait.ge [sflag:s5], $0xA00  }
0x92: {  	[sflag:s5] =	ssyncset.done $0x0  }
0x93: {  	s14 =	rddreg [dreg:$0x6];
	[sflag:s5] =	ssyncadd.s32 $0xFFFFF600  }
0x94: {  	[tilespmem:s19], [sflag:$0x5] =	stream.linear.gather [hbm4b:s14+s19], $0x2710, $0x38;
	[tilespmem:$0x1E820] =	vst v63  }
0x95: {  	_ =	swait.ge [sflag:s5], $0x2710  }
0x96: {  	[sflag:s5] =	ssyncset.done $0x0  }
0x97: {  	s14 =	rddreg [dreg:$0x7];
	[sflag:s5] =	ssyncadd.s32 $0xFFFFD8F0  }
0x98: {  	[tilespmem:s31], [sflag:$0x5] =	stream.linear.gather [hbm4b:s14+s19], $0x2710, $0x38;
	[tilespmem:$0x1E820] =	vst v63  }
0x99: {  	_ =	swait.ge [sflag:s5], $0x2710  }
0x9a: {  	[sflag:s5] =	ssyncset.done $0x0  }
0x9b: {  	[sflag:s5] =	ssyncadd.s32 $0xFFFFD8F0  }
0x9c: {  	[bflag:$0x0] =	sbarrier.arrive $0xFFFF  }
0x9d: {  	[tilespmem:s10], [sflag:$0x1] =	stream.indirect.gather [spmem:s3], $0x20, s19, s7, $0xb8;
	[tilespmem:$0x1E820] =	vst v63  }
0x9e: {  	_ =	swait.ge [sflag:s13], $0x7D00  }
0x9f: {  	[sflag:s13] =	ssyncset.done $0x0  }
0xa0: {  	[sflag:s13] =	ssyncadd.s32 $0xFFFF8300  }
0xa1: {  	[tilespmem:s8], [sflag:$0x2] =	stream.indirect.gather [spmem:s3], $0x20, s7, s7, $0xb8;
	[tilespmem:$0x1E820] =	vst v63  }
0xa2: {  	_ = 	snop  }
0xa3: {  	[spmem:s2] =	stream.indirect.scatter.add.f32 [tilespmem:s10], [sflag:$0x3], $0x20, s31, s7, $0xb8;
	[tilespmem:$0x1E820] =	vst v63  }
0xa4: {  	_ =	swait.ge [sflag:s11], $0x7D00  }
0xa5: {  	[sflag:s11] =	ssyncset.done $0x0  }
0xa6: {  	[sflag:s11] =	ssyncadd.s32 $0xFFFF8300  }
0xa7: {  	_ =	swait.ge [sflag:s12], $0x7D00  }
0xa8: {  	[sflag:s12] =	ssyncset.done $0x0  }
0xa9: {  	s1 =	rddreg [dreg:$0xa];
	[sflag:s12] =	ssyncadd.s32 $0xFFFF8300  }
0xaa: {  	[tilespmem:s10], [sflag:$0x1] =	stream.indirect.gather [spmem:s3], $0x20, s1, s7, $0xb8;
	[tilespmem:$0x1E820] =	vst v63  }
0xab: {  	s14 =	rddreg [dreg:$0xb]  }
0xac: {  	[spmem:s2] =	stream.indirect.scatter.add.f32 [tilespmem:s8], [sflag:$0x4], $0x20, s14, s7, $0xb8;
	[tilespmem:$0x1E820] =	vst v63  }
0xad: {  	_ =	swait.ge [sflag:s13], $0x7D00  }
0xae: {  	[sflag:s13] =	ssyncset.done $0x0  }
0xaf: {  	[sflag:s13] =	ssyncadd.s32 $0xFFFF8300  }
0xb0: {  	_ =	swait.ge [sflag:s9], $0x7D00  }
0xb1: {  	[sflag:s9] =	ssyncset.done $0x0  }
0xb2: {  	[sflag:s9] =	ssyncadd.s32 $0xFFFF8300  }
0xb3: {  	[tilespmem:s8], [sflag:$0x2] =	stream.indirect.gather [spmem:s3], $0x20, s29, s7, $0xb8;
	[tilespmem:$0x1E820] =	vst v63  }
0xb4: {  	_ = 	snop  }
0xb5: {  	[spmem:s2] =	stream.indirect.scatter.add.f32 [tilespmem:s10], [sflag:$0x3], $0x20, s30, s7, $0xb8;
	[tilespmem:$0x1E820] =	vst v63  }
0xb6: {  	_ =	swait.ge [sflag:s11], $0x7D00  }
0xb7: {  	[sflag:s11] =	ssyncset.done $0x0  }
0xb8: {  	[sflag:s11] =	ssyncadd.s32 $0xFFFF8300  }
0xb9: {  	_ =	swait.ge [sflag:s12], $0x7D00  }
0xba: {  	[sflag:s12] =	ssyncset.done $0x0  }
0xbb: {  	[sflag:s12] =	ssyncadd.s32 $0xFFFF8300  }
0xbc: {  	[tilespmem:s10], [sflag:$0x1] =	stream.indirect.gather [spmem:s3], $0x20, s26, s7, $0xb8;
	[tilespmem:$0x1E820] =	vst v63  }
0xbd: {  	_ = 	snop  }
0xbe: {  	[spmem:s2] =	stream.indirect.scatter.add.f32 [tilespmem:s8], [sflag:$0x4], $0x20, s28, s7, $0xb8;
	[tilespmem:$0x1E820] =	vst v63  }
0xbf: {  	_ =	swait.ge [sflag:s13], $0x7D00  }
0xc0: {  	[sflag:s13] =	ssyncset.done $0x0  }
0xc1: {  	[sflag:s13] =	ssyncadd.s32 $0xFFFF8300  }
0xc2: {  	_ =	swait.ge [sflag:s9], $0x7D00  }
0xc3: {  	[sflag:s9] =	ssyncset.done $0x0  }
0xc4: {  	[sflag:s9] =	ssyncadd.s32 $0xFFFF8300  }
0xc5: {  	[tilespmem:s8], [sflag:$0x2] =	stream.indirect.gather [spmem:s3], $0x20, s24, s7, $0xb8;
	[tilespmem:$0x1E820] =	vst v63  }
0xc6: {  	_ = 	snop  }
0xc7: {  	[spmem:s2] =	stream.indirect.scatter.add.f32 [tilespmem:s10], [sflag:$0x3], $0x20, s25, s7, $0xb8;
	[tilespmem:$0x1E820] =	vst v63  }
0xc8: {  	_ =	swait.ge [sflag:s11], $0x7D00  }
0xc9: {  	[sflag:s11] =	ssyncset.done $0x0  }
0xca: {  	[sflag:s11] =	ssyncadd.s32 $0xFFFF8300  }
0xcb: {  	_ =	swait.ge [sflag:s12], $0x7D00  }
0xcc: {  	[sflag:s12] =	ssyncset.done $0x0  }
0xcd: {  	[sflag:s12] =	ssyncadd.s32 $0xFFFF8300  }
0xce: {  	[tilespmem:s10], [sflag:$0x1] =	stream.indirect.gather [spmem:s3], $0x20, s22, s7, $0xb8;
	[tilespmem:$0x1E820] =	vst v63  }
0xcf: {  	_ = 	snop  }
0xd0: {  	[spmem:s2] =	stream.indirect.scatter.add.f32 [tilespmem:s8], [sflag:$0x4], $0x20, s23, s7, $0xb8;
	[tilespmem:$0x1E820] =	vst v63  }
0xd1: {  	_ =	swait.ge [sflag:s13], $0x7D00  }
0xd2: {  	[sflag:s13] =	ssyncset.done $0x0  }
0xd3: {  	[sflag:s13] =	ssyncadd.s32 $0xFFFF8300  }
0xd4: {  	_ =	swait.ge [sflag:s9], $0x7D00  }
0xd5: {  	[sflag:s9] =	ssyncset.done $0x0  }
0xd6: {  	[sflag:s9] =	ssyncadd.s32 $0xFFFF8300  }
0xd7: {  	[tilespmem:s8], [sflag:$0x2] =	stream.indirect.gather [spmem:s3], $0x20, s20, s7, $0xb8;
	[tilespmem:$0x1E820] =	vst v63  }
0xd8: {  	_ = 	snop  }
0xd9: {  	[spmem:s2] =	stream.indirect.scatter.add.f32 [tilespmem:s10], [sflag:$0x3], $0x20, s21, s7, $0xb8;
	[tilespmem:$0x1E820] =	vst v63  }
0xda: {  	_ =	swait.ge [sflag:s11], $0x7D00  }
0xdb: {  	[sflag:s11] =	ssyncset.done $0x0  }
0xdc: {  	[sflag:s11] =	ssyncadd.s32 $0xFFFF8300  }
0xdd: {  	_ =	swait.ge [sflag:s12], $0x7D00  }
0xde: {  	[sflag:s12] =	ssyncset.done $0x0  }
0xdf: {  	[sflag:s12] =	ssyncadd.s32 $0xFFFF8300  }
0xe0: {  	[tilespmem:s10], [sflag:$0x1] =	stream.indirect.gather [spmem:s3], $0x20, s17, s7, $0xb8;
	[tilespmem:$0x1E820] =	vst v63  }
0xe1: {  	_ = 	snop  }
0xe2: {  	[spmem:s2] =	stream.indirect.scatter.add.f32 [tilespmem:s8], [sflag:$0x4], $0x20, s18, s7, $0xb8;
	[tilespmem:$0x1E820] =	vst v63  }
0xe3: {  	_ =	swait.ge [sflag:s13], $0x7D00  }
0xe4: {  	[sflag:s13] =	ssyncset.done $0x0  }
0xe5: {  	[sflag:s13] =	ssyncadd.s32 $0xFFFF8300  }
0xe6: {  	_ =	swait.ge [sflag:s9], $0x7D00  }
0xe7: {  	[sflag:s9] =	ssyncset.done $0x0  }
0xe8: {  	[sflag:s9] =	ssyncadd.s32 $0xFFFF8300  }
0xe9: {  	[tilespmem:s8], [sflag:$0x2] =	stream.indirect.gather [spmem:s3], $0x20, s15, s7, $0xb8;
	[tilespmem:$0x1E820] =	vst v63  }
0xea: {  	_ = 	snop  }
0xeb: {  	[spmem:s2] =	stream.indirect.scatter.add.f32 [tilespmem:s10], [sflag:$0x3], $0x20, s16, s7, $0xb8;
	[tilespmem:$0x1E820] =	vst v63  }
0xec: {  	_ =	swait.ge [sflag:s11], $0x7D00  }
0xed: {  	[sflag:s11] =	ssyncset.done $0x0  }
0xee: {  	[sflag:s11] =	ssyncadd.s32 $0xFFFF8300  }
0xef: {  	_ =	swait.ge [sflag:s12], $0x7D00  }
0xf0: {  	[sflag:s12] =	ssyncset.done $0x0  }
0xf1: {  	s14 =	simm.s32 $0x4A38;
	[sflag:s12] =	ssyncadd.s32 $0xFFFF8300  }
0xf2: {  	[spmem:s2] =	stream.indirect.scatter.add.f32 [tilespmem:s8], [sflag:$0x4], $0x20, s14, s7, $0xb8;
	[tilespmem:$0x1E820] =	vst v63  }
0xf3: {  	_ =	swait.ge [sflag:s9], $0x7D00  }
0xf4: {  	p1 =	sne.s32 s0, $0x1;
	[sflag:s9] =	ssyncset.done $0x0  }
.Ltmp2:
0xf5: {  	[sflag:s9] =	ssyncadd.s32 $0xFFFF8300;
	(pc) =	sbr.rel @p1 .LBB2_3-.Ltmp2, $4  }
0xf6: {  	[bflag:$0x0] =	sbarrier.arrive $0xFFFF  }
0xf7: {  	s14 =	rddreg [dreg:$0x8]  }
0xf8: {  	[hbm:s14], [sflag:s4] =	dma.local [spmem:s6], $0xA00  }
0xf9: {  	s0 =	sadd.s32 $0xFFFFFFFF, s0;
	_ =	swait.ge [sflag:s5], $0xA00  }
0xfa: {  	s14 =	rddreg [dreg:$0x3]  }
.LBB2_5:
0xfb: {  	[sflag:s5] =	ssyncset.done @p0 $0x0  }
0xfc: {  	s0 =	rddreg [dreg:$0x4];
	[sflag:s5] =	ssyncadd.s32 @p0 $0xFFFFF600  }
0xfd: {  	[spmem:s6], [sflag:s4] =	dma.local [hbm:s0], $0xA00  }
0xfe: {  	_ =	swait.ge [sflag:s5], $0xA00  }
0xff: {  	s0 =	rddreg [dreg:$0x5];
	[sflag:s5] =	ssyncset.done $0x0  }
0x100: {  	s1 =	rddreg [dreg:$0x9];
	[sflag:s5] =	ssyncadd.s32 $0xFFFFF600  }
0x101: {  	[spmem:s1], [sflag:s4] =	dma.local [hbm:s0], $0xA00  }
0x102: {  	_ =	swait.ge [sflag:s5], $0xA00  }
0x103: {  	[sflag:s5] =	ssyncset.done $0x0  }
0x104: {  	s1 =	rddreg [dreg:$0x6];
	[sflag:s5] =	ssyncadd.s32 $0xFFFFF600  }
0x105: {  	[tilespmem:s19], [sflag:$0x5] =	stream.linear.gather [hbm4b:s1+s19], $0x2710, $0x38;
	[tilespmem:$0x1E820] =	vst v63  }
0x106: {  	_ =	swait.ge [sflag:s5], $0x2710  }
0x107: {  	[sflag:s5] =	ssyncset.done $0x0  }
0x108: {  	s1 =	rddreg [dreg:$0x7];
	[sflag:s5] =	ssyncadd.s32 $0xFFFFD8F0  }
0x109: {  	[tilespmem:s31], [sflag:$0x5] =	stream.linear.gather [hbm4b:s1+s19], $0x2710, $0x38;
	[tilespmem:$0x1E820] =	vst v63  }
0x10a: {  	_ =	swait.ge [sflag:s5], $0x2710  }
0x10b: {  	[sflag:s5] =	ssyncset.done $0x0  }
0x10c: {  	[sflag:s5] =	ssyncadd.s32 $0xFFFFD8F0  }
0x10d: {  	[bflag:$0x0] =	sbarrier.arrive $0xFFFF  }
0x10e: {  	[tilespmem:s10], [sflag:$0x1] =	stream.indirect.gather [spmem:s3], $0x20, s19, s7, $0xb8;
	[tilespmem:$0x1E820] =	vst v63  }
0x10f: {  	_ =	swait.ge [sflag:s13], $0x7D00  }
0x110: {  	[sflag:s13] =	ssyncset.done $0x0  }
0x111: {  	[sflag:s13] =	ssyncadd.s32 $0xFFFF8300  }
0x112: {  	[tilespmem:s8], [sflag:$0x2] =	stream.indirect.gather [spmem:s3], $0x20, s7, s7, $0xb8;
	[tilespmem:$0x1E820] =	vst v63  }
0x113: {  	_ = 	snop  }
0x114: {  	[spmem:s2] =	stream.indirect.scatter.add.f32 [tilespmem:s10], [sflag:$0x3], $0x20, s31, s7, $0xb8;
	[tilespmem:$0x1E820] =	vst v63  }
0x115: {  	_ =	swait.ge [sflag:s11], $0x7D00  }
0x116: {  	[sflag:s11] =	ssyncset.done $0x0  }
0x117: {  	[sflag:s11] =	ssyncadd.s32 $0xFFFF8300  }
0x118: {  	_ =	swait.ge [sflag:s12], $0x7D00  }
0x119: {  	[sflag:s12] =	ssyncset.done $0x0  }
0x11a: {  	s1 =	rddreg [dreg:$0xa];
	[sflag:s12] =	ssyncadd.s32 $0xFFFF8300  }
0x11b: {  	[tilespmem:s10], [sflag:$0x1] =	stream.indirect.gather [spmem:s3], $0x20, s1, s7, $0xb8;
	[tilespmem:$0x1E820] =	vst v63  }
0x11c: {  	s19 =	rddreg [dreg:$0xb]  }
0x11d: {  	[spmem:s2] =	stream.indirect.scatter.add.f32 [tilespmem:s8], [sflag:$0x4], $0x20, s19, s7, $0xb8;
	[tilespmem:$0x1E820] =	vst v63  }
0x11e: {  	_ =	swait.ge [sflag:s13], $0x7D00  }
0x11f: {  	[sflag:s13] =	ssyncset.done $0x0  }
0x120: {  	[sflag:s13] =	ssyncadd.s32 $0xFFFF8300  }
0x121: {  	_ =	swait.ge [sflag:s9], $0x7D00  }
0x122: {  	[sflag:s9] =	ssyncset.done $0x0  }
0x123: {  	[sflag:s9] =	ssyncadd.s32 $0xFFFF8300  }
0x124: {  	[tilespmem:s8], [sflag:$0x2] =	stream.indirect.gather [spmem:s3], $0x20, s29, s7, $0xb8;
	[tilespmem:$0x1E820] =	vst v63  }
0x125: {  	_ = 	snop  }
0x126: {  	[spmem:s2] =	stream.indirect.scatter.add.f32 [tilespmem:s10], [sflag:$0x3], $0x20, s30, s7, $0xb8;
	[tilespmem:$0x1E820] =	vst v63  }
0x127: {  	_ =	swait.ge [sflag:s11], $0x7D00  }
0x128: {  	[sflag:s11] =	ssyncset.done $0x0  }
0x129: {  	[sflag:s11] =	ssyncadd.s32 $0xFFFF8300  }
0x12a: {  	_ =	swait.ge [sflag:s12], $0x7D00  }
0x12b: {  	[sflag:s12] =	ssyncset.done $0x0  }
0x12c: {  	[sflag:s12] =	ssyncadd.s32 $0xFFFF8300  }
0x12d: {  	[tilespmem:s10], [sflag:$0x1] =	stream.indirect.gather [spmem:s3], $0x20, s26, s7, $0xb8;
	[tilespmem:$0x1E820] =	vst v63  }
0x12e: {  	_ = 	snop  }
0x12f: {  	[spmem:s2] =	stream.indirect.scatter.add.f32 [tilespmem:s8], [sflag:$0x4], $0x20, s28, s7, $0xb8;
	[tilespmem:$0x1E820] =	vst v63  }
0x130: {  	_ =	swait.ge [sflag:s13], $0x7D00  }
0x131: {  	[sflag:s13] =	ssyncset.done $0x0  }
0x132: {  	[sflag:s13] =	ssyncadd.s32 $0xFFFF8300  }
0x133: {  	_ =	swait.ge [sflag:s9], $0x7D00  }
0x134: {  	[sflag:s9] =	ssyncset.done $0x0  }
0x135: {  	[sflag:s9] =	ssyncadd.s32 $0xFFFF8300  }
0x136: {  	[tilespmem:s8], [sflag:$0x2] =	stream.indirect.gather [spmem:s3], $0x20, s24, s7, $0xb8;
	[tilespmem:$0x1E820] =	vst v63  }
0x137: {  	_ = 	snop  }
0x138: {  	[spmem:s2] =	stream.indirect.scatter.add.f32 [tilespmem:s10], [sflag:$0x3], $0x20, s25, s7, $0xb8;
	[tilespmem:$0x1E820] =	vst v63  }
0x139: {  	_ =	swait.ge [sflag:s11], $0x7D00  }
0x13a: {  	[sflag:s11] =	ssyncset.done $0x0  }
0x13b: {  	[sflag:s11] =	ssyncadd.s32 $0xFFFF8300  }
0x13c: {  	_ =	swait.ge [sflag:s12], $0x7D00  }
0x13d: {  	[sflag:s12] =	ssyncset.done $0x0  }
0x13e: {  	[sflag:s12] =	ssyncadd.s32 $0xFFFF8300  }
0x13f: {  	[tilespmem:s10], [sflag:$0x1] =	stream.indirect.gather [spmem:s3], $0x20, s22, s7, $0xb8;
	[tilespmem:$0x1E820] =	vst v63  }
0x140: {  	_ = 	snop  }
0x141: {  	[spmem:s2] =	stream.indirect.scatter.add.f32 [tilespmem:s8], [sflag:$0x4], $0x20, s23, s7, $0xb8;
	[tilespmem:$0x1E820] =	vst v63  }
0x142: {  	_ =	swait.ge [sflag:s13], $0x7D00  }
0x143: {  	[sflag:s13] =	ssyncset.done $0x0  }
0x144: {  	[sflag:s13] =	ssyncadd.s32 $0xFFFF8300  }
0x145: {  	_ =	swait.ge [sflag:s9], $0x7D00  }
0x146: {  	[sflag:s9] =	ssyncset.done $0x0  }
0x147: {  	[sflag:s9] =	ssyncadd.s32 $0xFFFF8300  }
0x148: {  	[tilespmem:s8], [sflag:$0x2] =	stream.indirect.gather [spmem:s3], $0x20, s20, s7, $0xb8;
	[tilespmem:$0x1E820] =	vst v63  }
0x149: {  	_ = 	snop  }
0x14a: {  	[spmem:s2] =	stream.indirect.scatter.add.f32 [tilespmem:s10], [sflag:$0x3], $0x20, s21, s7, $0xb8;
	[tilespmem:$0x1E820] =	vst v63  }
0x14b: {  	_ =	swait.ge [sflag:s11], $0x7D00  }
0x14c: {  	[sflag:s11] =	ssyncset.done $0x0  }
0x14d: {  	[sflag:s11] =	ssyncadd.s32 $0xFFFF8300  }
0x14e: {  	_ =	swait.ge [sflag:s12], $0x7D00  }
0x14f: {  	[sflag:s12] =	ssyncset.done $0x0  }
0x150: {  	[sflag:s12] =	ssyncadd.s32 $0xFFFF8300  }
0x151: {  	[tilespmem:s10], [sflag:$0x1] =	stream.indirect.gather [spmem:s3], $0x20, s17, s7, $0xb8;
	[tilespmem:$0x1E820] =	vst v63  }
0x152: {  	_ = 	snop  }
0x153: {  	[spmem:s2] =	stream.indirect.scatter.add.f32 [tilespmem:s8], [sflag:$0x4], $0x20, s18, s7, $0xb8;
	[tilespmem:$0x1E820] =	vst v63  }
0x154: {  	_ =	swait.ge [sflag:s13], $0x7D00  }
0x155: {  	[sflag:s13] =	ssyncset.done $0x0  }
0x156: {  	[sflag:s13] =	ssyncadd.s32 $0xFFFF8300  }
0x157: {  	_ =	swait.ge [sflag:s9], $0x7D00  }
0x158: {  	[sflag:s9] =	ssyncset.done $0x0  }
0x159: {  	[sflag:s9] =	ssyncadd.s32 $0xFFFF8300  }
0x15a: {  	[tilespmem:s8], [sflag:$0x2] =	stream.indirect.gather [spmem:s3], $0x20, s15, s7, $0xb8;
	[tilespmem:$0x1E820] =	vst v63  }
0x15b: {  	_ = 	snop  }
0x15c: {  	[spmem:s2] =	stream.indirect.scatter.add.f32 [tilespmem:s10], [sflag:$0x3], $0x20, s16, s7, $0xb8;
	[tilespmem:$0x1E820] =	vst v63  }
0x15d: {  	_ =	swait.ge [sflag:s11], $0x7D00  }
0x15e: {  	[sflag:s11] =	ssyncset.done $0x0  }
0x15f: {  	[sflag:s11] =	ssyncadd.s32 $0xFFFF8300  }
0x160: {  	_ =	swait.ge [sflag:s12], $0x7D00  }
0x161: {  	[sflag:s12] =	ssyncset.done $0x0  }
0x162: {  	s29 =	simm.s32 $0x4A38;
	[sflag:s12] =	ssyncadd.s32 $0xFFFF8300  }
0x163: {  	[spmem:s2] =	stream.indirect.scatter.add.f32 [tilespmem:s8], [sflag:$0x4], $0x20, s29, s7, $0xb8;
	[tilespmem:$0x1E820] =	vst v63  }
0x164: {  	_ =	swait.ge [sflag:s9], $0x7D00  }
0x165: {  	[sflag:s9] =	ssyncset.done $0x0  }
0x166: {  	[sflag:s9] =	ssyncadd.s32 $0xFFFF8300  }
0x167: {  	[bflag:$0x0] =	sbarrier.arrive $0xFFFF  }
0x168: {  	s30 =	rddreg [dreg:$0x8]  }
0x169: {  	[hbm:s30], [sflag:s4] =	dma.local [spmem:s6], $0xA00  }
0x16a: {  	_ =	swait.ge [sflag:s5], $0xA00  }
0x16b: {  	[sflag:s5] =	ssyncset.done $0x0  }
0x16c: {  	[sflag:s5] =	ssyncadd.s32 $0xFFFFF600  }
0x16d: {  	_ =	sfence.sel $0x180000  }
0x16e: {  	s31 =	stileid.u32;
	[bflag:$0x0] =	sbarrier.arrive $0xFFFF  }
0x16f: {  	p0 =	sne.s32 s31, $0x0;
	_ =	strace $0x9000004A  }
0x170: {  	s0 =	sadd.s32 @!p0 $0x100000, s14;
	[bflag:$0x2] =	sbarrier.arrive $0xFFFF  }
0x171: {  	[sflag:s0] =	ssyncadd.tile.s32 @!p0 $0x1;
	_ =	shalt  }
.LBB2_2:
.Ltmp3:
0x172: {  	(pc) =	sbr.rel .LBB2_5-.Ltmp3, $2  }
0x173: {  	_ =	sdelay $0x2  }
0x174: {  	s14 =	rddreg [dreg:$0x3]  }
.Lfunc_end2:
_tile_overlayer_lowered:
.L_overlay_start_2:
0x175: {  	(tag) =	ssettag $0x2  }
0x176: {  	s0 =	rddreg [dreg:$0x0];
	s2 =	stileid.u32  }
0x177: {  	s1 =	rddreg [dreg:$0x1];
	p0 =	sne.s32 s2, $0x0  }
0x178: {  	s3 =	rddreg [dreg:$0x2];
	[bflag:$0x3] =	sbarrier.arrive $0xFFFF;
	s2 =	simm.s32 @!p0 $0x1C05  }
0x179: {  	[timem:s3], [sflag:s2] =	dma.local @!p0 [hbm:s0], s1  }
0x17a: {  	s0 =	simm.s32 @!p0 $0x5  }
0x17b: {  	_ =	swait.ge @!p0 [sflag:s0], s1  }
0x17c: {  	s1 =	ssub.s32 @!p0 $0x0, s1;
	[sflag:s0] =	ssyncset.done @!p0 $0x0  }
0x17d: {  	[sflag:s0] =	ssyncadd.s32 @!p0 s1  }
0x17e: {  	[bflag:$0x3] =	sbarrier.arrive $0xFFFF  }
0x17f: {  	_ =	shalt  }

// kernel: kernel.17.cloned.1.call-start
scs
__scs_entry_jumppad:
0x0: {  	(pc) =	sbr.rel $0x88, $3  }
0x1: {  	(tag) =	ssettag $0x0;
	lr =	simm.s32 $0x1  }
0x2: {  	[smem:$0x3F90] =	sst lr;
	_ =	strace $0xD0000000  }
0x3: {  	_ = 	snop  }
0x4: {  	_ = 	snop  }
0x5: {  	_ = 	snop  }
0x6: {  	_ = 	snop  }
0x7: {  	_ = 	snop  }
__scs_overlays_trampoline_lowered:
0x8: {  	[smem:$0x3F9F] =	sst s0  }
0x9: {  	[smem:$0x3FA0] =	sst s1  }
0xa: {  	[smem:$0x3FA1] =	sst s2  }
0xb: {  	[smem:$0x3FA2] =	sst s3  }
0xc: {  	[smem:$0x3FA3] =	sst s4  }
0xd: {  	[smem:$0x3FA4] =	sst s5  }
0xe: {  	[smem:$0x3FA5] =	sst s6  }
0xf: {  	[smem:$0x3FA6] =	sst s7  }
0x10: {  	[smem:$0x3FA7] =	sst s8  }
0x11: {  	[smem:$0x3FA8] =	sst s9;
	s0 =	simm.s32 @!p0 $0x0  }
0x12: {  	s1 =	sld [smem:$0x3F8E];
	s0 =	simm.s32 @p0 $0x1  }
0x13: {  	[smem:$0x3FA9] =	sst s0;
	s0 =	simm.s32 @!p1 $0x0  }
0x14: {  	s2 =	sld [smem:$0x3F8D];
	s0 =	simm.s32 @p1 $0x1  }
0x15: {  	[smem:$0x3FAA] =	sst s0;
	s0 =	simm.s32 @!p2 $0x0  }
0x16: {  	s3 =	sld [smem:$0x3FDB];
	s0 =	simm.s32 @p2 $0x1  }
0x17: {  	s4 =	simm.s32 $0x1BF5;
	[smem:$0x3FAC] =	sst s0  }
0x18: {  	s0 =	sld [smem:$0x3F8F];
	_ =	swait.ge [sflag:s4], $0x0  }
0x19: {  	s7 =	sld [smem:$0x3F90]  }
0x1a: {  	s8 =	sadd.s32 $0xFFFFE003, lr  }
0x1b: {  	s9 =	sadd.s32 $0xFFFFFEF7, lr;
	s5 =	simm.s32 $0xFFFFFFFF;
	p2 =	slt.u32 s8, $0xFFFFF086  }
0x1c: {  	p1 =	slt.u32 s9, $0xF7A;
	s5 =	simm.s32 @!p2 $0x0  }
0x1d: {  	s5 =	simm.s32 @p1 $0x1;
	p0 =	seq.s32 s7, s2  }
0x1e: {  	s7 =	smul.u32 @!p0 $0xF7A, s2;
	p2 =	seq.s32 @!p0 s5, $0x0  }
0x1f: {  	s9 =	smul.u32 $0xF7A, s1;
	s8 =	simm.s32 @!p0 $0x1BF5;
	p2 =	por !p2, p0  }
0x20: {  	[sflag:s8] =	ssyncset.s32 @!p0 $0xFFFFF086;
	s6 =	sadd.s32 @!p0 s3, s7;
	s7 =	simm.s32 @!p0 $0x108  }
0x21: {  	s3 =	sadd.s32 s3, s9;
	s6 =	sadd.s32 @!p0 $0x88, s6;
	s7 =	simm.s32 @p2 $0x1082  }
0x22: {  	[simem:s7], [sflag:s8] =	dma.local @!p0 [hbm:s6], $0xF7A  }
0x23: {  	s9 =	sor.u32 $0xD0000000, s2;
	s6 =	simm.s32 $0x108;
	_ =	swait.ge @!p0 [sflag:s8], $0x0  }
0x24: {  	s3 =	sadd.s32 $0x88, s3;
	s6 =	simm.s32 @!p1 $0x1082;
	[sflag:s4] =	ssyncset.s32 $0xFFFFF086  }
0x25: {  	[simem:s6], [sflag:s4] =	dma.local [hbm:s3], $0xF7A  }
0x26: {  	[smem:$0x3F90] =	sst s1;
	(tag) =	ssettag s2;
	_ =	strace s9  }
0x27: {  	s1 =	sld [smem:$0x3FA0]  }
0x28: {  	s2 =	sld [smem:$0x3FA1]  }
0x29: {  	s4 =	sld [smem:$0x3FA3]  }
0x2a: {  	p0 =	seq.s32 s5, $0x0;
	s5 =	sld [smem:$0x3FA4]  }
0x2b: {  	s6 =	sld [smem:$0x3FA5]  }
0x2c: {  	s7 =	sld [smem:$0x3FA6]  }
0x2d: {  	s3 =	simm.s32 $0x108;
	s8 =	sld [smem:$0x3FA7]  }
0x2e: {  	s3 =	simm.s32 @!p0 $0x1082;
	s9 =	sld [smem:$0x3FA8]  }
0x2f: {  	lr =	sadd.s32 s0, s3;
	s0 =	sld [smem:$0x3F9F]  }
0x30: {  	s3 =	sld [smem:$0x3FA2]  }
0x31: {  	[smem:$0x3FAB] =	sst s10  }
0x32: {  	s10 =	sld [smem:$0x3FA9];
	_ =	sdelay $0x3  }
0x33: {  	p0 =	seq.s32 s10, $0x1;
	s10 =	sld [smem:$0x3FAB];
	_ =	sdelay $0x3  }
0x34: {  	[smem:$0x3FAB] =	sst s10  }
0x35: {  	s10 =	sld [smem:$0x3FAA];
	_ =	sdelay $0x3  }
0x36: {  	p1 =	seq.s32 s10, $0x1;
	s10 =	sld [smem:$0x3FAB];
	_ =	sdelay $0x3  }
0x37: {  	[smem:$0x3FAB] =	sst s10  }
0x38: {  	s10 =	sld [smem:$0x3FAC]  }
0x39: {  	_ = 	snop;
	(pc) =	sbr.ind lr, $3  }
0x3a: {  	_ = 	snop  }
0x3b: {  	_ = 	snop  }
0x3c: {  	p2 =	seq.s32 s10, $0x1;
	s10 =	sld [smem:$0x3FAB]  }
0x3d: {  	_ =	shalt  }
0x3e: {  	_ =	shalt  }
0x3f: {  	_ =	shalt  }
0x40: {  	_ =	shalt  }
0x41: {  	_ =	shalt  }
0x42: {  	_ =	shalt  }
0x43: {  	_ =	shalt  }
0x44: {  	_ =	shalt  }
0x45: {  	_ =	shalt  }
0x46: {  	_ =	shalt  }
0x47: {  	_ =	shalt  }
0x48: {  	_ =	shalt  }
0x49: {  	_ =	shalt  }
0x4a: {  	_ =	shalt  }
0x4b: {  	_ =	shalt  }
0x4c: {  	_ =	shalt  }
0x4d: {  	_ =	shalt  }
0x4e: {  	_ =	shalt  }
0x4f: {  	_ =	shalt  }
0x50: {  	_ =	shalt  }
0x51: {  	_ =	shalt  }
0x52: {  	_ =	shalt  }
0x53: {  	_ =	shalt  }
0x54: {  	_ =	shalt  }
0x55: {  	_ =	shalt  }
0x56: {  	_ =	shalt  }
0x57: {  	_ =	shalt  }
0x58: {  	_ =	shalt  }
0x59: {  	_ =	shalt  }
0x5a: {  	_ =	shalt  }
0x5b: {  	_ =	shalt  }
0x5c: {  	_ =	shalt  }
0x5d: {  	_ =	shalt  }
0x5e: {  	_ =	shalt  }
0x5f: {  	_ =	shalt  }
0x60: {  	_ =	shalt  }
0x61: {  	_ =	shalt  }
0x62: {  	_ =	shalt  }
0x63: {  	_ =	shalt  }
0x64: {  	_ =	shalt  }
0x65: {  	_ =	shalt  }
0x66: {  	_ =	shalt  }
0x67: {  	_ =	shalt  }
0x68: {  	_ =	shalt  }
0x69: {  	_ =	shalt  }
0x6a: {  	_ =	shalt  }
0x6b: {  	_ =	shalt  }
0x6c: {  	_ =	shalt  }
0x6d: {  	_ =	shalt  }
0x6e: {  	_ =	shalt  }
0x6f: {  	_ =	shalt  }
0x70: {  	_ =	shalt  }
0x71: {  	_ =	shalt  }
0x72: {  	_ =	shalt  }
0x73: {  	_ =	shalt  }
0x74: {  	_ =	shalt  }
0x75: {  	_ =	shalt  }
0x76: {  	_ =	shalt  }
0x77: {  	_ =	shalt  }
0x78: {  	_ =	shalt  }
0x79: {  	_ =	shalt  }
0x7a: {  	_ =	shalt  }
0x7b: {  	_ =	shalt  }
0x7c: {  	_ =	shalt  }
0x7d: {  	_ =	shalt  }
0x7e: {  	_ =	shalt  }
0x7f: {  	_ =	shalt  }
0x80: {  	_ =	shalt  }
0x81: {  	_ =	shalt  }
0x82: {  	_ =	shalt  }
0x83: {  	_ =	shalt  }
0x84: {  	_ =	shalt  }
0x85: {  	_ =	shalt  }
0x86: {  	_ =	shalt  }
0x87: {  	_ =	shalt  }
.Lfunc_end0:
.L_simem_size_0:
called_computation.2_lowered:
.L_overlay_start_0:
0x88: {  	s2 =	sld [smem:$0x3FD9]  }
0x89: {  	s3 =	sld [smem:$0x3FFE];
	_ =	sdelay $0x1  }
0x8a: {  	s1 =	srdreg.scid  }
0x8b: {  	s0 =	sand.u32 $0x1, s1  }
0x8c: {  	s16 =	sshll.u32 s0, $0xA;
	s2 =	sadd.s32 s3, s2  }
0x8d: {  	s2 =	sadd.s32 s2, s16  }
0x8e: {  	[smem:$0x3FB7] =	sst s2  }
0x8f: {  	_ = 	snop  }
0x90: {  	(tm) =	ssettm $0x1  }
0x91: {  	s17 =	sld [smem:$0x3FFB];
	_ =	sdelay $0x3  }
0x92: {  	_ =	strace s17  }
0x93: {  	s2 =	sld [smem:$0x3FFC];
	_ =	sdelay $0x3  }
0x94: {  	_ =	strace s2  }
0x95: {  	s2 =	sld [smem:$0x3FFD];
	_ =	sdelay $0x3  }
0x96: {  	_ =	strace s2  }
0x97: {  	_ =	strace $0x8FFFFFFF  }
0x98: {  	s18 =	sld [smem:$0x3FDB];
	_ =	sdelay $0x1  }
0x99: {  	s19 =	simm.s32 $_scs_section_size  }
0x9a: {  	s4 =	simm.s32 $_size__tile_overlayer_lowered;
	s5 =	simm.s32 $_tile_overlayer_lowered  }
0x9b: {  	s22 =	simm.s32 $0x1BFF;
	s21 =	sshll.u32 s5, $0x1;
	s2 =	sadd.s32 s19, s18  }
0x9c: {  	s6 =	simm.s32 $0x0;
	s20 =	sshll.u32 s4, $0x1;
	s4 =	sadd.s32 s21, s2  }
0x9d: {  	[timem:s6], [sflag:s22] =	dma.local [hbm:s4], s20  }
0x9e: {  	_ =	swait.ge [sflag:s22], s20  }
0x9f: {  	s3 =	ssub.s32 $0x0, s20;
	[sflag:s22] =	ssyncset.done $0x0  }
0xa0: {  	[sflag:s22] =	ssyncadd.s32 s3;
	_ =	sdelay $0x1  }
0xa1: {  	s23 =	simm.s32 $0x1B8B  }
0xa2: {  	_ =	swait.ge [sflag:s23], $0x1  }
0xa3: {  	[sflag:s23] =	ssyncset.done $0x0  }
0xa4: {  	s25 =	simm.s32 $0x1B8E;
	s24 =	sld [smem:$0x3FFE];
	[sflag:s23] =	ssyncadd.s32 $0xFFFFFFFF  }
0xa5: {  	s26 =	simm.s32 $execute0_lowered;
	[smem:$0x3FD2] =	sst s25  }
0xa6: {  	s4 =	sshll.u32 s26, $0x1;
	_ =	strace $0x8000004C;
	[dreg:$0x1] =	wrdreg $0xFFFFFFFF  }
0xa7: {  	s28 =	simm.s32 $_size_execute0_lowered;
	s2 =	sadd.s32 s2, s4;
	[dreg:$0x0] =	wrdreg $0x0  }
0xa8: {  	s4 =	sshll.u32 s28, $0x1;
	[dreg:$0x2] =	wrdreg s2  }
0xa9: {  	[dreg:$0x3] =	wrdreg s4  }
0xaa: {  	[dreg:$0x4] =	wrdreg $0xC0  }
0xab: {  	_ =	task [dreg:s6], $0x5FFFF  }
0xac: {  	[dreg:$0x1] =	wrdreg $0xFFFFFFFF  }
0xad: {  	[dreg:$0x0] =	wrdreg $0x60  }
0xae: {  	[dreg:$0x2] =	wrdreg s24  }
0xaf: {  	[dreg:$0x3] =	wrdreg $0x148200  }
0xb0: {  	[dreg:$0x4] =	wrdreg $0x198200  }
0xb1: {  	[dreg:$0x5] =	wrdreg $0x9  }
0xb2: {  	_ =	task.clear_ibuf [dreg:s6], $0x6FFFF;
	_ =	strace $0x9000004C  }
0xb3: {  	s29 =	simm.s32 $0x9;
	_ =	strace $0x8000004E  }
0xb4: {  	_ =	swait.ge [sflag:s29], $0x1  }
0xb5: {  	[sflag:s29] =	ssyncadd.s32 $0xFFFFFFFF  }
0xb6: {  	_ =	strace $0x9000004E  }
0xb7: {  	_ =	sfence  }
0xb8: {  	s30 =	sld [smem:$0x0];
	_ =	sdelay $0x2  }
0xb9: {  	s31 =	sshll.u32 s1, $0xD;
	s1 =	sshrl.u32 s1, $0x2  }
0xba: {  	s3 =	sand.u32 $0x4000, s31;
	s1 =	sadd.s32 s1, s30  }
0xbb: {  	s0 =	sor.u32 s3, s0;
	s1 =	sshll.u32 s1, $0x11  }
0xbc: {  	s0 =	sor.u32 s1, s0  }
0xbd: {  	s0 =	sadd.s32 $0x8F2B, s0  }
0xbe: {  	[sflag:s0] =	ssyncadd.remote.s32 $0x1  }
0xbf: {  	_ =	sfence.sel $0xFFFF  }
0xc0: {  	[dreg:$0x0] =	wrdreg $0xFFFFFFFF;
	(pc) =	sbr.abs _section_cstart, $3  }
0xc1: {  	[dreg:$0x1] =	wrdreg $0xFFFFFFFF  }
0xc2: {  	_ =	task.clear_ibuf [dreg:s6], $0x2FFFF;
	_ =	strace $0x9FFFFFFF  }
0xc3: {  	(tm) =	ssettm $0x7FFFFFFF  }
tec
execute0_lowered:
.L_overlay_start_1:
0x0: {  	(tag) =	ssettag $0x1  }
0x1: {  	s0 =	rddreg [dreg:$0x0]  }
0x2: {  	s2 =	rddreg [dreg:$0x1]  }
0x3: {  	s3 =	rddreg [dreg:$0x2];
	s4 =	srdreg.scid  }
0x4: {  	s14 =	rddreg [dreg:$0x3];
	s1 =	stileid.u32;
	s19 =	simm.s32 $0x0  }
0x5: {  	s31 =	simm.s32 $0x2710;
	s13 =	simm.s32 $0x1;
	s25 =	simm.s32 $0x7D0  }
0x6: {  	s11 =	simm.s32 $0x2;
	s26 =	simm.s32 $0x2AF8;
	s12 =	simm.s32 $0x3  }
0x7: {  	s29 =	simm.s32 $0xBB8;
	s30 =	simm.s32 $0x2EE0;
	s28 =	simm.s32 $0x32C8  }
0x8: {  	s22 =	simm.s32 $0x1770;
	s23 =	simm.s32 $0x3A98;
	p0 =	por $0x0, $0x0  }
0x9: {  	s4 =	sand.u32 $0x1, s4;
	s5 =	smul.u32 $0x5000, s1;
	[smem:$0x7FF] =	sst s19  }
0xa: {  	s20 =	sshll.u32 s1, $0x6;
	s6 =	sshll.u32 s4, $0x4;
	s7 =	smul.u32 $0x50000, s4  }
0xb: {  	_ =	strace $0x8000004D;
	s4 =	ssub.s32 $0x2, s4;
	[dreg:$0xa] =	wrdreg s25  }
0xc: {  	[dreg:$0xb] =	wrdreg s26;
	s26 =	simm.s32 $0xFA0;
	s25 =	simm.s32 $0x36B0  }
0xd: {  	s6 =	sor.u32 s1, s6;
	s8 =	sshrl.u32 s5, $0x3;
	s9 =	sshrl.u32 s4, $0x1  }
0xe: {  	s17 =	sadd.s32 s5, s2;
	s6 =	smul.u32 $0x4E2, s6;
	s8 =	sadd.s32 s8, s0  }
0xf: {  	s7 =	sadd.s32 s5, s7;
	s15 =	ssub.s32 s4, s9;
	s4 =	sor.u32 $0x1C05, s20  }
0x10: {  	s5 =	sadd.s32 s5, s3;
	s9 =	simm.s32 $0x4;
	s20 =	simm.s32 $0x1B58  }
0x11: {  	s7 =	sshrl.u32 s7, $0x3;
	s16 =	sadd.s32 $0x71000, s8;
	s18 =	sadd.s32 $0x67000, s8  }
0x12: {  	s21 =	smax.u32 s15, $0x1;
	s24 =	sshrl.u32 s5, $0x3;
	s5 =	simm.s32 $0x5  }
0x13: {  	s8 =	simm.s32 $0xCB20;
	s15 =	simm.s32 $0x2328;
	[dreg:$0x4] =	wrdreg s16  }
0x14: {  	s6 =	sadd.s32 s6, s0;
	s0 =	sadd.s32 s7, s0;
	[dreg:$0x5] =	wrdreg s18  }
0x15: {  	[dreg:$0x9] =	wrdreg s24;
	s7 =	simm.s32 $0x3E8;
	p1 =	sne.s32 s21, $0x1  }
.Ltmp0:
0x16: {  	s24 =	simm.s32 $0x1388;
	s10 =	sadd.s32 $0x3400, s6;
	(pc) =	sbr.rel @!p1 .LBB2_5-.Ltmp0, $4  }
0x17: {  	s18 =	simm.s32 $0x4268;
	s6 =	sadd.s32 $0xD200, s6;
	[dreg:$0x6] =	wrdreg s10  }
0x18: {  	s16 =	simm.s32 $0x4650;
	s0 =	sadd.s32 $0xA3000, s0;
	[dreg:$0x7] =	wrdreg s6  }
0x19: {  	[dreg:$0x8] =	wrdreg s0;
	s6 =	sshrl.u32 s17, $0x3;
	s10 =	simm.s32 $0x4E20  }
0x1a: {  	s0 =	sadd.s32 $0xFFFFFFFF, s21;
	s21 =	simm.s32 $0x3E80;
	s17 =	simm.s32 $0x1F40  }
0x1b: {  	s1 =	rddreg [dreg:$0x4]  }
0x1c: {  	[spmem:s6], [sflag:s4] =	dma.local [hbm:s1], $0xA00  }
0x1d: {  	_ =	swait.ge [sflag:s5], $0xA00  }
0x1e: {  	s1 =	rddreg [dreg:$0x5];
	[sflag:s5] =	ssyncset.done $0x0  }
0x1f: {  	s14 =	smov.u32 s0;
	s0 =	rddreg [dreg:$0x9];
	[sflag:s5] =	ssyncadd.s32 $0xFFFFF600  }
0x20: {  	[spmem:s0], [sflag:s4] =	dma.local [hbm:s1], $0xA00  }
0x21: {  	_ =	swait.ge [sflag:s5], $0xA00  }
0x22: {  	[sflag:s5] =	ssyncset.done $0x0  }
0x23: {  	s1 =	rddreg [dreg:$0x6];
	[sflag:s5] =	ssyncadd.s32 $0xFFFFF600  }
0x24: {  	[tilespmem:s19], [sflag:$0x5] =	stream.linear.gather [hbm4b:s1+s19], $0x2710, $0x38;
	[tilespmem:$0x1E820] =	vst v63  }
0x25: {  	_ =	swait.ge [sflag:s5], $0x2710  }
0x26: {  	[sflag:s5] =	ssyncset.done $0x0  }
0x27: {  	s1 =	rddreg [dreg:$0x7];
	[sflag:s5] =	ssyncadd.s32 $0xFFFFD8F0  }
0x28: {  	[tilespmem:s31], [sflag:$0x5] =	stream.linear.gather [hbm4b:s1+s19], $0x2710, $0x38;
	[tilespmem:$0x1E820] =	vst v63  }
0x29: {  	_ =	swait.ge [sflag:s5], $0x2710  }
0x2a: {  	[sflag:s5] =	ssyncset.done $0x0  }
0x2b: {  	[sflag:s5] =	ssyncadd.s32 $0xFFFFD8F0  }
0x2c: {  	[bflag:$0x0] =	sbarrier.arrive $0xFFFF  }
0x2d: {  	[tilespmem:s10], [sflag:$0x1] =	stream.indirect.gather [spmem:s3], $0x20, s19, s7, $0xb8;
	[tilespmem:$0x1E820] =	vst v63  }
0x2e: {  	_ =	swait.ge [sflag:s13], $0x7D00  }
0x2f: {  	[sflag:s13] =	ssyncset.done $0x0  }
0x30: {  	[sflag:s13] =	ssyncadd.s32 $0xFFFF8300  }
0x31: {  	[tilespmem:s8], [sflag:$0x2] =	stream.indirect.gather [spmem:s3], $0x20, s7, s7, $0xb8;
	[tilespmem:$0x1E820] =	vst v63  }
0x32: {  	_ = 	snop  }
0x33: {  	[spmem:s2] =	stream.indirect.scatter.add.f32 [tilespmem:s10], [sflag:$0x3], $0x20, s31, s7, $0xb8;
	[tilespmem:$0x1E820] =	vst v63  }
0x34: {  	_ =	swait.ge [sflag:s11], $0x7D00  }
0x35: {  	[sflag:s11] =	ssyncset.done $0x0  }
0x36: {  	[sflag:s11] =	ssyncadd.s32 $0xFFFF8300  }
0x37: {  	_ =	swait.ge [sflag:s12], $0x7D00  }
0x38: {  	[sflag:s12] =	ssyncset.done $0x0  }
0x39: {  	s0 =	rddreg [dreg:$0xa];
	[sflag:s12] =	ssyncadd.s32 $0xFFFF8300  }
0x3a: {  	[tilespmem:s10], [sflag:$0x1] =	stream.indirect.gather [spmem:s3], $0x20, s0, s7, $0xb8;
	[tilespmem:$0x1E820] =	vst v63  }
0x3b: {  	s1 =	rddreg [dreg:$0xb]  }
0x3c: {  	[spmem:s2] =	stream.indirect.scatter.add.f32 [tilespmem:s8], [sflag:$0x4], $0x20, s1, s7, $0xb8;
	[tilespmem:$0x1E820] =	vst v63  }
0x3d: {  	_ =	swait.ge [sflag:s13], $0x7D00  }
0x3e: {  	[sflag:s13] =	ssyncset.done $0x0  }
0x3f: {  	[sflag:s13] =	ssyncadd.s32 $0xFFFF8300  }
0x40: {  	_ =	swait.ge [sflag:s9], $0x7D00  }
0x41: {  	[sflag:s9] =	ssyncset.done $0x0  }
0x42: {  	[sflag:s9] =	ssyncadd.s32 $0xFFFF8300  }
0x43: {  	[tilespmem:s8], [sflag:$0x2] =	stream.indirect.gather [spmem:s3], $0x20, s29, s7, $0xb8;
	[tilespmem:$0x1E820] =	vst v63  }
0x44: {  	_ = 	snop  }
0x45: {  	[spmem:s2] =	stream.indirect.scatter.add.f32 [tilespmem:s10], [sflag:$0x3], $0x20, s30, s7, $0xb8;
	[tilespmem:$0x1E820] =	vst v63  }
0x46: {  	_ =	swait.ge [sflag:s11], $0x7D00  }
0x47: {  	[sflag:s11] =	ssyncset.done $0x0  }
0x48: {  	[sflag:s11] =	ssyncadd.s32 $0xFFFF8300  }
0x49: {  	_ =	swait.ge [sflag:s12], $0x7D00  }
0x4a: {  	[sflag:s12] =	ssyncset.done $0x0  }
0x4b: {  	[sflag:s12] =	ssyncadd.s32 $0xFFFF8300  }
0x4c: {  	[tilespmem:s10], [sflag:$0x1] =	stream.indirect.gather [spmem:s3], $0x20, s26, s7, $0xb8;
	[tilespmem:$0x1E820] =	vst v63  }
0x4d: {  	_ = 	snop  }
0x4e: {  	[spmem:s2] =	stream.indirect.scatter.add.f32 [tilespmem:s8], [sflag:$0x4], $0x20, s28, s7, $0xb8;
	[tilespmem:$0x1E820] =	vst v63  }
0x4f: {  	_ =	swait.ge [sflag:s13], $0x7D00  }
0x50: {  	[sflag:s13] =	ssyncset.done $0x0  }
0x51: {  	[sflag:s13] =	ssyncadd.s32 $0xFFFF8300  }
0x52: {  	_ =	swait.ge [sflag:s9], $0x7D00  }
0x53: {  	[sflag:s9] =	ssyncset.done $0x0  }
0x54: {  	[sflag:s9] =	ssyncadd.s32 $0xFFFF8300  }
0x55: {  	[tilespmem:s8], [sflag:$0x2] =	stream.indirect.gather [spmem:s3], $0x20, s24, s7, $0xb8;
	[tilespmem:$0x1E820] =	vst v63  }
0x56: {  	_ = 	snop  }
0x57: {  	[spmem:s2] =	stream.indirect.scatter.add.f32 [tilespmem:s10], [sflag:$0x3], $0x20, s25, s7, $0xb8;
	[tilespmem:$0x1E820] =	vst v63  }
0x58: {  	_ =	swait.ge [sflag:s11], $0x7D00  }
0x59: {  	[sflag:s11] =	ssyncset.done $0x0  }
0x5a: {  	[sflag:s11] =	ssyncadd.s32 $0xFFFF8300  }
0x5b: {  	_ =	swait.ge [sflag:s12], $0x7D00  }
0x5c: {  	[sflag:s12] =	ssyncset.done $0x0  }
0x5d: {  	[sflag:s12] =	ssyncadd.s32 $0xFFFF8300  }
0x5e: {  	[tilespmem:s10], [sflag:$0x1] =	stream.indirect.gather [spmem:s3], $0x20, s22, s7, $0xb8;
	[tilespmem:$0x1E820] =	vst v63  }
0x5f: {  	_ = 	snop  }
0x60: {  	[spmem:s2] =	stream.indirect.scatter.add.f32 [tilespmem:s8], [sflag:$0x4], $0x20, s23, s7, $0xb8;
	[tilespmem:$0x1E820] =	vst v63  }
0x61: {  	_ =	swait.ge [sflag:s13], $0x7D00  }
0x62: {  	[sflag:s13] =	ssyncset.done $0x0  }
0x63: {  	[sflag:s13] =	ssyncadd.s32 $0xFFFF8300  }
0x64: {  	_ =	swait.ge [sflag:s9], $0x7D00  }
0x65: {  	[sflag:s9] =	ssyncset.done $0x0  }
0x66: {  	[sflag:s9] =	ssyncadd.s32 $0xFFFF8300  }
0x67: {  	[tilespmem:s8], [sflag:$0x2] =	stream.indirect.gather [spmem:s3], $0x20, s20, s7, $0xb8;
	[tilespmem:$0x1E820] =	vst v63  }
0x68: {  	_ = 	snop  }
0x69: {  	[spmem:s2] =	stream.indirect.scatter.add.f32 [tilespmem:s10], [sflag:$0x3], $0x20, s21, s7, $0xb8;
	[tilespmem:$0x1E820] =	vst v63  }
0x6a: {  	_ =	swait.ge [sflag:s11], $0x7D00  }
0x6b: {  	[sflag:s11] =	ssyncset.done $0x0  }
0x6c: {  	[sflag:s11] =	ssyncadd.s32 $0xFFFF8300  }
0x6d: {  	_ =	swait.ge [sflag:s12], $0x7D00  }
0x6e: {  	[sflag:s12] =	ssyncset.done $0x0  }
0x6f: {  	[sflag:s12] =	ssyncadd.s32 $0xFFFF8300  }
0x70: {  	[tilespmem:s10], [sflag:$0x1] =	stream.indirect.gather [spmem:s3], $0x20, s17, s7, $0xb8;
	[tilespmem:$0x1E820] =	vst v63  }
0x71: {  	_ = 	snop  }
0x72: {  	[spmem:s2] =	stream.indirect.scatter.add.f32 [tilespmem:s8], [sflag:$0x4], $0x20, s18, s7, $0xb8;
	[tilespmem:$0x1E820] =	vst v63  }
0x73: {  	_ =	swait.ge [sflag:s13], $0x7D00  }
0x74: {  	[sflag:s13] =	ssyncset.done $0x0  }
0x75: {  	[sflag:s13] =	ssyncadd.s32 $0xFFFF8300  }
0x76: {  	_ =	swait.ge [sflag:s9], $0x7D00  }
0x77: {  	[sflag:s9] =	ssyncset.done $0x0  }
0x78: {  	[sflag:s9] =	ssyncadd.s32 $0xFFFF8300  }
0x79: {  	[tilespmem:s8], [sflag:$0x2] =	stream.indirect.gather [spmem:s3], $0x20, s15, s7, $0xb8;
	[tilespmem:$0x1E820] =	vst v63  }
0x7a: {  	_ = 	snop  }
0x7b: {  	[spmem:s2] =	stream.indirect.scatter.add.f32 [tilespmem:s10], [sflag:$0x3], $0x20, s16, s7, $0xb8;
	[tilespmem:$0x1E820] =	vst v63  }
0x7c: {  	_ =	swait.ge [sflag:s11], $0x7D00  }
0x7d: {  	[sflag:s11] =	ssyncset.done $0x0  }
0x7e: {  	[sflag:s11] =	ssyncadd.s32 $0xFFFF8300  }
0x7f: {  	_ =	swait.ge [sflag:s12], $0x7D00  }
0x80: {  	[sflag:s12] =	ssyncset.done $0x0  }
0x81: {  	s1 =	simm.s32 $0x4A38;
	[sflag:s12] =	ssyncadd.s32 $0xFFFF8300  }
0x82: {  	[spmem:s2] =	stream.indirect.scatter.add.f32 [tilespmem:s8], [sflag:$0x4], $0x20, s1, s7, $0xb8;
	[tilespmem:$0x1E820] =	vst v63  }
0x83: {  	_ =	swait.ge [sflag:s9], $0x7D00  }
0x84: {  	p1 =	sne.s32 s14, $0x1;
	[sflag:s9] =	ssyncset.done $0x0  }
.Ltmp1:
0x85: {  	[sflag:s9] =	ssyncadd.s32 $0xFFFF8300;
	(pc) =	sbr.rel @!p1 .LBB2_2-.Ltmp1, $4  }
0x86: {  	[bflag:$0x0] =	sbarrier.arrive $0xFFFF  }
0x87: {  	s1 =	rddreg [dreg:$0x8]  }
0x88: {  	[hbm:s1], [sflag:s4] =	dma.local [spmem:s6], $0xA00  }
0x89: {  	p0 =	por $0x1, $0x1;
	s0 =	sadd.s32 $0xFFFFFFFF, s14;
	_ =	swait.ge [sflag:s5], $0xA00  }
.LBB2_3:
0x8a: {  	[sflag:s5] =	ssyncset.done $0x0  }
0x8b: {  	s1 =	rddreg [dreg:$0x4];
	[sflag:s5] =	ssyncadd.s32 $0xFFFFF600  }
0x8c: {  	[spmem:s6], [sflag:s4] =	dma.local [hbm:s1], $0xA00  }
0x8d: {  	_ =	swait.ge [sflag:s5], $0xA00  }
0x8e: {  	[sflag:s5] =	ssyncset.done $0x0;
	s1 =	rddreg [dreg:$0x5]  }
0x8f: {  	s14 =	rddreg [dreg:$0x9];
	[sflag:s5] =	ssyncadd.s32 $0xFFFFF600  }
0x90: {  	[spmem:s14], [sflag:s4] =	dma.local [hbm:s1], $0xA00  }
0x91: {  	_ =	swait.ge [sflag:s5], $0xA00  }
0x92: {  	[sflag:s5] =	ssyncset.done $0x0  }
0x93: {  	s14 =	rddreg [dreg:$0x6];
	[sflag:s5] =	ssyncadd.s32 $0xFFFFF600  }
0x94: {  	[tilespmem:s19], [sflag:$0x5] =	stream.linear.gather [hbm4b:s14+s19], $0x2710, $0x38;
	[tilespmem:$0x1E820] =	vst v63  }
0x95: {  	_ =	swait.ge [sflag:s5], $0x2710  }
0x96: {  	[sflag:s5] =	ssyncset.done $0x0  }
0x97: {  	s14 =	rddreg [dreg:$0x7];
	[sflag:s5] =	ssyncadd.s32 $0xFFFFD8F0  }
0x98: {  	[tilespmem:s31], [sflag:$0x5] =	stream.linear.gather [hbm4b:s14+s19], $0x2710, $0x38;
	[tilespmem:$0x1E820] =	vst v63  }
0x99: {  	_ =	swait.ge [sflag:s5], $0x2710  }
0x9a: {  	[sflag:s5] =	ssyncset.done $0x0  }
0x9b: {  	[sflag:s5] =	ssyncadd.s32 $0xFFFFD8F0  }
0x9c: {  	[bflag:$0x0] =	sbarrier.arrive $0xFFFF  }
0x9d: {  	[tilespmem:s10], [sflag:$0x1] =	stream.indirect.gather [spmem:s3], $0x20, s19, s7, $0xb8;
	[tilespmem:$0x1E820] =	vst v63  }
0x9e: {  	_ =	swait.ge [sflag:s13], $0x7D00  }
0x9f: {  	[sflag:s13] =	ssyncset.done $0x0  }
0xa0: {  	[sflag:s13] =	ssyncadd.s32 $0xFFFF8300  }
0xa1: {  	[tilespmem:s8], [sflag:$0x2] =	stream.indirect.gather [spmem:s3], $0x20, s7, s7, $0xb8;
	[tilespmem:$0x1E820] =	vst v63  }
0xa2: {  	_ = 	snop  }
0xa3: {  	[spmem:s2] =	stream.indirect.scatter.add.f32 [tilespmem:s10], [sflag:$0x3], $0x20, s31, s7, $0xb8;
	[tilespmem:$0x1E820] =	vst v63  }
0xa4: {  	_ =	swait.ge [sflag:s11], $0x7D00  }
0xa5: {  	[sflag:s11] =	ssyncset.done $0x0  }
0xa6: {  	[sflag:s11] =	ssyncadd.s32 $0xFFFF8300  }
0xa7: {  	_ =	swait.ge [sflag:s12], $0x7D00  }
0xa8: {  	[sflag:s12] =	ssyncset.done $0x0  }
0xa9: {  	s1 =	rddreg [dreg:$0xa];
	[sflag:s12] =	ssyncadd.s32 $0xFFFF8300  }
0xaa: {  	[tilespmem:s10], [sflag:$0x1] =	stream.indirect.gather [spmem:s3], $0x20, s1, s7, $0xb8;
	[tilespmem:$0x1E820] =	vst v63  }
0xab: {  	s14 =	rddreg [dreg:$0xb]  }
0xac: {  	[spmem:s2] =	stream.indirect.scatter.add.f32 [tilespmem:s8], [sflag:$0x4], $0x20, s14, s7, $0xb8;
	[tilespmem:$0x1E820] =	vst v63  }
0xad: {  	_ =	swait.ge [sflag:s13], $0x7D00  }
0xae: {  	[sflag:s13] =	ssyncset.done $0x0  }
0xaf: {  	[sflag:s13] =	ssyncadd.s32 $0xFFFF8300  }
0xb0: {  	_ =	swait.ge [sflag:s9], $0x7D00  }
0xb1: {  	[sflag:s9] =	ssyncset.done $0x0  }
0xb2: {  	[sflag:s9] =	ssyncadd.s32 $0xFFFF8300  }
0xb3: {  	[tilespmem:s8], [sflag:$0x2] =	stream.indirect.gather [spmem:s3], $0x20, s29, s7, $0xb8;
	[tilespmem:$0x1E820] =	vst v63  }
0xb4: {  	_ = 	snop  }
0xb5: {  	[spmem:s2] =	stream.indirect.scatter.add.f32 [tilespmem:s10], [sflag:$0x3], $0x20, s30, s7, $0xb8;
	[tilespmem:$0x1E820] =	vst v63  }
0xb6: {  	_ =	swait.ge [sflag:s11], $0x7D00  }
0xb7: {  	[sflag:s11] =	ssyncset.done $0x0  }
0xb8: {  	[sflag:s11] =	ssyncadd.s32 $0xFFFF8300  }
0xb9: {  	_ =	swait.ge [sflag:s12], $0x7D00  }
0xba: {  	[sflag:s12] =	ssyncset.done $0x0  }
0xbb: {  	[sflag:s12] =	ssyncadd.s32 $0xFFFF8300  }
0xbc: {  	[tilespmem:s10], [sflag:$0x1] =	stream.indirect.gather [spmem:s3], $0x20, s26, s7, $0xb8;
	[tilespmem:$0x1E820] =	vst v63  }
0xbd: {  	_ = 	snop  }
0xbe: {  	[spmem:s2] =	stream.indirect.scatter.add.f32 [tilespmem:s8], [sflag:$0x4], $0x20, s28, s7, $0xb8;
	[tilespmem:$0x1E820] =	vst v63  }
0xbf: {  	_ =	swait.ge [sflag:s13], $0x7D00  }
0xc0: {  	[sflag:s13] =	ssyncset.done $0x0  }
0xc1: {  	[sflag:s13] =	ssyncadd.s32 $0xFFFF8300  }
0xc2: {  	_ =	swait.ge [sflag:s9], $0x7D00  }
0xc3: {  	[sflag:s9] =	ssyncset.done $0x0  }
0xc4: {  	[sflag:s9] =	ssyncadd.s32 $0xFFFF8300  }
0xc5: {  	[tilespmem:s8], [sflag:$0x2] =	stream.indirect.gather [spmem:s3], $0x20, s24, s7, $0xb8;
	[tilespmem:$0x1E820] =	vst v63  }
0xc6: {  	_ = 	snop  }
0xc7: {  	[spmem:s2] =	stream.indirect.scatter.add.f32 [tilespmem:s10], [sflag:$0x3], $0x20, s25, s7, $0xb8;
	[tilespmem:$0x1E820] =	vst v63  }
0xc8: {  	_ =	swait.ge [sflag:s11], $0x7D00  }
0xc9: {  	[sflag:s11] =	ssyncset.done $0x0  }
0xca: {  	[sflag:s11] =	ssyncadd.s32 $0xFFFF8300  }
0xcb: {  	_ =	swait.ge [sflag:s12], $0x7D00  }
0xcc: {  	[sflag:s12] =	ssyncset.done $0x0  }
0xcd: {  	[sflag:s12] =	ssyncadd.s32 $0xFFFF8300  }
0xce: {  	[tilespmem:s10], [sflag:$0x1] =	stream.indirect.gather [spmem:s3], $0x20, s22, s7, $0xb8;
	[tilespmem:$0x1E820] =	vst v63  }
0xcf: {  	_ = 	snop  }
0xd0: {  	[spmem:s2] =	stream.indirect.scatter.add.f32 [tilespmem:s8], [sflag:$0x4], $0x20, s23, s7, $0xb8;
	[tilespmem:$0x1E820] =	vst v63  }
0xd1: {  	_ =	swait.ge [sflag:s13], $0x7D00  }
0xd2: {  	[sflag:s13] =	ssyncset.done $0x0  }
0xd3: {  	[sflag:s13] =	ssyncadd.s32 $0xFFFF8300  }
0xd4: {  	_ =	swait.ge [sflag:s9], $0x7D00  }
0xd5: {  	[sflag:s9] =	ssyncset.done $0x0  }
0xd6: {  	[sflag:s9] =	ssyncadd.s32 $0xFFFF8300  }
0xd7: {  	[tilespmem:s8], [sflag:$0x2] =	stream.indirect.gather [spmem:s3], $0x20, s20, s7, $0xb8;
	[tilespmem:$0x1E820] =	vst v63  }
0xd8: {  	_ = 	snop  }
0xd9: {  	[spmem:s2] =	stream.indirect.scatter.add.f32 [tilespmem:s10], [sflag:$0x3], $0x20, s21, s7, $0xb8;
	[tilespmem:$0x1E820] =	vst v63  }
0xda: {  	_ =	swait.ge [sflag:s11], $0x7D00  }
0xdb: {  	[sflag:s11] =	ssyncset.done $0x0  }
0xdc: {  	[sflag:s11] =	ssyncadd.s32 $0xFFFF8300  }
0xdd: {  	_ =	swait.ge [sflag:s12], $0x7D00  }
0xde: {  	[sflag:s12] =	ssyncset.done $0x0  }
0xdf: {  	[sflag:s12] =	ssyncadd.s32 $0xFFFF8300  }
0xe0: {  	[tilespmem:s10], [sflag:$0x1] =	stream.indirect.gather [spmem:s3], $0x20, s17, s7, $0xb8;
	[tilespmem:$0x1E820] =	vst v63  }
0xe1: {  	_ = 	snop  }
0xe2: {  	[spmem:s2] =	stream.indirect.scatter.add.f32 [tilespmem:s8], [sflag:$0x4], $0x20, s18, s7, $0xb8;
	[tilespmem:$0x1E820] =	vst v63  }
0xe3: {  	_ =	swait.ge [sflag:s13], $0x7D00  }
0xe4: {  	[sflag:s13] =	ssyncset.done $0x0  }
0xe5: {  	[sflag:s13] =	ssyncadd.s32 $0xFFFF8300  }
0xe6: {  	_ =	swait.ge [sflag:s9], $0x7D00  }
0xe7: {  	[sflag:s9] =	ssyncset.done $0x0  }
0xe8: {  	[sflag:s9] =	ssyncadd.s32 $0xFFFF8300  }
0xe9: {  	[tilespmem:s8], [sflag:$0x2] =	stream.indirect.gather [spmem:s3], $0x20, s15, s7, $0xb8;
	[tilespmem:$0x1E820] =	vst v63  }
0xea: {  	_ = 	snop  }
0xeb: {  	[spmem:s2] =	stream.indirect.scatter.add.f32 [tilespmem:s10], [sflag:$0x3], $0x20, s16, s7, $0xb8;
	[tilespmem:$0x1E820] =	vst v63  }
0xec: {  	_ =	swait.ge [sflag:s11], $0x7D00  }
0xed: {  	[sflag:s11] =	ssyncset.done $0x0  }
0xee: {  	[sflag:s11] =	ssyncadd.s32 $0xFFFF8300  }
0xef: {  	_ =	swait.ge [sflag:s12], $0x7D00  }
0xf0: {  	[sflag:s12] =	ssyncset.done $0x0  }
0xf1: {  	s14 =	simm.s32 $0x4A38;
	[sflag:s12] =	ssyncadd.s32 $0xFFFF8300  }
0xf2: {  	[spmem:s2] =	stream.indirect.scatter.add.f32 [tilespmem:s8], [sflag:$0x4], $0x20, s14, s7, $0xb8;
	[tilespmem:$0x1E820] =	vst v63  }
0xf3: {  	_ =	swait.ge [sflag:s9], $0x7D00  }
0xf4: {  	p1 =	sne.s32 s0, $0x1;
	[sflag:s9] =	ssyncset.done $0x0  }
.Ltmp2:
0xf5: {  	[sflag:s9] =	ssyncadd.s32 $0xFFFF8300;
	(pc) =	sbr.rel @p1 .LBB2_3-.Ltmp2, $4  }
0xf6: {  	[bflag:$0x0] =	sbarrier.arrive $0xFFFF  }
0xf7: {  	s14 =	rddreg [dreg:$0x8]  }
0xf8: {  	[hbm:s14], [sflag:s4] =	dma.local [spmem:s6], $0xA00  }
0xf9: {  	s0 =	sadd.s32 $0xFFFFFFFF, s0;
	_ =	swait.ge [sflag:s5], $0xA00  }
0xfa: {  	s14 =	rddreg [dreg:$0x3]  }
.LBB2_5:
0xfb: {  	[sflag:s5] =	ssyncset.done @p0 $0x0  }
0xfc: {  	s0 =	rddreg [dreg:$0x4];
	[sflag:s5] =	ssyncadd.s32 @p0 $0xFFFFF600  }
0xfd: {  	[spmem:s6], [sflag:s4] =	dma.local [hbm:s0], $0xA00  }
0xfe: {  	_ =	swait.ge [sflag:s5], $0xA00  }
0xff: {  	s0 =	rddreg [dreg:$0x5];
	[sflag:s5] =	ssyncset.done $0x0  }
0x100: {  	s1 =	rddreg [dreg:$0x9];
	[sflag:s5] =	ssyncadd.s32 $0xFFFFF600  }
0x101: {  	[spmem:s1], [sflag:s4] =	dma.local [hbm:s0], $0xA00  }
0x102: {  	_ =	swait.ge [sflag:s5], $0xA00  }
0x103: {  	[sflag:s5] =	ssyncset.done $0x0  }
0x104: {  	s1 =	rddreg [dreg:$0x6];
	[sflag:s5] =	ssyncadd.s32 $0xFFFFF600  }
0x105: {  	[tilespmem:s19], [sflag:$0x5] =	stream.linear.gather [hbm4b:s1+s19], $0x2710, $0x38;
	[tilespmem:$0x1E820] =	vst v63  }
0x106: {  	_ =	swait.ge [sflag:s5], $0x2710  }
0x107: {  	[sflag:s5] =	ssyncset.done $0x0  }
0x108: {  	s1 =	rddreg [dreg:$0x7];
	[sflag:s5] =	ssyncadd.s32 $0xFFFFD8F0  }
0x109: {  	[tilespmem:s31], [sflag:$0x5] =	stream.linear.gather [hbm4b:s1+s19], $0x2710, $0x38;
	[tilespmem:$0x1E820] =	vst v63  }
0x10a: {  	_ =	swait.ge [sflag:s5], $0x2710  }
0x10b: {  	[sflag:s5] =	ssyncset.done $0x0  }
0x10c: {  	[sflag:s5] =	ssyncadd.s32 $0xFFFFD8F0  }
0x10d: {  	[bflag:$0x0] =	sbarrier.arrive $0xFFFF  }
0x10e: {  	[tilespmem:s10], [sflag:$0x1] =	stream.indirect.gather [spmem:s3], $0x20, s19, s7, $0xb8;
	[tilespmem:$0x1E820] =	vst v63  }
0x10f: {  	_ =	swait.ge [sflag:s13], $0x7D00  }
0x110: {  	[sflag:s13] =	ssyncset.done $0x0  }
0x111: {  	[sflag:s13] =	ssyncadd.s32 $0xFFFF8300  }
0x112: {  	[tilespmem:s8], [sflag:$0x2] =	stream.indirect.gather [spmem:s3], $0x20, s7, s7, $0xb8;
	[tilespmem:$0x1E820] =	vst v63  }
0x113: {  	_ = 	snop  }
0x114: {  	[spmem:s2] =	stream.indirect.scatter.add.f32 [tilespmem:s10], [sflag:$0x3], $0x20, s31, s7, $0xb8;
	[tilespmem:$0x1E820] =	vst v63  }
0x115: {  	_ =	swait.ge [sflag:s11], $0x7D00  }
0x116: {  	[sflag:s11] =	ssyncset.done $0x0  }
0x117: {  	[sflag:s11] =	ssyncadd.s32 $0xFFFF8300  }
0x118: {  	_ =	swait.ge [sflag:s12], $0x7D00  }
0x119: {  	[sflag:s12] =	ssyncset.done $0x0  }
0x11a: {  	s1 =	rddreg [dreg:$0xa];
	[sflag:s12] =	ssyncadd.s32 $0xFFFF8300  }
0x11b: {  	[tilespmem:s10], [sflag:$0x1] =	stream.indirect.gather [spmem:s3], $0x20, s1, s7, $0xb8;
	[tilespmem:$0x1E820] =	vst v63  }
0x11c: {  	s19 =	rddreg [dreg:$0xb]  }
0x11d: {  	[spmem:s2] =	stream.indirect.scatter.add.f32 [tilespmem:s8], [sflag:$0x4], $0x20, s19, s7, $0xb8;
	[tilespmem:$0x1E820] =	vst v63  }
0x11e: {  	_ =	swait.ge [sflag:s13], $0x7D00  }
0x11f: {  	[sflag:s13] =	ssyncset.done $0x0  }
0x120: {  	[sflag:s13] =	ssyncadd.s32 $0xFFFF8300  }
0x121: {  	_ =	swait.ge [sflag:s9], $0x7D00  }
0x122: {  	[sflag:s9] =	ssyncset.done $0x0  }
0x123: {  	[sflag:s9] =	ssyncadd.s32 $0xFFFF8300  }
0x124: {  	[tilespmem:s8], [sflag:$0x2] =	stream.indirect.gather [spmem:s3], $0x20, s29, s7, $0xb8;
	[tilespmem:$0x1E820] =	vst v63  }
0x125: {  	_ = 	snop  }
0x126: {  	[spmem:s2] =	stream.indirect.scatter.add.f32 [tilespmem:s10], [sflag:$0x3], $0x20, s30, s7, $0xb8;
	[tilespmem:$0x1E820] =	vst v63  }
0x127: {  	_ =	swait.ge [sflag:s11], $0x7D00  }
0x128: {  	[sflag:s11] =	ssyncset.done $0x0  }
0x129: {  	[sflag:s11] =	ssyncadd.s32 $0xFFFF8300  }
0x12a: {  	_ =	swait.ge [sflag:s12], $0x7D00  }
0x12b: {  	[sflag:s12] =	ssyncset.done $0x0  }
0x12c: {  	[sflag:s12] =	ssyncadd.s32 $0xFFFF8300  }
0x12d: {  	[tilespmem:s10], [sflag:$0x1] =	stream.indirect.gather [spmem:s3], $0x20, s26, s7, $0xb8;
	[tilespmem:$0x1E820] =	vst v63  }
0x12e: {  	_ = 	snop  }
0x12f: {  	[spmem:s2] =	stream.indirect.scatter.add.f32 [tilespmem:s8], [sflag:$0x4], $0x20, s28, s7, $0xb8;
	[tilespmem:$0x1E820] =	vst v63  }
0x130: {  	_ =	swait.ge [sflag:s13], $0x7D00  }
0x131: {  	[sflag:s13] =	ssyncset.done $0x0  }
0x132: {  	[sflag:s13] =	ssyncadd.s32 $0xFFFF8300  }
0x133: {  	_ =	swait.ge [sflag:s9], $0x7D00  }
0x134: {  	[sflag:s9] =	ssyncset.done $0x0  }
0x135: {  	[sflag:s9] =	ssyncadd.s32 $0xFFFF8300  }
0x136: {  	[tilespmem:s8], [sflag:$0x2] =	stream.indirect.gather [spmem:s3], $0x20, s24, s7, $0xb8;
	[tilespmem:$0x1E820] =	vst v63  }
0x137: {  	_ = 	snop  }
0x138: {  	[spmem:s2] =	stream.indirect.scatter.add.f32 [tilespmem:s10], [sflag:$0x3], $0x20, s25, s7, $0xb8;
	[tilespmem:$0x1E820] =	vst v63  }
0x139: {  	_ =	swait.ge [sflag:s11], $0x7D00  }
0x13a: {  	[sflag:s11] =	ssyncset.done $0x0  }
0x13b: {  	[sflag:s11] =	ssyncadd.s32 $0xFFFF8300  }
0x13c: {  	_ =	swait.ge [sflag:s12], $0x7D00  }
0x13d: {  	[sflag:s12] =	ssyncset.done $0x0  }
0x13e: {  	[sflag:s12] =	ssyncadd.s32 $0xFFFF8300  }
0x13f: {  	[tilespmem:s10], [sflag:$0x1] =	stream.indirect.gather [spmem:s3], $0x20, s22, s7, $0xb8;
	[tilespmem:$0x1E820] =	vst v63  }
0x140: {  	_ = 	snop  }
0x141: {  	[spmem:s2] =	stream.indirect.scatter.add.f32 [tilespmem:s8], [sflag:$0x4], $0x20, s23, s7, $0xb8;
	[tilespmem:$0x1E820] =	vst v63  }
0x142: {  	_ =	swait.ge [sflag:s13], $0x7D00  }
0x143: {  	[sflag:s13] =	ssyncset.done $0x0  }
0x144: {  	[sflag:s13] =	ssyncadd.s32 $0xFFFF8300  }
0x145: {  	_ =	swait.ge [sflag:s9], $0x7D00  }
0x146: {  	[sflag:s9] =	ssyncset.done $0x0  }
0x147: {  	[sflag:s9] =	ssyncadd.s32 $0xFFFF8300  }
0x148: {  	[tilespmem:s8], [sflag:$0x2] =	stream.indirect.gather [spmem:s3], $0x20, s20, s7, $0xb8;
	[tilespmem:$0x1E820] =	vst v63  }
0x149: {  	_ = 	snop  }
0x14a: {  	[spmem:s2] =	stream.indirect.scatter.add.f32 [tilespmem:s10], [sflag:$0x3], $0x20, s21, s7, $0xb8;
	[tilespmem:$0x1E820] =	vst v63  }
0x14b: {  	_ =	swait.ge [sflag:s11], $0x7D00  }
0x14c: {  	[sflag:s11] =	ssyncset.done $0x0  }
0x14d: {  	[sflag:s11] =	ssyncadd.s32 $0xFFFF8300  }
0x14e: {  	_ =	swait.ge [sflag:s12], $0x7D00  }
0x14f: {  	[sflag:s12] =	ssyncset.done $0x0  }
0x150: {  	[sflag:s12] =	ssyncadd.s32 $0xFFFF8300  }
0x151: {  	[tilespmem:s10], [sflag:$0x1] =	stream.indirect.gather [spmem:s3], $0x20, s17, s7, $0xb8;
	[tilespmem:$0x1E820] =	vst v63  }
0x152: {  	_ = 	snop  }
0x153: {  	[spmem:s2] =	stream.indirect.scatter.add.f32 [tilespmem:s8], [sflag:$0x4], $0x20, s18, s7, $0xb8;
	[tilespmem:$0x1E820] =	vst v63  }
0x154: {  	_ =	swait.ge [sflag:s13], $0x7D00  }
0x155: {  	[sflag:s13] =	ssyncset.done $0x0  }
0x156: {  	[sflag:s13] =	ssyncadd.s32 $0xFFFF8300  }
0x157: {  	_ =	swait.ge [sflag:s9], $0x7D00  }
0x158: {  	[sflag:s9] =	ssyncset.done $0x0  }
0x159: {  	[sflag:s9] =	ssyncadd.s32 $0xFFFF8300  }
0x15a: {  	[tilespmem:s8], [sflag:$0x2] =	stream.indirect.gather [spmem:s3], $0x20, s15, s7, $0xb8;
	[tilespmem:$0x1E820] =	vst v63  }
0x15b: {  	_ = 	snop  }
0x15c: {  	[spmem:s2] =	stream.indirect.scatter.add.f32 [tilespmem:s10], [sflag:$0x3], $0x20, s16, s7, $0xb8;
	[tilespmem:$0x1E820] =	vst v63  }
0x15d: {  	_ =	swait.ge [sflag:s11], $0x7D00  }
0x15e: {  	[sflag:s11] =	ssyncset.done $0x0  }
0x15f: {  	[sflag:s11] =	ssyncadd.s32 $0xFFFF8300  }
0x160: {  	_ =	swait.ge [sflag:s12], $0x7D00  }
0x161: {  	[sflag:s12] =	ssyncset.done $0x0  }
0x162: {  	s29 =	simm.s32 $0x4A38;
	[sflag:s12] =	ssyncadd.s32 $0xFFFF8300  }
0x163: {  	[spmem:s2] =	stream.indirect.scatter.add.f32 [tilespmem:s8], [sflag:$0x4], $0x20, s29, s7, $0xb8;
	[tilespmem:$0x1E820] =	vst v63  }
0x164: {  	_ =	swait.ge [sflag:s9], $0x7D00  }
0x165: {  	[sflag:s9] =	ssyncset.done $0x0  }
0x166: {  	[sflag:s9] =	ssyncadd.s32 $0xFFFF8300  }
0x167: {  	[bflag:$0x0] =	sbarrier.arrive $0xFFFF  }
0x168: {  	s30 =	rddreg [dreg:$0x8]  }
0x169: {  	[hbm:s30], [sflag:s4] =	dma.local [spmem:s6], $0xA00  }
0x16a: {  	_ =	swait.ge [sflag:s5], $0xA00  }
0x16b: {  	[sflag:s5] =	ssyncset.done $0x0  }
0x16c: {  	[sflag:s5] =	ssyncadd.s32 $0xFFFFF600  }
0x16d: {  	_ =	sfence.sel $0x180000  }
0x16e: {  	s31 =	stileid.u32;
	[bflag:$0x0] =	sbarrier.arrive $0xFFFF  }
0x16f: {  	p0 =	sne.s32 s31, $0x0;
	_ =	strace $0x9000004D  }
0x170: {  	s0 =	sadd.s32 @!p0 $0x100000, s14;
	[bflag:$0x2] =	sbarrier.arrive $0xFFFF  }
0x171: {  	[sflag:s0] =	ssyncadd.tile.s32 @!p0 $0x1;
	_ =	shalt  }
.LBB2_2:
.Ltmp3:
0x172: {  	(pc) =	sbr.rel .LBB2_5-.Ltmp3, $2  }
0x173: {  	_ =	sdelay $0x2  }
0x174: {  	s14 =	rddreg [dreg:$0x3]  }
.Lfunc_end2:
_tile_overlayer_lowered:
.L_overlay_start_2:
0x175: {  	(tag) =	ssettag $0x2  }
0x176: {  	s0 =	rddreg [dreg:$0x0];
	s2 =	stileid.u32  }
0x177: {  	s1 =	rddreg [dreg:$0x1];
	p0 =	sne.s32 s2, $0x0  }
0x178: {  	s3 =	rddreg [dreg:$0x2];
	[bflag:$0x3] =	sbarrier.arrive $0xFFFF;
	s2 =	simm.s32 @!p0 $0x1C05  }
0x179: {  	[timem:s3], [sflag:s2] =	dma.local @!p0 [hbm:s0], s1  }
0x17a: {  	s0 =	simm.s32 @!p0 $0x5  }
0x17b: {  	_ =	swait.ge @!p0 [sflag:s0], s1  }
0x17c: {  	s1 =	ssub.s32 @!p0 $0x0, s1;
	[sflag:s0] =	ssyncset.done @!p0 $0x0  }
0x17d: {  	[sflag:s0] =	ssyncadd.s32 @!p0 s1  }
0x17e: {  	[bflag:$0x3] =	sbarrier.arrive $0xFFFF  }
0x17f: {  	_ =	shalt  }

// kernel: kernel.20.cloned.1.call-start
scs
__scs_entry_jumppad:
0x0: {  	(pc) =	sbr.rel $0x88, $3  }
0x1: {  	(tag) =	ssettag $0x0;
	lr =	simm.s32 $0x1  }
0x2: {  	[smem:$0x3F90] =	sst lr;
	_ =	strace $0xD0000000  }
0x3: {  	_ = 	snop  }
0x4: {  	_ = 	snop  }
0x5: {  	_ = 	snop  }
0x6: {  	_ = 	snop  }
0x7: {  	_ = 	snop  }
__scs_overlays_trampoline_lowered:
0x8: {  	[smem:$0x3F9F] =	sst s0  }
0x9: {  	[smem:$0x3FA0] =	sst s1  }
0xa: {  	[smem:$0x3FA1] =	sst s2  }
0xb: {  	[smem:$0x3FA2] =	sst s3  }
0xc: {  	[smem:$0x3FA3] =	sst s4  }
0xd: {  	[smem:$0x3FA4] =	sst s5  }
0xe: {  	[smem:$0x3FA5] =	sst s6  }
0xf: {  	[smem:$0x3FA6] =	sst s7  }
0x10: {  	[smem:$0x3FA7] =	sst s8  }
0x11: {  	[smem:$0x3FA8] =	sst s9;
	s0 =	simm.s32 @!p0 $0x0  }
0x12: {  	s1 =	sld [smem:$0x3F8E];
	s0 =	simm.s32 @p0 $0x1  }
0x13: {  	[smem:$0x3FA9] =	sst s0;
	s0 =	simm.s32 @!p1 $0x0  }
0x14: {  	s2 =	sld [smem:$0x3F8D];
	s0 =	simm.s32 @p1 $0x1  }
0x15: {  	[smem:$0x3FAA] =	sst s0;
	s0 =	simm.s32 @!p2 $0x0  }
0x16: {  	s3 =	sld [smem:$0x3FDB];
	s0 =	simm.s32 @p2 $0x1  }
0x17: {  	s4 =	simm.s32 $0x1BF5;
	[smem:$0x3FAC] =	sst s0  }
0x18: {  	s0 =	sld [smem:$0x3F8F];
	_ =	swait.ge [sflag:s4], $0x0  }
0x19: {  	s7 =	sld [smem:$0x3F90]  }
0x1a: {  	s8 =	sadd.s32 $0xFFFFE003, lr  }
0x1b: {  	s9 =	sadd.s32 $0xFFFFFEF7, lr;
	s5 =	simm.s32 $0xFFFFFFFF;
	p2 =	slt.u32 s8, $0xFFFFF086  }
0x1c: {  	p1 =	slt.u32 s9, $0xF7A;
	s5 =	simm.s32 @!p2 $0x0  }
0x1d: {  	s5 =	simm.s32 @p1 $0x1;
	p0 =	seq.s32 s7, s2  }
0x1e: {  	s7 =	smul.u32 @!p0 $0xF7A, s2;
	p2 =	seq.s32 @!p0 s5, $0x0  }
0x1f: {  	s9 =	smul.u32 $0xF7A, s1;
	s8 =	simm.s32 @!p0 $0x1BF5;
	p2 =	por !p2, p0  }
0x20: {  	[sflag:s8] =	ssyncset.s32 @!p0 $0xFFFFF086;
	s6 =	sadd.s32 @!p0 s3, s7;
	s7 =	simm.s32 @!p0 $0x108  }
0x21: {  	s3 =	sadd.s32 s3, s9;
	s6 =	sadd.s32 @!p0 $0x88, s6;
	s7 =	simm.s32 @p2 $0x1082  }
0x22: {  	[simem:s7], [sflag:s8] =	dma.local @!p0 [hbm:s6], $0xF7A  }
0x23: {  	s9 =	sor.u32 $0xD0000000, s2;
	s6 =	simm.s32 $0x108;
	_ =	swait.ge @!p0 [sflag:s8], $0x0  }
0x24: {  	s3 =	sadd.s32 $0x88, s3;
	s6 =	simm.s32 @!p1 $0x1082;
	[sflag:s4] =	ssyncset.s32 $0xFFFFF086  }
0x25: {  	[simem:s6], [sflag:s4] =	dma.local [hbm:s3], $0xF7A  }
0x26: {  	[smem:$0x3F90] =	sst s1;
	(tag) =	ssettag s2;
	_ =	strace s9  }
0x27: {  	s1 =	sld [smem:$0x3FA0]  }
0x28: {  	s2 =	sld [smem:$0x3FA1]  }
0x29: {  	s4 =	sld [smem:$0x3FA3]  }
0x2a: {  	p0 =	seq.s32 s5, $0x0;
	s5 =	sld [smem:$0x3FA4]  }
0x2b: {  	s6 =	sld [smem:$0x3FA5]  }
0x2c: {  	s7 =	sld [smem:$0x3FA6]  }
0x2d: {  	s3 =	simm.s32 $0x108;
	s8 =	sld [smem:$0x3FA7]  }
0x2e: {  	s3 =	simm.s32 @!p0 $0x1082;
	s9 =	sld [smem:$0x3FA8]  }
0x2f: {  	lr =	sadd.s32 s0, s3;
	s0 =	sld [smem:$0x3F9F]  }
0x30: {  	s3 =	sld [smem:$0x3FA2]  }
0x31: {  	[smem:$0x3FAB] =	sst s10  }
0x32: {  	s10 =	sld [smem:$0x3FA9];
	_ =	sdelay $0x3  }
0x33: {  	p0 =	seq.s32 s10, $0x1;
	s10 =	sld [smem:$0x3FAB];
	_ =	sdelay $0x3  }
0x34: {  	[smem:$0x3FAB] =	sst s10  }
0x35: {  	s10 =	sld [smem:$0x3FAA];
	_ =	sdelay $0x3  }
0x36: {  	p1 =	seq.s32 s10, $0x1;
	s10 =	sld [smem:$0x3FAB];
	_ =	sdelay $0x3  }
0x37: {  	[smem:$0x3FAB] =	sst s10  }
0x38: {  	s10 =	sld [smem:$0x3FAC]  }
0x39: {  	_ = 	snop;
	(pc) =	sbr.ind lr, $3  }
0x3a: {  	_ = 	snop  }
0x3b: {  	_ = 	snop  }
0x3c: {  	p2 =	seq.s32 s10, $0x1;
	s10 =	sld [smem:$0x3FAB]  }
0x3d: {  	_ =	shalt  }
0x3e: {  	_ =	shalt  }
0x3f: {  	_ =	shalt  }
0x40: {  	_ =	shalt  }
0x41: {  	_ =	shalt  }
0x42: {  	_ =	shalt  }
0x43: {  	_ =	shalt  }
0x44: {  	_ =	shalt  }
0x45: {  	_ =	shalt  }
0x46: {  	_ =	shalt  }
0x47: {  	_ =	shalt  }
0x48: {  	_ =	shalt  }
0x49: {  	_ =	shalt  }
0x4a: {  	_ =	shalt  }
0x4b: {  	_ =	shalt  }
0x4c: {  	_ =	shalt  }
0x4d: {  	_ =	shalt  }
0x4e: {  	_ =	shalt  }
0x4f: {  	_ =	shalt  }
0x50: {  	_ =	shalt  }
0x51: {  	_ =	shalt  }
0x52: {  	_ =	shalt  }
0x53: {  	_ =	shalt  }
0x54: {  	_ =	shalt  }
0x55: {  	_ =	shalt  }
0x56: {  	_ =	shalt  }
0x57: {  	_ =	shalt  }
0x58: {  	_ =	shalt  }
0x59: {  	_ =	shalt  }
0x5a: {  	_ =	shalt  }
0x5b: {  	_ =	shalt  }
0x5c: {  	_ =	shalt  }
0x5d: {  	_ =	shalt  }
0x5e: {  	_ =	shalt  }
0x5f: {  	_ =	shalt  }
0x60: {  	_ =	shalt  }
0x61: {  	_ =	shalt  }
0x62: {  	_ =	shalt  }
0x63: {  	_ =	shalt  }
0x64: {  	_ =	shalt  }
0x65: {  	_ =	shalt  }
0x66: {  	_ =	shalt  }
0x67: {  	_ =	shalt  }
0x68: {  	_ =	shalt  }
0x69: {  	_ =	shalt  }
0x6a: {  	_ =	shalt  }
0x6b: {  	_ =	shalt  }
0x6c: {  	_ =	shalt  }
0x6d: {  	_ =	shalt  }
0x6e: {  	_ =	shalt  }
0x6f: {  	_ =	shalt  }
0x70: {  	_ =	shalt  }
0x71: {  	_ =	shalt  }
0x72: {  	_ =	shalt  }
0x73: {  	_ =	shalt  }
0x74: {  	_ =	shalt  }
0x75: {  	_ =	shalt  }
0x76: {  	_ =	shalt  }
0x77: {  	_ =	shalt  }
0x78: {  	_ =	shalt  }
0x79: {  	_ =	shalt  }
0x7a: {  	_ =	shalt  }
0x7b: {  	_ =	shalt  }
0x7c: {  	_ =	shalt  }
0x7d: {  	_ =	shalt  }
0x7e: {  	_ =	shalt  }
0x7f: {  	_ =	shalt  }
0x80: {  	_ =	shalt  }
0x81: {  	_ =	shalt  }
0x82: {  	_ =	shalt  }
0x83: {  	_ =	shalt  }
0x84: {  	_ =	shalt  }
0x85: {  	_ =	shalt  }
0x86: {  	_ =	shalt  }
0x87: {  	_ =	shalt  }
.Lfunc_end0:
.L_simem_size_0:
called_computation.3_lowered:
.L_overlay_start_0:
0x88: {  	s2 =	sld [smem:$0x3FD9]  }
0x89: {  	s3 =	sld [smem:$0x3FFE];
	_ =	sdelay $0x1  }
0x8a: {  	s1 =	srdreg.scid  }
0x8b: {  	s0 =	sand.u32 $0x1, s1  }
0x8c: {  	s16 =	sshll.u32 s0, $0xA;
	s2 =	sadd.s32 s3, s2  }
0x8d: {  	s2 =	sadd.s32 s2, s16  }
0x8e: {  	[smem:$0x3FB7] =	sst s2  }
0x8f: {  	_ = 	snop  }
0x90: {  	(tm) =	ssettm $0x1  }
0x91: {  	s17 =	sld [smem:$0x3FFB];
	_ =	sdelay $0x3  }
0x92: {  	_ =	strace s17  }
0x93: {  	s2 =	sld [smem:$0x3FFC];
	_ =	sdelay $0x3  }
0x94: {  	_ =	strace s2  }
0x95: {  	s2 =	sld [smem:$0x3FFD];
	_ =	sdelay $0x3  }
0x96: {  	_ =	strace s2  }
0x97: {  	_ =	strace $0x8FFFFFFF  }
0x98: {  	s18 =	sld [smem:$0x3FDB];
	_ =	sdelay $0x1  }
0x99: {  	s19 =	simm.s32 $_scs_section_size  }
0x9a: {  	s4 =	simm.s32 $_size__tile_overlayer_lowered;
	s5 =	simm.s32 $_tile_overlayer_lowered  }
0x9b: {  	s22 =	simm.s32 $0x1BFF;
	s21 =	sshll.u32 s5, $0x1;
	s2 =	sadd.s32 s19, s18  }
0x9c: {  	s6 =	simm.s32 $0x0;
	s20 =	sshll.u32 s4, $0x1;
	s4 =	sadd.s32 s21, s2  }
0x9d: {  	[timem:s6], [sflag:s22] =	dma.local [hbm:s4], s20  }
0x9e: {  	_ =	swait.ge [sflag:s22], s20  }
0x9f: {  	s3 =	ssub.s32 $0x0, s20;
	[sflag:s22] =	ssyncset.done $0x0  }
0xa0: {  	[sflag:s22] =	ssyncadd.s32 s3;
	_ =	sdelay $0x1  }
0xa1: {  	s23 =	simm.s32 $0x1B8B  }
0xa2: {  	_ =	swait.ge [sflag:s23], $0x1  }
0xa3: {  	[sflag:s23] =	ssyncset.done $0x0  }
0xa4: {  	s25 =	simm.s32 $0x1B8E;
	s24 =	sld [smem:$0x3FFE];
	[sflag:s23] =	ssyncadd.s32 $0xFFFFFFFF  }
0xa5: {  	s26 =	simm.s32 $execute0_lowered;
	[smem:$0x3FD2] =	sst s25  }
0xa6: {  	s4 =	sshll.u32 s26, $0x1;
	_ =	strace $0x8000004F;
	[dreg:$0x1] =	wrdreg $0xFFFFFFFF  }
0xa7: {  	s28 =	simm.s32 $_size_execute0_lowered;
	s2 =	sadd.s32 s2, s4;
	[dreg:$0x0] =	wrdreg $0x0  }
0xa8: {  	s4 =	sshll.u32 s28, $0x1;
	[dreg:$0x2] =	wrdreg s2  }
0xa9: {  	[dreg:$0x3] =	wrdreg s4  }
0xaa: {  	[dreg:$0x4] =	wrdreg $0xC0  }
0xab: {  	_ =	task [dreg:s6], $0x5FFFF  }
0xac: {  	[dreg:$0x1] =	wrdreg $0xFFFFFFFF  }
0xad: {  	[dreg:$0x0] =	wrdreg $0x60  }
0xae: {  	[dreg:$0x2] =	wrdreg s24  }
0xaf: {  	[dreg:$0x3] =	wrdreg $0x148200  }
0xb0: {  	[dreg:$0x4] =	wrdreg $0x198200  }
0xb1: {  	[dreg:$0x5] =	wrdreg $0x9  }
0xb2: {  	_ =	task.clear_ibuf [dreg:s6], $0x6FFFF;
	_ =	strace $0x9000004F  }
0xb3: {  	s29 =	simm.s32 $0x9;
	_ =	strace $0x80000051  }
0xb4: {  	_ =	swait.ge [sflag:s29], $0x1  }
0xb5: {  	[sflag:s29] =	ssyncadd.s32 $0xFFFFFFFF  }
0xb6: {  	_ =	strace $0x90000051  }
0xb7: {  	_ =	sfence  }
0xb8: {  	s30 =	sld [smem:$0x0];
	_ =	sdelay $0x2  }
0xb9: {  	s31 =	sshll.u32 s1, $0xD;
	s1 =	sshrl.u32 s1, $0x2  }
0xba: {  	s3 =	sand.u32 $0x4000, s31;
	s1 =	sadd.s32 s1, s30  }
0xbb: {  	s0 =	sor.u32 s3, s0;
	s1 =	sshll.u32 s1, $0x11  }
0xbc: {  	s0 =	sor.u32 s1, s0  }
0xbd: {  	s0 =	sadd.s32 $0x8F2B, s0  }
0xbe: {  	[sflag:s0] =	ssyncadd.remote.s32 $0x1  }
0xbf: {  	_ =	sfence.sel $0xFFFF  }
0xc0: {  	[dreg:$0x0] =	wrdreg $0xFFFFFFFF;
	(pc) =	sbr.abs _section_cstart, $3  }
0xc1: {  	[dreg:$0x1] =	wrdreg $0xFFFFFFFF  }
0xc2: {  	_ =	task.clear_ibuf [dreg:s6], $0x2FFFF;
	_ =	strace $0x9FFFFFFF  }
0xc3: {  	(tm) =	ssettm $0x7FFFFFFF  }
tec
execute0_lowered:
.L_overlay_start_1:
0x0: {  	(tag) =	ssettag $0x1  }
0x1: {  	s0 =	rddreg [dreg:$0x0]  }
0x2: {  	s2 =	rddreg [dreg:$0x1]  }
0x3: {  	s3 =	rddreg [dreg:$0x2];
	s4 =	srdreg.scid  }
0x4: {  	s14 =	rddreg [dreg:$0x3];
	s1 =	stileid.u32;
	s19 =	simm.s32 $0x0  }
0x5: {  	s31 =	simm.s32 $0x2710;
	s13 =	simm.s32 $0x1;
	s25 =	simm.s32 $0x7D0  }
0x6: {  	s11 =	simm.s32 $0x2;
	s26 =	simm.s32 $0x2AF8;
	s12 =	simm.s32 $0x3  }
0x7: {  	s29 =	simm.s32 $0xBB8;
	s30 =	simm.s32 $0x2EE0;
	s28 =	simm.s32 $0x32C8  }
0x8: {  	s22 =	simm.s32 $0x1770;
	s23 =	simm.s32 $0x3A98;
	p0 =	por $0x0, $0x0  }
0x9: {  	s4 =	sand.u32 $0x1, s4;
	s5 =	smul.u32 $0x5000, s1;
	[smem:$0x7FF] =	sst s19  }
0xa: {  	s20 =	sshll.u32 s1, $0x6;
	s6 =	sshll.u32 s4, $0x4;
	s7 =	smul.u32 $0x50000, s4  }
0xb: {  	_ =	strace $0x80000050;
	s4 =	ssub.s32 $0x2, s4;
	[dreg:$0xa] =	wrdreg s25  }
0xc: {  	[dreg:$0xb] =	wrdreg s26;
	s26 =	simm.s32 $0xFA0;
	s25 =	simm.s32 $0x36B0  }
0xd: {  	s6 =	sor.u32 s1, s6;
	s8 =	sshrl.u32 s5, $0x3;
	s9 =	sshrl.u32 s4, $0x1  }
0xe: {  	s17 =	sadd.s32 s5, s2;
	s6 =	smul.u32 $0x4E2, s6;
	s8 =	sadd.s32 s8, s0  }
0xf: {  	s7 =	sadd.s32 s5, s7;
	s15 =	ssub.s32 s4, s9;
	s4 =	sor.u32 $0x1C05, s20  }
0x10: {  	s5 =	sadd.s32 s5, s3;
	s9 =	simm.s32 $0x4;
	s20 =	simm.s32 $0x1B58  }
0x11: {  	s7 =	sshrl.u32 s7, $0x3;
	s16 =	sadd.s32 $0x71000, s8;
	s18 =	sadd.s32 $0x67000, s8  }
0x12: {  	s21 =	smax.u32 s15, $0x1;
	s24 =	sshrl.u32 s5, $0x3;
	s5 =	simm.s32 $0x5  }
0x13: {  	s8 =	simm.s32 $0xCB20;
	s15 =	simm.s32 $0x2328;
	[dreg:$0x4] =	wrdreg s16  }
0x14: {  	s6 =	sadd.s32 s6, s0;
	s0 =	sadd.s32 s7, s0;
	[dreg:$0x5] =	wrdreg s18  }
0x15: {  	[dreg:$0x9] =	wrdreg s24;
	s7 =	simm.s32 $0x3E8;
	p1 =	sne.s32 s21, $0x1  }
.Ltmp0:
0x16: {  	s24 =	simm.s32 $0x1388;
	s10 =	sadd.s32 $0x3400, s6;
	(pc) =	sbr.rel @!p1 .LBB2_5-.Ltmp0, $4  }
0x17: {  	s18 =	simm.s32 $0x4268;
	s6 =	sadd.s32 $0xD200, s6;
	[dreg:$0x6] =	wrdreg s10  }
0x18: {  	s16 =	simm.s32 $0x4650;
	s0 =	sadd.s32 $0x7B000, s0;
	[dreg:$0x7] =	wrdreg s6  }
0x19: {  	[dreg:$0x8] =	wrdreg s0;
	s6 =	sshrl.u32 s17, $0x3;
	s10 =	simm.s32 $0x4E20  }
0x1a: {  	s0 =	sadd.s32 $0xFFFFFFFF, s21;
	s21 =	simm.s32 $0x3E80;
	s17 =	simm.s32 $0x1F40  }
0x1b: {  	s1 =	rddreg [dreg:$0x4]  }
0x1c: {  	[spmem:s6], [sflag:s4] =	dma.local [hbm:s1], $0xA00  }
0x1d: {  	_ =	swait.ge [sflag:s5], $0xA00  }
0x1e: {  	s1 =	rddreg [dreg:$0x5];
	[sflag:s5] =	ssyncset.done $0x0  }
0x1f: {  	s14 =	smov.u32 s0;
	s0 =	rddreg [dreg:$0x9];
	[sflag:s5] =	ssyncadd.s32 $0xFFFFF600  }
0x20: {  	[spmem:s0], [sflag:s4] =	dma.local [hbm:s1], $0xA00  }
0x21: {  	_ =	swait.ge [sflag:s5], $0xA00  }
0x22: {  	[sflag:s5] =	ssyncset.done $0x0  }
0x23: {  	s1 =	rddreg [dreg:$0x6];
	[sflag:s5] =	ssyncadd.s32 $0xFFFFF600  }
0x24: {  	[tilespmem:s19], [sflag:$0x5] =	stream.linear.gather [hbm4b:s1+s19], $0x2710, $0x38;
	[tilespmem:$0x1E820] =	vst v63  }
0x25: {  	_ =	swait.ge [sflag:s5], $0x2710  }
0x26: {  	[sflag:s5] =	ssyncset.done $0x0  }
0x27: {  	s1 =	rddreg [dreg:$0x7];
	[sflag:s5] =	ssyncadd.s32 $0xFFFFD8F0  }
0x28: {  	[tilespmem:s31], [sflag:$0x5] =	stream.linear.gather [hbm4b:s1+s19], $0x2710, $0x38;
	[tilespmem:$0x1E820] =	vst v63  }
0x29: {  	_ =	swait.ge [sflag:s5], $0x2710  }
0x2a: {  	[sflag:s5] =	ssyncset.done $0x0  }
0x2b: {  	[sflag:s5] =	ssyncadd.s32 $0xFFFFD8F0  }
0x2c: {  	[bflag:$0x0] =	sbarrier.arrive $0xFFFF  }
0x2d: {  	[tilespmem:s10], [sflag:$0x1] =	stream.indirect.gather [spmem:s3], $0x20, s19, s7, $0xb8;
	[tilespmem:$0x1E820] =	vst v63  }
0x2e: {  	_ =	swait.ge [sflag:s13], $0x7D00  }
0x2f: {  	[sflag:s13] =	ssyncset.done $0x0  }
0x30: {  	[sflag:s13] =	ssyncadd.s32 $0xFFFF8300  }
0x31: {  	[tilespmem:s8], [sflag:$0x2] =	stream.indirect.gather [spmem:s3], $0x20, s7, s7, $0xb8;
	[tilespmem:$0x1E820] =	vst v63  }
0x32: {  	_ = 	snop  }
0x33: {  	[spmem:s2] =	stream.indirect.scatter.add.f32 [tilespmem:s10], [sflag:$0x3], $0x20, s31, s7, $0xb8;
	[tilespmem:$0x1E820] =	vst v63  }
0x34: {  	_ =	swait.ge [sflag:s11], $0x7D00  }
0x35: {  	[sflag:s11] =	ssyncset.done $0x0  }
0x36: {  	[sflag:s11] =	ssyncadd.s32 $0xFFFF8300  }
0x37: {  	_ =	swait.ge [sflag:s12], $0x7D00  }
0x38: {  	[sflag:s12] =	ssyncset.done $0x0  }
0x39: {  	s0 =	rddreg [dreg:$0xa];
	[sflag:s12] =	ssyncadd.s32 $0xFFFF8300  }
0x3a: {  	[tilespmem:s10], [sflag:$0x1] =	stream.indirect.gather [spmem:s3], $0x20, s0, s7, $0xb8;
	[tilespmem:$0x1E820] =	vst v63  }
0x3b: {  	s1 =	rddreg [dreg:$0xb]  }
0x3c: {  	[spmem:s2] =	stream.indirect.scatter.add.f32 [tilespmem:s8], [sflag:$0x4], $0x20, s1, s7, $0xb8;
	[tilespmem:$0x1E820] =	vst v63  }
0x3d: {  	_ =	swait.ge [sflag:s13], $0x7D00  }
0x3e: {  	[sflag:s13] =	ssyncset.done $0x0  }
0x3f: {  	[sflag:s13] =	ssyncadd.s32 $0xFFFF8300  }
0x40: {  	_ =	swait.ge [sflag:s9], $0x7D00  }
0x41: {  	[sflag:s9] =	ssyncset.done $0x0  }
0x42: {  	[sflag:s9] =	ssyncadd.s32 $0xFFFF8300  }
0x43: {  	[tilespmem:s8], [sflag:$0x2] =	stream.indirect.gather [spmem:s3], $0x20, s29, s7, $0xb8;
	[tilespmem:$0x1E820] =	vst v63  }
0x44: {  	_ = 	snop  }
0x45: {  	[spmem:s2] =	stream.indirect.scatter.add.f32 [tilespmem:s10], [sflag:$0x3], $0x20, s30, s7, $0xb8;
	[tilespmem:$0x1E820] =	vst v63  }
0x46: {  	_ =	swait.ge [sflag:s11], $0x7D00  }
0x47: {  	[sflag:s11] =	ssyncset.done $0x0  }
0x48: {  	[sflag:s11] =	ssyncadd.s32 $0xFFFF8300  }
0x49: {  	_ =	swait.ge [sflag:s12], $0x7D00  }
0x4a: {  	[sflag:s12] =	ssyncset.done $0x0  }
0x4b: {  	[sflag:s12] =	ssyncadd.s32 $0xFFFF8300  }
0x4c: {  	[tilespmem:s10], [sflag:$0x1] =	stream.indirect.gather [spmem:s3], $0x20, s26, s7, $0xb8;
	[tilespmem:$0x1E820] =	vst v63  }
0x4d: {  	_ = 	snop  }
0x4e: {  	[spmem:s2] =	stream.indirect.scatter.add.f32 [tilespmem:s8], [sflag:$0x4], $0x20, s28, s7, $0xb8;
	[tilespmem:$0x1E820] =	vst v63  }
0x4f: {  	_ =	swait.ge [sflag:s13], $0x7D00  }
0x50: {  	[sflag:s13] =	ssyncset.done $0x0  }
0x51: {  	[sflag:s13] =	ssyncadd.s32 $0xFFFF8300  }
0x52: {  	_ =	swait.ge [sflag:s9], $0x7D00  }
0x53: {  	[sflag:s9] =	ssyncset.done $0x0  }
0x54: {  	[sflag:s9] =	ssyncadd.s32 $0xFFFF8300  }
0x55: {  	[tilespmem:s8], [sflag:$0x2] =	stream.indirect.gather [spmem:s3], $0x20, s24, s7, $0xb8;
	[tilespmem:$0x1E820] =	vst v63  }
0x56: {  	_ = 	snop  }
0x57: {  	[spmem:s2] =	stream.indirect.scatter.add.f32 [tilespmem:s10], [sflag:$0x3], $0x20, s25, s7, $0xb8;
	[tilespmem:$0x1E820] =	vst v63  }
0x58: {  	_ =	swait.ge [sflag:s11], $0x7D00  }
0x59: {  	[sflag:s11] =	ssyncset.done $0x0  }
0x5a: {  	[sflag:s11] =	ssyncadd.s32 $0xFFFF8300  }
0x5b: {  	_ =	swait.ge [sflag:s12], $0x7D00  }
0x5c: {  	[sflag:s12] =	ssyncset.done $0x0  }
0x5d: {  	[sflag:s12] =	ssyncadd.s32 $0xFFFF8300  }
0x5e: {  	[tilespmem:s10], [sflag:$0x1] =	stream.indirect.gather [spmem:s3], $0x20, s22, s7, $0xb8;
	[tilespmem:$0x1E820] =	vst v63  }
0x5f: {  	_ = 	snop  }
0x60: {  	[spmem:s2] =	stream.indirect.scatter.add.f32 [tilespmem:s8], [sflag:$0x4], $0x20, s23, s7, $0xb8;
	[tilespmem:$0x1E820] =	vst v63  }
0x61: {  	_ =	swait.ge [sflag:s13], $0x7D00  }
0x62: {  	[sflag:s13] =	ssyncset.done $0x0  }
0x63: {  	[sflag:s13] =	ssyncadd.s32 $0xFFFF8300  }
0x64: {  	_ =	swait.ge [sflag:s9], $0x7D00  }
0x65: {  	[sflag:s9] =	ssyncset.done $0x0  }
0x66: {  	[sflag:s9] =	ssyncadd.s32 $0xFFFF8300  }
0x67: {  	[tilespmem:s8], [sflag:$0x2] =	stream.indirect.gather [spmem:s3], $0x20, s20, s7, $0xb8;
	[tilespmem:$0x1E820] =	vst v63  }
0x68: {  	_ = 	snop  }
0x69: {  	[spmem:s2] =	stream.indirect.scatter.add.f32 [tilespmem:s10], [sflag:$0x3], $0x20, s21, s7, $0xb8;
	[tilespmem:$0x1E820] =	vst v63  }
0x6a: {  	_ =	swait.ge [sflag:s11], $0x7D00  }
0x6b: {  	[sflag:s11] =	ssyncset.done $0x0  }
0x6c: {  	[sflag:s11] =	ssyncadd.s32 $0xFFFF8300  }
0x6d: {  	_ =	swait.ge [sflag:s12], $0x7D00  }
0x6e: {  	[sflag:s12] =	ssyncset.done $0x0  }
0x6f: {  	[sflag:s12] =	ssyncadd.s32 $0xFFFF8300  }
0x70: {  	[tilespmem:s10], [sflag:$0x1] =	stream.indirect.gather [spmem:s3], $0x20, s17, s7, $0xb8;
	[tilespmem:$0x1E820] =	vst v63  }
0x71: {  	_ = 	snop  }
0x72: {  	[spmem:s2] =	stream.indirect.scatter.add.f32 [tilespmem:s8], [sflag:$0x4], $0x20, s18, s7, $0xb8;
	[tilespmem:$0x1E820] =	vst v63  }
0x73: {  	_ =	swait.ge [sflag:s13], $0x7D00  }
0x74: {  	[sflag:s13] =	ssyncset.done $0x0  }
0x75: {  	[sflag:s13] =	ssyncadd.s32 $0xFFFF8300  }
0x76: {  	_ =	swait.ge [sflag:s9], $0x7D00  }
0x77: {  	[sflag:s9] =	ssyncset.done $0x0  }
0x78: {  	[sflag:s9] =	ssyncadd.s32 $0xFFFF8300  }
0x79: {  	[tilespmem:s8], [sflag:$0x2] =	stream.indirect.gather [spmem:s3], $0x20, s15, s7, $0xb8;
	[tilespmem:$0x1E820] =	vst v63  }
0x7a: {  	_ = 	snop  }
0x7b: {  	[spmem:s2] =	stream.indirect.scatter.add.f32 [tilespmem:s10], [sflag:$0x3], $0x20, s16, s7, $0xb8;
	[tilespmem:$0x1E820] =	vst v63  }
0x7c: {  	_ =	swait.ge [sflag:s11], $0x7D00  }
0x7d: {  	[sflag:s11] =	ssyncset.done $0x0  }
0x7e: {  	[sflag:s11] =	ssyncadd.s32 $0xFFFF8300  }
0x7f: {  	_ =	swait.ge [sflag:s12], $0x7D00  }
0x80: {  	[sflag:s12] =	ssyncset.done $0x0  }
0x81: {  	s1 =	simm.s32 $0x4A38;
	[sflag:s12] =	ssyncadd.s32 $0xFFFF8300  }
0x82: {  	[spmem:s2] =	stream.indirect.scatter.add.f32 [tilespmem:s8], [sflag:$0x4], $0x20, s1, s7, $0xb8;
	[tilespmem:$0x1E820] =	vst v63  }
0x83: {  	_ =	swait.ge [sflag:s9], $0x7D00  }
0x84: {  	p1 =	sne.s32 s14, $0x1;
	[sflag:s9] =	ssyncset.done $0x0  }
.Ltmp1:
0x85: {  	[sflag:s9] =	ssyncadd.s32 $0xFFFF8300;
	(pc) =	sbr.rel @!p1 .LBB2_2-.Ltmp1, $4  }
0x86: {  	[bflag:$0x0] =	sbarrier.arrive $0xFFFF  }
0x87: {  	s1 =	rddreg [dreg:$0x8]  }
0x88: {  	[hbm:s1], [sflag:s4] =	dma.local [spmem:s6], $0xA00  }
0x89: {  	p0 =	por $0x1, $0x1;
	s0 =	sadd.s32 $0xFFFFFFFF, s14;
	_ =	swait.ge [sflag:s5], $0xA00  }
.LBB2_3:
0x8a: {  	[sflag:s5] =	ssyncset.done $0x0  }
0x8b: {  	s1 =	rddreg [dreg:$0x4];
	[sflag:s5] =	ssyncadd.s32 $0xFFFFF600  }
0x8c: {  	[spmem:s6], [sflag:s4] =	dma.local [hbm:s1], $0xA00  }
0x8d: {  	_ =	swait.ge [sflag:s5], $0xA00  }
0x8e: {  	[sflag:s5] =	ssyncset.done $0x0;
	s1 =	rddreg [dreg:$0x5]  }
0x8f: {  	s14 =	rddreg [dreg:$0x9];
	[sflag:s5] =	ssyncadd.s32 $0xFFFFF600  }
0x90: {  	[spmem:s14], [sflag:s4] =	dma.local [hbm:s1], $0xA00  }
0x91: {  	_ =	swait.ge [sflag:s5], $0xA00  }
0x92: {  	[sflag:s5] =	ssyncset.done $0x0  }
0x93: {  	s14 =	rddreg [dreg:$0x6];
	[sflag:s5] =	ssyncadd.s32 $0xFFFFF600  }
0x94: {  	[tilespmem:s19], [sflag:$0x5] =	stream.linear.gather [hbm4b:s14+s19], $0x2710, $0x38;
	[tilespmem:$0x1E820] =	vst v63  }
0x95: {  	_ =	swait.ge [sflag:s5], $0x2710  }
0x96: {  	[sflag:s5] =	ssyncset.done $0x0  }
0x97: {  	s14 =	rddreg [dreg:$0x7];
	[sflag:s5] =	ssyncadd.s32 $0xFFFFD8F0  }
0x98: {  	[tilespmem:s31], [sflag:$0x5] =	stream.linear.gather [hbm4b:s14+s19], $0x2710, $0x38;
	[tilespmem:$0x1E820] =	vst v63  }
0x99: {  	_ =	swait.ge [sflag:s5], $0x2710  }
0x9a: {  	[sflag:s5] =	ssyncset.done $0x0  }
0x9b: {  	[sflag:s5] =	ssyncadd.s32 $0xFFFFD8F0  }
0x9c: {  	[bflag:$0x0] =	sbarrier.arrive $0xFFFF  }
0x9d: {  	[tilespmem:s10], [sflag:$0x1] =	stream.indirect.gather [spmem:s3], $0x20, s19, s7, $0xb8;
	[tilespmem:$0x1E820] =	vst v63  }
0x9e: {  	_ =	swait.ge [sflag:s13], $0x7D00  }
0x9f: {  	[sflag:s13] =	ssyncset.done $0x0  }
0xa0: {  	[sflag:s13] =	ssyncadd.s32 $0xFFFF8300  }
0xa1: {  	[tilespmem:s8], [sflag:$0x2] =	stream.indirect.gather [spmem:s3], $0x20, s7, s7, $0xb8;
	[tilespmem:$0x1E820] =	vst v63  }
0xa2: {  	_ = 	snop  }
0xa3: {  	[spmem:s2] =	stream.indirect.scatter.add.f32 [tilespmem:s10], [sflag:$0x3], $0x20, s31, s7, $0xb8;
	[tilespmem:$0x1E820] =	vst v63  }
0xa4: {  	_ =	swait.ge [sflag:s11], $0x7D00  }
0xa5: {  	[sflag:s11] =	ssyncset.done $0x0  }
0xa6: {  	[sflag:s11] =	ssyncadd.s32 $0xFFFF8300  }
0xa7: {  	_ =	swait.ge [sflag:s12], $0x7D00  }
0xa8: {  	[sflag:s12] =	ssyncset.done $0x0  }
0xa9: {  	s1 =	rddreg [dreg:$0xa];
	[sflag:s12] =	ssyncadd.s32 $0xFFFF8300  }
0xaa: {  	[tilespmem:s10], [sflag:$0x1] =	stream.indirect.gather [spmem:s3], $0x20, s1, s7, $0xb8;
	[tilespmem:$0x1E820] =	vst v63  }
0xab: {  	s14 =	rddreg [dreg:$0xb]  }
0xac: {  	[spmem:s2] =	stream.indirect.scatter.add.f32 [tilespmem:s8], [sflag:$0x4], $0x20, s14, s7, $0xb8;
	[tilespmem:$0x1E820] =	vst v63  }
0xad: {  	_ =	swait.ge [sflag:s13], $0x7D00  }
0xae: {  	[sflag:s13] =	ssyncset.done $0x0  }
0xaf: {  	[sflag:s13] =	ssyncadd.s32 $0xFFFF8300  }
0xb0: {  	_ =	swait.ge [sflag:s9], $0x7D00  }
0xb1: {  	[sflag:s9] =	ssyncset.done $0x0  }
0xb2: {  	[sflag:s9] =	ssyncadd.s32 $0xFFFF8300  }
0xb3: {  	[tilespmem:s8], [sflag:$0x2] =	stream.indirect.gather [spmem:s3], $0x20, s29, s7, $0xb8;
	[tilespmem:$0x1E820] =	vst v63  }
0xb4: {  	_ = 	snop  }
0xb5: {  	[spmem:s2] =	stream.indirect.scatter.add.f32 [tilespmem:s10], [sflag:$0x3], $0x20, s30, s7, $0xb8;
	[tilespmem:$0x1E820] =	vst v63  }
0xb6: {  	_ =	swait.ge [sflag:s11], $0x7D00  }
0xb7: {  	[sflag:s11] =	ssyncset.done $0x0  }
0xb8: {  	[sflag:s11] =	ssyncadd.s32 $0xFFFF8300  }
0xb9: {  	_ =	swait.ge [sflag:s12], $0x7D00  }
0xba: {  	[sflag:s12] =	ssyncset.done $0x0  }
0xbb: {  	[sflag:s12] =	ssyncadd.s32 $0xFFFF8300  }
0xbc: {  	[tilespmem:s10], [sflag:$0x1] =	stream.indirect.gather [spmem:s3], $0x20, s26, s7, $0xb8;
	[tilespmem:$0x1E820] =	vst v63  }
0xbd: {  	_ = 	snop  }
0xbe: {  	[spmem:s2] =	stream.indirect.scatter.add.f32 [tilespmem:s8], [sflag:$0x4], $0x20, s28, s7, $0xb8;
	[tilespmem:$0x1E820] =	vst v63  }
0xbf: {  	_ =	swait.ge [sflag:s13], $0x7D00  }
0xc0: {  	[sflag:s13] =	ssyncset.done $0x0  }
0xc1: {  	[sflag:s13] =	ssyncadd.s32 $0xFFFF8300  }
0xc2: {  	_ =	swait.ge [sflag:s9], $0x7D00  }
0xc3: {  	[sflag:s9] =	ssyncset.done $0x0  }
0xc4: {  	[sflag:s9] =	ssyncadd.s32 $0xFFFF8300  }
0xc5: {  	[tilespmem:s8], [sflag:$0x2] =	stream.indirect.gather [spmem:s3], $0x20, s24, s7, $0xb8;
	[tilespmem:$0x1E820] =	vst v63  }
0xc6: {  	_ = 	snop  }
0xc7: {  	[spmem:s2] =	stream.indirect.scatter.add.f32 [tilespmem:s10], [sflag:$0x3], $0x20, s25, s7, $0xb8;
	[tilespmem:$0x1E820] =	vst v63  }
0xc8: {  	_ =	swait.ge [sflag:s11], $0x7D00  }
0xc9: {  	[sflag:s11] =	ssyncset.done $0x0  }
0xca: {  	[sflag:s11] =	ssyncadd.s32 $0xFFFF8300  }
0xcb: {  	_ =	swait.ge [sflag:s12], $0x7D00  }
0xcc: {  	[sflag:s12] =	ssyncset.done $0x0  }
0xcd: {  	[sflag:s12] =	ssyncadd.s32 $0xFFFF8300  }
0xce: {  	[tilespmem:s10], [sflag:$0x1] =	stream.indirect.gather [spmem:s3], $0x20, s22, s7, $0xb8;
	[tilespmem:$0x1E820] =	vst v63  }
0xcf: {  	_ = 	snop  }
0xd0: {  	[spmem:s2] =	stream.indirect.scatter.add.f32 [tilespmem:s8], [sflag:$0x4], $0x20, s23, s7, $0xb8;
	[tilespmem:$0x1E820] =	vst v63  }
0xd1: {  	_ =	swait.ge [sflag:s13], $0x7D00  }
0xd2: {  	[sflag:s13] =	ssyncset.done $0x0  }
0xd3: {  	[sflag:s13] =	ssyncadd.s32 $0xFFFF8300  }
0xd4: {  	_ =	swait.ge [sflag:s9], $0x7D00  }
0xd5: {  	[sflag:s9] =	ssyncset.done $0x0  }
0xd6: {  	[sflag:s9] =	ssyncadd.s32 $0xFFFF8300  }
0xd7: {  	[tilespmem:s8], [sflag:$0x2] =	stream.indirect.gather [spmem:s3], $0x20, s20, s7, $0xb8;
	[tilespmem:$0x1E820] =	vst v63  }
0xd8: {  	_ = 	snop  }
0xd9: {  	[spmem:s2] =	stream.indirect.scatter.add.f32 [tilespmem:s10], [sflag:$0x3], $0x20, s21, s7, $0xb8;
	[tilespmem:$0x1E820] =	vst v63  }
0xda: {  	_ =	swait.ge [sflag:s11], $0x7D00  }
0xdb: {  	[sflag:s11] =	ssyncset.done $0x0  }
0xdc: {  	[sflag:s11] =	ssyncadd.s32 $0xFFFF8300  }
0xdd: {  	_ =	swait.ge [sflag:s12], $0x7D00  }
0xde: {  	[sflag:s12] =	ssyncset.done $0x0  }
0xdf: {  	[sflag:s12] =	ssyncadd.s32 $0xFFFF8300  }
0xe0: {  	[tilespmem:s10], [sflag:$0x1] =	stream.indirect.gather [spmem:s3], $0x20, s17, s7, $0xb8;
	[tilespmem:$0x1E820] =	vst v63  }
0xe1: {  	_ = 	snop  }
0xe2: {  	[spmem:s2] =	stream.indirect.scatter.add.f32 [tilespmem:s8], [sflag:$0x4], $0x20, s18, s7, $0xb8;
	[tilespmem:$0x1E820] =	vst v63  }
0xe3: {  	_ =	swait.ge [sflag:s13], $0x7D00  }
0xe4: {  	[sflag:s13] =	ssyncset.done $0x0  }
0xe5: {  	[sflag:s13] =	ssyncadd.s32 $0xFFFF8300  }
0xe6: {  	_ =	swait.ge [sflag:s9], $0x7D00  }
0xe7: {  	[sflag:s9] =	ssyncset.done $0x0  }
0xe8: {  	[sflag:s9] =	ssyncadd.s32 $0xFFFF8300  }
0xe9: {  	[tilespmem:s8], [sflag:$0x2] =	stream.indirect.gather [spmem:s3], $0x20, s15, s7, $0xb8;
	[tilespmem:$0x1E820] =	vst v63  }
0xea: {  	_ = 	snop  }
0xeb: {  	[spmem:s2] =	stream.indirect.scatter.add.f32 [tilespmem:s10], [sflag:$0x3], $0x20, s16, s7, $0xb8;
	[tilespmem:$0x1E820] =	vst v63  }
0xec: {  	_ =	swait.ge [sflag:s11], $0x7D00  }
0xed: {  	[sflag:s11] =	ssyncset.done $0x0  }
0xee: {  	[sflag:s11] =	ssyncadd.s32 $0xFFFF8300  }
0xef: {  	_ =	swait.ge [sflag:s12], $0x7D00  }
0xf0: {  	[sflag:s12] =	ssyncset.done $0x0  }
0xf1: {  	s14 =	simm.s32 $0x4A38;
	[sflag:s12] =	ssyncadd.s32 $0xFFFF8300  }
0xf2: {  	[spmem:s2] =	stream.indirect.scatter.add.f32 [tilespmem:s8], [sflag:$0x4], $0x20, s14, s7, $0xb8;
	[tilespmem:$0x1E820] =	vst v63  }
0xf3: {  	_ =	swait.ge [sflag:s9], $0x7D00  }
0xf4: {  	p1 =	sne.s32 s0, $0x1;
	[sflag:s9] =	ssyncset.done $0x0  }
.Ltmp2:
0xf5: {  	[sflag:s9] =	ssyncadd.s32 $0xFFFF8300;
	(pc) =	sbr.rel @p1 .LBB2_3-.Ltmp2, $4  }
0xf6: {  	[bflag:$0x0] =	sbarrier.arrive $0xFFFF  }
0xf7: {  	s14 =	rddreg [dreg:$0x8]  }
0xf8: {  	[hbm:s14], [sflag:s4] =	dma.local [spmem:s6], $0xA00  }
0xf9: {  	s0 =	sadd.s32 $0xFFFFFFFF, s0;
	_ =	swait.ge [sflag:s5], $0xA00  }
0xfa: {  	s14 =	rddreg [dreg:$0x3]  }
.LBB2_5:
0xfb: {  	[sflag:s5] =	ssyncset.done @p0 $0x0  }
0xfc: {  	s0 =	rddreg [dreg:$0x4];
	[sflag:s5] =	ssyncadd.s32 @p0 $0xFFFFF600  }
0xfd: {  	[spmem:s6], [sflag:s4] =	dma.local [hbm:s0], $0xA00  }
0xfe: {  	_ =	swait.ge [sflag:s5], $0xA00  }
0xff: {  	s0 =	rddreg [dreg:$0x5];
	[sflag:s5] =	ssyncset.done $0x0  }
0x100: {  	s1 =	rddreg [dreg:$0x9];
	[sflag:s5] =	ssyncadd.s32 $0xFFFFF600  }
0x101: {  	[spmem:s1], [sflag:s4] =	dma.local [hbm:s0], $0xA00  }
0x102: {  	_ =	swait.ge [sflag:s5], $0xA00  }
0x103: {  	[sflag:s5] =	ssyncset.done $0x0  }
0x104: {  	s1 =	rddreg [dreg:$0x6];
	[sflag:s5] =	ssyncadd.s32 $0xFFFFF600  }
0x105: {  	[tilespmem:s19], [sflag:$0x5] =	stream.linear.gather [hbm4b:s1+s19], $0x2710, $0x38;
	[tilespmem:$0x1E820] =	vst v63  }
0x106: {  	_ =	swait.ge [sflag:s5], $0x2710  }
0x107: {  	[sflag:s5] =	ssyncset.done $0x0  }
0x108: {  	s1 =	rddreg [dreg:$0x7];
	[sflag:s5] =	ssyncadd.s32 $0xFFFFD8F0  }
0x109: {  	[tilespmem:s31], [sflag:$0x5] =	stream.linear.gather [hbm4b:s1+s19], $0x2710, $0x38;
	[tilespmem:$0x1E820] =	vst v63  }
0x10a: {  	_ =	swait.ge [sflag:s5], $0x2710  }
0x10b: {  	[sflag:s5] =	ssyncset.done $0x0  }
0x10c: {  	[sflag:s5] =	ssyncadd.s32 $0xFFFFD8F0  }
0x10d: {  	[bflag:$0x0] =	sbarrier.arrive $0xFFFF  }
0x10e: {  	[tilespmem:s10], [sflag:$0x1] =	stream.indirect.gather [spmem:s3], $0x20, s19, s7, $0xb8;
	[tilespmem:$0x1E820] =	vst v63  }
0x10f: {  	_ =	swait.ge [sflag:s13], $0x7D00  }
0x110: {  	[sflag:s13] =	ssyncset.done $0x0  }
0x111: {  	[sflag:s13] =	ssyncadd.s32 $0xFFFF8300  }
0x112: {  	[tilespmem:s8], [sflag:$0x2] =	stream.indirect.gather [spmem:s3], $0x20, s7, s7, $0xb8;
	[tilespmem:$0x1E820] =	vst v63  }
0x113: {  	_ = 	snop  }
0x114: {  	[spmem:s2] =	stream.indirect.scatter.add.f32 [tilespmem:s10], [sflag:$0x3], $0x20, s31, s7, $0xb8;
	[tilespmem:$0x1E820] =	vst v63  }
0x115: {  	_ =	swait.ge [sflag:s11], $0x7D00  }
0x116: {  	[sflag:s11] =	ssyncset.done $0x0  }
0x117: {  	[sflag:s11] =	ssyncadd.s32 $0xFFFF8300  }
0x118: {  	_ =	swait.ge [sflag:s12], $0x7D00  }
0x119: {  	[sflag:s12] =	ssyncset.done $0x0  }
0x11a: {  	s1 =	rddreg [dreg:$0xa];
	[sflag:s12] =	ssyncadd.s32 $0xFFFF8300  }
0x11b: {  	[tilespmem:s10], [sflag:$0x1] =	stream.indirect.gather [spmem:s3], $0x20, s1, s7, $0xb8;
	[tilespmem:$0x1E820] =	vst v63  }
0x11c: {  	s19 =	rddreg [dreg:$0xb]  }
0x11d: {  	[spmem:s2] =	stream.indirect.scatter.add.f32 [tilespmem:s8], [sflag:$0x4], $0x20, s19, s7, $0xb8;
	[tilespmem:$0x1E820] =	vst v63  }
0x11e: {  	_ =	swait.ge [sflag:s13], $0x7D00  }
0x11f: {  	[sflag:s13] =	ssyncset.done $0x0  }
0x120: {  	[sflag:s13] =	ssyncadd.s32 $0xFFFF8300  }
0x121: {  	_ =	swait.ge [sflag:s9], $0x7D00  }
0x122: {  	[sflag:s9] =	ssyncset.done $0x0  }
0x123: {  	[sflag:s9] =	ssyncadd.s32 $0xFFFF8300  }
0x124: {  	[tilespmem:s8], [sflag:$0x2] =	stream.indirect.gather [spmem:s3], $0x20, s29, s7, $0xb8;
	[tilespmem:$0x1E820] =	vst v63  }
0x125: {  	_ = 	snop  }
0x126: {  	[spmem:s2] =	stream.indirect.scatter.add.f32 [tilespmem:s10], [sflag:$0x3], $0x20, s30, s7, $0xb8;
	[tilespmem:$0x1E820] =	vst v63  }
0x127: {  	_ =	swait.ge [sflag:s11], $0x7D00  }
0x128: {  	[sflag:s11] =	ssyncset.done $0x0  }
0x129: {  	[sflag:s11] =	ssyncadd.s32 $0xFFFF8300  }
0x12a: {  	_ =	swait.ge [sflag:s12], $0x7D00  }
0x12b: {  	[sflag:s12] =	ssyncset.done $0x0  }
0x12c: {  	[sflag:s12] =	ssyncadd.s32 $0xFFFF8300  }
0x12d: {  	[tilespmem:s10], [sflag:$0x1] =	stream.indirect.gather [spmem:s3], $0x20, s26, s7, $0xb8;
	[tilespmem:$0x1E820] =	vst v63  }
0x12e: {  	_ = 	snop  }
0x12f: {  	[spmem:s2] =	stream.indirect.scatter.add.f32 [tilespmem:s8], [sflag:$0x4], $0x20, s28, s7, $0xb8;
	[tilespmem:$0x1E820] =	vst v63  }
0x130: {  	_ =	swait.ge [sflag:s13], $0x7D00  }
0x131: {  	[sflag:s13] =	ssyncset.done $0x0  }
0x132: {  	[sflag:s13] =	ssyncadd.s32 $0xFFFF8300  }
0x133: {  	_ =	swait.ge [sflag:s9], $0x7D00  }
0x134: {  	[sflag:s9] =	ssyncset.done $0x0  }
0x135: {  	[sflag:s9] =	ssyncadd.s32 $0xFFFF8300  }
0x136: {  	[tilespmem:s8], [sflag:$0x2] =	stream.indirect.gather [spmem:s3], $0x20, s24, s7, $0xb8;
	[tilespmem:$0x1E820] =	vst v63  }
0x137: {  	_ = 	snop  }
0x138: {  	[spmem:s2] =	stream.indirect.scatter.add.f32 [tilespmem:s10], [sflag:$0x3], $0x20, s25, s7, $0xb8;
	[tilespmem:$0x1E820] =	vst v63  }
0x139: {  	_ =	swait.ge [sflag:s11], $0x7D00  }
0x13a: {  	[sflag:s11] =	ssyncset.done $0x0  }
0x13b: {  	[sflag:s11] =	ssyncadd.s32 $0xFFFF8300  }
0x13c: {  	_ =	swait.ge [sflag:s12], $0x7D00  }
0x13d: {  	[sflag:s12] =	ssyncset.done $0x0  }
0x13e: {  	[sflag:s12] =	ssyncadd.s32 $0xFFFF8300  }
0x13f: {  	[tilespmem:s10], [sflag:$0x1] =	stream.indirect.gather [spmem:s3], $0x20, s22, s7, $0xb8;
	[tilespmem:$0x1E820] =	vst v63  }
0x140: {  	_ = 	snop  }
0x141: {  	[spmem:s2] =	stream.indirect.scatter.add.f32 [tilespmem:s8], [sflag:$0x4], $0x20, s23, s7, $0xb8;
	[tilespmem:$0x1E820] =	vst v63  }
0x142: {  	_ =	swait.ge [sflag:s13], $0x7D00  }
0x143: {  	[sflag:s13] =	ssyncset.done $0x0  }
0x144: {  	[sflag:s13] =	ssyncadd.s32 $0xFFFF8300  }
0x145: {  	_ =	swait.ge [sflag:s9], $0x7D00  }
0x146: {  	[sflag:s9] =	ssyncset.done $0x0  }
0x147: {  	[sflag:s9] =	ssyncadd.s32 $0xFFFF8300  }
0x148: {  	[tilespmem:s8], [sflag:$0x2] =	stream.indirect.gather [spmem:s3], $0x20, s20, s7, $0xb8;
	[tilespmem:$0x1E820] =	vst v63  }
0x149: {  	_ = 	snop  }
0x14a: {  	[spmem:s2] =	stream.indirect.scatter.add.f32 [tilespmem:s10], [sflag:$0x3], $0x20, s21, s7, $0xb8;
	[tilespmem:$0x1E820] =	vst v63  }
0x14b: {  	_ =	swait.ge [sflag:s11], $0x7D00  }
0x14c: {  	[sflag:s11] =	ssyncset.done $0x0  }
0x14d: {  	[sflag:s11] =	ssyncadd.s32 $0xFFFF8300  }
0x14e: {  	_ =	swait.ge [sflag:s12], $0x7D00  }
0x14f: {  	[sflag:s12] =	ssyncset.done $0x0  }
0x150: {  	[sflag:s12] =	ssyncadd.s32 $0xFFFF8300  }
0x151: {  	[tilespmem:s10], [sflag:$0x1] =	stream.indirect.gather [spmem:s3], $0x20, s17, s7, $0xb8;
	[tilespmem:$0x1E820] =	vst v63  }
0x152: {  	_ = 	snop  }
0x153: {  	[spmem:s2] =	stream.indirect.scatter.add.f32 [tilespmem:s8], [sflag:$0x4], $0x20, s18, s7, $0xb8;
	[tilespmem:$0x1E820] =	vst v63  }
0x154: {  	_ =	swait.ge [sflag:s13], $0x7D00  }
0x155: {  	[sflag:s13] =	ssyncset.done $0x0  }
0x156: {  	[sflag:s13] =	ssyncadd.s32 $0xFFFF8300  }
0x157: {  	_ =	swait.ge [sflag:s9], $0x7D00  }
0x158: {  	[sflag:s9] =	ssyncset.done $0x0  }
0x159: {  	[sflag:s9] =	ssyncadd.s32 $0xFFFF8300  }
0x15a: {  	[tilespmem:s8], [sflag:$0x2] =	stream.indirect.gather [spmem:s3], $0x20, s15, s7, $0xb8;
	[tilespmem:$0x1E820] =	vst v63  }
0x15b: {  	_ = 	snop  }
0x15c: {  	[spmem:s2] =	stream.indirect.scatter.add.f32 [tilespmem:s10], [sflag:$0x3], $0x20, s16, s7, $0xb8;
	[tilespmem:$0x1E820] =	vst v63  }
0x15d: {  	_ =	swait.ge [sflag:s11], $0x7D00  }
0x15e: {  	[sflag:s11] =	ssyncset.done $0x0  }
0x15f: {  	[sflag:s11] =	ssyncadd.s32 $0xFFFF8300  }
0x160: {  	_ =	swait.ge [sflag:s12], $0x7D00  }
0x161: {  	[sflag:s12] =	ssyncset.done $0x0  }
0x162: {  	s29 =	simm.s32 $0x4A38;
	[sflag:s12] =	ssyncadd.s32 $0xFFFF8300  }
0x163: {  	[spmem:s2] =	stream.indirect.scatter.add.f32 [tilespmem:s8], [sflag:$0x4], $0x20, s29, s7, $0xb8;
	[tilespmem:$0x1E820] =	vst v63  }
0x164: {  	_ =	swait.ge [sflag:s9], $0x7D00  }
0x165: {  	[sflag:s9] =	ssyncset.done $0x0  }
0x166: {  	[sflag:s9] =	ssyncadd.s32 $0xFFFF8300  }
0x167: {  	[bflag:$0x0] =	sbarrier.arrive $0xFFFF  }
0x168: {  	s30 =	rddreg [dreg:$0x8]  }
0x169: {  	[hbm:s30], [sflag:s4] =	dma.local [spmem:s6], $0xA00  }
0x16a: {  	_ =	swait.ge [sflag:s5], $0xA00  }
0x16b: {  	[sflag:s5] =	ssyncset.done $0x0  }
0x16c: {  	[sflag:s5] =	ssyncadd.s32 $0xFFFFF600  }
0x16d: {  	_ =	sfence.sel $0x180000  }
0x16e: {  	s31 =	stileid.u32;
	[bflag:$0x0] =	sbarrier.arrive $0xFFFF  }
0x16f: {  	p0 =	sne.s32 s31, $0x0;
	_ =	strace $0x90000050  }
0x170: {  	s0 =	sadd.s32 @!p0 $0x100000, s14;
	[bflag:$0x2] =	sbarrier.arrive $0xFFFF  }
0x171: {  	[sflag:s0] =	ssyncadd.tile.s32 @!p0 $0x1;
	_ =	shalt  }
.LBB2_2:
.Ltmp3:
0x172: {  	(pc) =	sbr.rel .LBB2_5-.Ltmp3, $2  }
0x173: {  	_ =	sdelay $0x2  }
0x174: {  	s14 =	rddreg [dreg:$0x3]  }
.Lfunc_end2:
_tile_overlayer_lowered:
.L_overlay_start_2:
0x175: {  	(tag) =	ssettag $0x2  }
0x176: {  	s0 =	rddreg [dreg:$0x0];
	s2 =	stileid.u32  }
0x177: {  	s1 =	rddreg [dreg:$0x1];
	p0 =	sne.s32 s2, $0x0  }
0x178: {  	s3 =	rddreg [dreg:$0x2];
	[bflag:$0x3] =	sbarrier.arrive $0xFFFF;
	s2 =	simm.s32 @!p0 $0x1C05  }
0x179: {  	[timem:s3], [sflag:s2] =	dma.local @!p0 [hbm:s0], s1  }
0x17a: {  	s0 =	simm.s32 @!p0 $0x5  }
0x17b: {  	_ =	swait.ge @!p0 [sflag:s0], s1  }
0x17c: {  	s1 =	ssub.s32 @!p0 $0x0, s1;
	[sflag:s0] =	ssyncset.done @!p0 $0x0  }
0x17d: {  	[sflag:s0] =	ssyncadd.s32 @!p0 s1  }
0x17e: {  	[bflag:$0x3] =	sbarrier.arrive $0xFFFF  }
0x17f: {  	_ =	shalt  }

</sc_bundles>
